<compile_context>
chip_gen: v7x
topology: tpu7x:2x2x1
jax: 0.10.2.dev20260603
libtpu: 0.0.44.dev20260713+nightly
codegen_flags: <defaults>
</compile_context>

<pallas_src>
import functools

import jax
import jax.numpy as jnp
from jax import lax
from jax.experimental import pallas as pl
from jax.experimental.pallas import tpu as pltpu
from jax.experimental.pallas import tpu_sc as plsc

D_MODEL = 4096
E = 64
K = 8
BLK = 512
NC, NS, L = 2, 16, 16
NW = NC * NS


def _gate_body(t_ref, x_ref, wt_ref, b_ref, logits_ref):
    logits = jnp.dot(x_ref[...], wt_ref[...], preferred_element_type=jnp.float32)
    logits_ref[...] = (logits + b_ref[...]) / t_ref[0]


def _gate(xf, wt, b2, t, N):
    return pl.pallas_call(
        _gate_body,
        grid=(N // BLK,),
        in_specs=[
            pl.BlockSpec(memory_space=pltpu.SMEM),
            pl.BlockSpec((BLK, D_MODEL), lambda i: (i, 0)),
            pl.BlockSpec((D_MODEL, E), lambda i: (0, 0)),
            pl.BlockSpec((1, E), lambda i: (0, 0)),
        ],
        out_specs=pl.BlockSpec((BLK, E), lambda i: (i, 0)),
        out_shape=jax.ShapeDtypeStruct((N, E), jnp.float32),
    )(t, xf, wt, b2)


def _route_sc(logits_flat, N):
    rows_w = N // NW
    mesh = plsc.VectorSubcoreMesh(core_axis_name="c", subcore_axis_name="s")

    @functools.partial(
        pl.kernel,
        mesh=mesh,
        compiler_params=pltpu.CompilerParams(needs_layout_passes=False),
        out_type=(
            jax.ShapeDtypeStruct((N * K,), jnp.int32),
            jax.ShapeDtypeStruct((NW, E), jnp.float32),
        ),
        scratch_types=[
            pltpu.VMEM((rows_w * E,), jnp.float32),
            pltpu.VMEM((rows_w * K + L,), jnp.int32),
            pltpu.VMEM((E,), jnp.float32),
            pltpu.SemaphoreType.DMA,
            pltpu.SemaphoreType.DMA,
        ],
    )
    def route(logits_hbm, idx_hbm, hist_hbm, slab, idxs, hist, sem0, sem1):
        wid = lax.axis_index("s") * NC + lax.axis_index("c")
        base = wid * rows_w
        half = rows_w * E // 2
        cp0 = pltpu.async_copy(
            logits_hbm.at[pl.ds(base * E, half)], slab.at[pl.ds(0, half)], sem0
        )
        cp1 = pltpu.async_copy(
            logits_hbm.at[pl.ds(base * E + half, half)],
            slab.at[pl.ds(half, half)],
            sem1,
        )
        zeros16 = jnp.zeros((L,), jnp.float32)
        for i in range(E // L):
            hist[pl.ds(i * L, L)] = zeros16
        lanes = lax.iota(jnp.int32, L)
        ones16 = jnp.ones((L,), jnp.float32)
        lane0 = lanes == 0
        first8 = lanes < K

        def merge(ak, ai, bk, bi):
            rbk = lax.rev(bk, (0,))
            rbi = lax.rev(bi, (0,))
            ge = ak >= rbk
            return jnp.where(ge, ak, rbk), jnp.where(ge, ai, rbi)

        def top8(off):
            sk, si = [], []
            for q in range(4):
                kq = slab[pl.ds(off + q * L, L)]
                a, b = plsc.sort_key_val(kq, lanes + q * L, descending=True)
                sk.append(a)
                si.append(b)
            m01k, m01i = merge(sk[0], si[0], sk[1], si[1])
            m23k, m23i = merge(sk[2], si[2], sk[3], si[3])
            t01k, t01i = plsc.sort_key_val(m01k, m01i, descending=True)
            t23k, t23i = plsc.sort_key_val(m23k, m23i, descending=True)
            fk, fi = merge(t01k, t01i, t23k, t23i)
            _, top_i = plsc.sort_key_val(fk, fi, descending=True)
            return top_i

        UNROLL = 8

        def rows(g, carry):
            r = g * UNROLL
            tops = [top8((r + u) * E) for u in range(UNROLL)]
            for u in range(UNROLL):
                plsc.store_compressed(
                    idxs.at[pl.ds((r + u) * K, L)], tops[u], mask=first8
                )
                plsc.addupdate_scatter(hist, [tops[u]], ones16, mask=lane0)
            return carry

        cp0.wait()
        lax.fori_loop(0, rows_w // (2 * UNROLL), rows, 0)
        cp1.wait()
        lax.fori_loop(rows_w // (2 * UNROLL), rows_w // UNROLL, rows, 0)
        pltpu.sync_copy(
            idxs.at[pl.ds(0, rows_w * K)], idx_hbm.at[pl.ds(base * K, rows_w * K)]
        )
        pltpu.sync_copy(hist, hist_hbm.at[wid])

    return route(logits_flat)


def _loss_body(n_tokens, hist_ref, loss_ref):
    counts = jnp.sum(hist_ref[...], axis=0)
    actual = counts / n_tokens + 1e-8
    actual = actual / jnp.sum(actual)
    u = 1.0 / E
    kl = jnp.sum(u * (jnp.log(u) - jnp.log(actual)))
    loss_ref[...] = jnp.full((1, 1), 0.1 * kl, dtype=jnp.float32)


def _loss(hist, N):
    return pl.pallas_call(
        functools.partial(_loss_body, N),
        out_shape=jax.ShapeDtypeStruct((1, 1), jnp.float32),
    )(hist)


def kernel(x, W, b, gate_temperature):
    B, S, D = x.shape
    N = B * S
    xf = x.reshape(N, D)
    logits = _gate(xf, W.T, b.reshape(1, E), gate_temperature, N)
    idxs_flat, hist = _route_sc(logits.reshape(N * E), N)
    loss = _loss(hist, N)
    return logits, idxs_flat.reshape(N, K), loss.reshape(())

# --- scband reference (transcript-rebuilt; emitter-appended) ---
"""Pipeline reference for scband-self-balancing-expert-router-4252017623356 (READ-ONLY COPY).

The authoritative reference and input builder live on the scoring server;
editing this copy changes nothing except your own understanding.
"""

import jax, jax.numpy as jnp
import numpy as np

D_MODEL = 4096
NUM_EXPERTS = 64
TOP_K = 8


def setup_inputs(seed: int = 0) -> dict:
    key = jax.random.key(seed)
    k1, k2, k3 = jax.random.split(key, 3)
    x = jax.random.normal(k1, (4, 4096, D_MODEL), dtype=jnp.float32)
    # nn.Linear(d_model, num_experts): weight [E, D], bias [E]
    bound = 1.0 / np.sqrt(D_MODEL)
    W = jax.random.uniform(k2, (NUM_EXPERTS, D_MODEL), dtype=jnp.float32, minval=-bound, maxval=bound)
    b = jax.random.uniform(k3, (NUM_EXPERTS,), dtype=jnp.float32, minval=-bound, maxval=bound)
    gate_temperature = jnp.ones((1,), dtype=jnp.float32)
    return {"x": x, "W": W, "b": b, "gate_temperature": gate_temperature}


def reference(x, W, b, gate_temperature):
    B, S, D = x.shape
    x_flat = x.reshape(-1, D)
    N = x_flat.shape[0]
    gate_logits = x_flat @ W.T + b
    tempered_logits = gate_logits / gate_temperature
    expert_weights = jax.nn.softmax(tempered_logits, axis=-1)
    k = min(TOP_K, NUM_EXPERTS)
    top_k_weights, top_k_indices = jax.lax.top_k(expert_weights, k)
    # normalization of top_k_weights happens in torch but the normalized weights are not returned
    top_k_weights = top_k_weights / (jnp.sum(top_k_weights, axis=-1, keepdims=True) + 1e-08)
    first_expert_indices = top_k_indices[:, 0]
    # load balance loss (expert_counts start at zero, total_tokens becomes N on first call)
    expert_usage = jnp.bincount(first_expert_indices, length=NUM_EXPERTS).astype(jnp.float32)
    uniform_dist = jnp.ones((NUM_EXPERTS,), dtype=jnp.float32) / NUM_EXPERTS
    actual_dist = expert_usage / N
    actual_dist = actual_dist + 1e-08
    actual_dist = actual_dist / jnp.sum(actual_dist)
    # F.kl_div(log(actual), uniform, reduction='sum') = sum(u * (log u - log actual))
    kl_div = jnp.sum(uniform_dist * (jnp.log(uniform_dist) - jnp.log(actual_dist)))
    load_balance_loss = 0.1 * kl_div
    return (tempered_logits, top_k_indices, load_balance_loss)

if __name__ == "__main__":
    import jax
    _d = setup_inputs()
    print(jax.jit(kernel)(*tuple(_d.values())))

</pallas_src>

<mosaic_0001>
#map = affine_map<(d0, d1) -> (0)>
#map1 = affine_map<(d0, d1) -> (0, 0)>
module attributes {stable_mosaic.version = 14 : i64} {
  func.func @route(%arg0: i32, %arg1: i32, %arg2: memref<1048576xf32, #tpu.memory_space<hbm>>, %arg3: memref<131072xi32, #tpu.memory_space<hbm>>, %arg4: memref<32x64xf32, #tpu.memory_space<hbm>>, %arg5: memref<32768xf32, #tpu.memory_space<vmem>>, %arg6: memref<4112xi32, #tpu.memory_space<vmem>>, %arg7: memref<64xf32, #tpu.memory_space<vmem>>, %arg8: memref<!tpu.dma_semaphore, #tpu.memory_space<semaphore_mem>>, %arg9: memref<!tpu.dma_semaphore, #tpu.memory_space<semaphore_mem>>) attributes {dimension_semantics = [#tpu.dimension_semantics<core_parallel>, #tpu.dimension_semantics<subcore_parallel>], iteration_bounds = array<i64: 2, 16>, scalar_prefetch = 0 : i64, scratch_operands = 5 : i64, tpu.core_type = #tpu.core_type<sc_vector_subcore>, window_params = [{transform_indices = #map}, {transform_indices = #map}, {transform_indices = #map1}]} {
    %mul3A = arith.constant 2 : i32
    %mul3A_0 = arith.muli %arg1, %mul3A : i32
    %add3A = arith.addi %mul3A_0, %arg0 : i32
    %mul3A_1 = arith.constant 512 : i32
    %mul3A_2 = arith.muli %add3A, %mul3A_1 : i32
    %mul3A_3 = arith.constant 64 : i32
    %mul3A_4 = arith.muli %mul3A_2, %mul3A_3 : i32
    %dma_start3A = arith.constant 0 : i32
    %dma_start3A_5 = tpu.memref_slice %arg5[%dma_start3A] : memref<32768xf32, #tpu.memory_space<vmem>> -> memref<16384xf32, #tpu.memory_space<vmem>>
    %dma_start3A_6 = tpu.memref_slice %arg2[%mul3A_4] : memref<1048576xf32, #tpu.memory_space<hbm>> -> memref<16384xf32, #tpu.memory_space<hbm>>
    %dma_start3A_7 = arith.constant 0 : i32
    %dma_start3A_8 = tpu.memref_slice %arg5[%dma_start3A_7] : memref<32768xf32, #tpu.memory_space<vmem>> -> memref<16384xf32, #tpu.memory_space<vmem>>
    %dma_start3A_9 = tpu.memref_slice %arg2[%mul3A_4] : memref<1048576xf32, #tpu.memory_space<hbm>> -> memref<16384xf32, #tpu.memory_space<hbm>>
    tpu.enqueue_dma source(%dma_start3A_9 : memref<16384xf32, #tpu.memory_space<hbm>>) target(%dma_start3A_8 : memref<16384xf32, #tpu.memory_space<vmem>>) target_semaphore(%arg8 : memref<!tpu.dma_semaphore, #tpu.memory_space<semaphore_mem>>)
    %mul3A_10 = arith.constant 64 : i32
    %mul3A_11 = arith.muli %mul3A_2, %mul3A_10 : i32
    %add3A_12 = arith.constant 16384 : i32
    %add3A_13 = arith.addi %mul3A_11, %add3A_12 : i32
    %dma_start3A_14 = arith.constant 16384 : i32
    %dma_start3A_15 = tpu.memref_slice %arg5[%dma_start3A_14] : memref<32768xf32, #tpu.memory_space<vmem>> -> memref<16384xf32, #tpu.memory_space<vmem>>
    %dma_start3A_16 = tpu.memref_slice %arg2[%add3A_13] : memref<1048576xf32, #tpu.memory_space<hbm>> -> memref<16384xf32, #tpu.memory_space<hbm>>
    %dma_start3A_17 = arith.constant 16384 : i32
    %dma_start3A_18 = tpu.memref_slice %arg5[%dma_start3A_17] : memref<32768xf32, #tpu.memory_space<vmem>> -> memref<16384xf32, #tpu.memory_space<vmem>>
    %dma_start3A_19 = tpu.memref_slice %arg2[%add3A_13] : memref<1048576xf32, #tpu.memory_space<hbm>> -> memref<16384xf32, #tpu.memory_space<hbm>>
    tpu.enqueue_dma source(%dma_start3A_19 : memref<16384xf32, #tpu.memory_space<hbm>>) target(%dma_start3A_18 : memref<16384xf32, #tpu.memory_space<vmem>>) target_semaphore(%arg9 : memref<!tpu.dma_semaphore, #tpu.memory_space<semaphore_mem>>)
    %broadcast_in_dim3A = arith.constant 0.000000e+00 : f32
    %broadcast_in_dim3A_20 = vector.broadcast %broadcast_in_dim3A : f32 to vector<16xf32>
    %swap3A = arith.constant 0 : index
    %swap3A_21 = tpu.vector_load %arg7[%swap3A] {strides = array<i32>} : memref<64xf32, #tpu.memory_space<vmem>>, vector<16xf32>,
    tpu.vector_store %arg7[%swap3A], %broadcast_in_dim3A_20 {strides = array<i32>} : memref<64xf32, #tpu.memory_space<vmem>>, vector<16xf32>,
    %swap3A_22 = arith.constant 16 : index
    %swap3A_23 = tpu.vector_load %arg7[%swap3A_22] {strides = array<i32>} : memref<64xf32, #tpu.memory_space<vmem>>, vector<16xf32>,
    tpu.vector_store %arg7[%swap3A_22], %broadcast_in_dim3A_20 {strides = array<i32>} : memref<64xf32, #tpu.memory_space<vmem>>, vector<16xf32>,
    %swap3A_24 = arith.constant 32 : index
    %swap3A_25 = tpu.vector_load %arg7[%swap3A_24] {strides = array<i32>} : memref<64xf32, #tpu.memory_space<vmem>>, vector<16xf32>,
    tpu.vector_store %arg7[%swap3A_24], %broadcast_in_dim3A_20 {strides = array<i32>} : memref<64xf32, #tpu.memory_space<vmem>>, vector<16xf32>,
    %swap3A_26 = arith.constant 48 : index
    %swap3A_27 = tpu.vector_load %arg7[%swap3A_26] {strides = array<i32>} : memref<64xf32, #tpu.memory_space<vmem>>, vector<16xf32>,
    tpu.vector_store %arg7[%swap3A_26], %broadcast_in_dim3A_20 {strides = array<i32>} : memref<64xf32, #tpu.memory_space<vmem>>, vector<16xf32>,
    %iota3A = tpu.iota {dimensions = array<i32: 0>} : vector<16xi32>
    %broadcast_in_dim3A_28 = arith.constant 1.000000e+00 : f32
    %broadcast_in_dim3A_29 = vector.broadcast %broadcast_in_dim3A_28 : f32 to vector<16xf32>
    %eq3A = arith.constant 0 : i32
    %eq3A_30 = vector.broadcast %eq3A : i32 to vector<16xi32>
    %eq3A_31 = arith.cmpi eq, %iota3A, %eq3A_30 : vector<16xi32>
    %lt3A = arith.constant 8 : i32
    %lt3A_32 = vector.broadcast %lt3A : i32 to vector<16xi32>
    %lt3A_33 = arith.cmpi slt, %iota3A, %lt3A_32 : vector<16xi32>
    %dma_wait3A = arith.constant 0 : i32
    %dma_wait3A_34 = tpu.memref_slice %arg5[%dma_wait3A] : memref<32768xf32, #tpu.memory_space<vmem>> -> memref<16384xf32, #tpu.memory_space<vmem>>
    %dma_wait3A_35 = tpu.memref_slice %arg2[%mul3A_4] : memref<1048576xf32, #tpu.memory_space<hbm>> -> memref<16384xf32, #tpu.memory_space<hbm>>
    %dma_wait3A_36 = arith.constant 0 : i32
    %dma_wait3A_37 = tpu.memref_slice %arg5[%dma_wait3A_36] : memref<32768xf32, #tpu.memory_space<vmem>> -> memref<16384xf32, #tpu.memory_space<vmem>>
    %dma_wait3A_38 = tpu.memref_slice %arg2[%mul3A_4] : memref<1048576xf32, #tpu.memory_space<hbm>> -> memref<16384xf32, #tpu.memory_space<hbm>>
    tpu.wait_dma2 semaphore(%arg8 : memref<!tpu.dma_semaphore, #tpu.memory_space<semaphore_mem>>) src(%dma_wait3A_38 : memref<16384xf32, #tpu.memory_space<hbm>>) dst(%dma_wait3A_37 : memref<16384xf32, #tpu.memory_space<vmem>>)
    %scan3A = arith.constant 0 : i32
    %scan3A_39 = arith.constant 0 : i32
    %scan3A_40 = arith.constant 32 : i32
    %scan3A_41 = arith.addi %scan3A_39, %scan3A_40 : i32
    %scan3A_42 = arith.constant 1 : i32
    scf.for %scan3A_58 = %scan3A_39 to %scan3A_41 step %scan3A_42  : i32 {
      %mul3A_59 = arith.constant 8 : i32
      %mul3A_60 = arith.muli %scan3A_58, %mul3A_59 : i32
      %add3A_61 = arith.constant 0 : i32
      %add3A_62 = arith.addi %mul3A_60, %add3A_61 : i32
      %mul3A_63 = arith.constant 64 : i32
      %mul3A_64 = arith.muli %add3A_62, %mul3A_63 : i32
      %add3A_65 = arith.constant 0 : i32
      %add3A_66 = arith.addi %mul3A_64, %add3A_65 : i32
      %get3A = arith.index_cast %add3A_66 : i32 to index
      %get3A_67 = tpu.vector_load %arg5[%get3A] {strides = array<i32>} : memref<32768xf32, #tpu.memory_space<vmem>>, vector<16xf32>,
      %add3A_68 = arith.constant 0 : i32
      %add3A_69 = vector.broadcast %add3A_68 : i32 to vector<16xi32>
      %add3A_70 = arith.addi %iota3A, %add3A_69 : vector<16xi32>
      %masked_sort3A = arith.constant dense<true> : vector<16xi1>
      %masked_sort3A_71, %masked_sort3A_72, %masked_sort3A_73 = tpu.sort %get3A_67, %add3A_70 masked %masked_sort3A {descending = true} : (vector<16xf32>, vector<16xi32>, vector<16xi1>) -> (vector<16xi1>, vector<16xf32>, vector<16xi32>)
      %add3A_74 = arith.constant 16 : i32
      %add3A_75 = arith.addi %mul3A_64, %add3A_74 : i32
      %get3A_76 = arith.index_cast %add3A_75 : i32 to index
      %get3A_77 = tpu.vector_load %arg5[%get3A_76] {strides = array<i32>} : memref<32768xf32, #tpu.memory_space<vmem>>, vector<16xf32>,
      %add3A_78 = arith.constant 16 : i32
      %add3A_79 = vector.broadcast %add3A_78 : i32 to vector<16xi32>
      %add3A_80 = arith.addi %iota3A, %add3A_79 : vector<16xi32>
      %masked_sort3A_81 = arith.constant dense<true> : vector<16xi1>
      %masked_sort3A_82, %masked_sort3A_83, %masked_sort3A_84 = tpu.sort %get3A_77, %add3A_80 masked %masked_sort3A_81 {descending = true} : (vector<16xf32>, vector<16xi32>, vector<16xi1>) -> (vector<16xi1>, vector<16xf32>, vector<16xi32>)
      %add3A_85 = arith.constant 32 : i32
      %add3A_86 = arith.addi %mul3A_64, %add3A_85 : i32
      %get3A_87 = arith.index_cast %add3A_86 : i32 to index
      %get3A_88 = tpu.vector_load %arg5[%get3A_87] {strides = array<i32>} : memref<32768xf32, #tpu.memory_space<vmem>>, vector<16xf32>,
      %add3A_89 = arith.constant 32 : i32
      %add3A_90 = vector.broadcast %add3A_89 : i32 to vector<16xi32>
      %add3A_91 = arith.addi %iota3A, %add3A_90 : vector<16xi32>
      %masked_sort3A_92 = arith.constant dense<true> : vector<16xi1>
      %masked_sort3A_93, %masked_sort3A_94, %masked_sort3A_95 = tpu.sort %get3A_88, %add3A_91 masked %masked_sort3A_92 {descending = true} : (vector<16xf32>, vector<16xi32>, vector<16xi1>) -> (vector<16xi1>, vector<16xf32>, vector<16xi32>)
      %add3A_96 = arith.constant 48 : i32
      %add3A_97 = arith.addi %mul3A_64, %add3A_96 : i32
      %get3A_98 = arith.index_cast %add3A_97 : i32 to index
      %get3A_99 = tpu.vector_load %arg5[%get3A_98] {strides = array<i32>} : memref<32768xf32, #tpu.memory_space<vmem>>, vector<16xf32>,
      %add3A_100 = arith.constant 48 : i32
      %add3A_101 = vector.broadcast %add3A_100 : i32 to vector<16xi32>
      %add3A_102 = arith.addi %iota3A, %add3A_101 : vector<16xi32>
      %masked_sort3A_103 = arith.constant dense<true> : vector<16xi1>
      %masked_sort3A_104, %masked_sort3A_105, %masked_sort3A_106 = tpu.sort %get3A_99, %add3A_102 masked %masked_sort3A_103 {descending = true} : (vector<16xf32>, vector<16xi32>, vector<16xi1>) -> (vector<16xi1>, vector<16xf32>, vector<16xi32>)
      %rev3A = arith.constant 15 : i32
      %rev3A_107 = vector.broadcast %rev3A : i32 to vector<16xi32>
      %rev3A_108 = tpu.iota {dimensions = array<i32: 0>} : vector<16xi32>
      %rev3A_109 = arith.subi %rev3A_107, %rev3A_108 : vector<16xi32>
      %rev3A_110 = tpu.dynamic_gather %masked_sort3A_83[%rev3A_109] in [0] : vector<16xf32>, vector<16xi32> -> vector<16xf32>
      %rev3A_111 = arith.constant 15 : i32
      %rev3A_112 = vector.broadcast %rev3A_111 : i32 to vector<16xi32>
      %rev3A_113 = tpu.iota {dimensions = array<i32: 0>} : vector<16xi32>
      %rev3A_114 = arith.subi %rev3A_112, %rev3A_113 : vector<16xi32>
      %rev3A_115 = tpu.dynamic_gather %masked_sort3A_84[%rev3A_114] in [0] : vector<16xi32>, vector<16xi32> -> vector<16xi32>
      %ge3A = arith.cmpf oge, %masked_sort3A_72, %rev3A_110 : vector<16xf32>
      %select_n3A = arith.select %ge3A, %masked_sort3A_72, %rev3A_110 : vector<16xi1>, vector<16xf32>
      %select_n3A_116 = arith.select %ge3A, %masked_sort3A_73, %rev3A_115 : vector<16xi1>, vector<16xi32>
      %rev3A_117 = arith.constant 15 : i32
      %rev3A_118 = vector.broadcast %rev3A_117 : i32 to vector<16xi32>
      %rev3A_119 = tpu.iota {dimensions = array<i32: 0>} : vector<16xi32>
      %rev3A_120 = arith.subi %rev3A_118, %rev3A_119 : vector<16xi32>
      %rev3A_121 = tpu.dynamic_gather %masked_sort3A_105[%rev3A_120] in [0] : vector<16xf32>, vector<16xi32> -> vector<16xf32>
      %rev3A_122 = arith.constant 15 : i32
      %rev3A_123 = vector.broadcast %rev3A_122 : i32 to vector<16xi32>
      %rev3A_124 = tpu.iota {dimensions = array<i32: 0>} : vector<16xi32>
      %rev3A_125 = arith.subi %rev3A_123, %rev3A_124 : vector<16xi32>
      %rev3A_126 = tpu.dynamic_gather %masked_sort3A_106[%rev3A_125] in [0] : vector<16xi32>, vector<16xi32> -> vector<16xi32>
      %ge3A_127 = arith.cmpf oge, %masked_sort3A_94, %rev3A_121 : vector<16xf32>
      %select_n3A_128 = arith.select %ge3A_127, %masked_sort3A_94, %rev3A_121 : vector<16xi1>, vector<16xf32>
      %select_n3A_129 = arith.select %ge3A_127, %masked_sort3A_95, %rev3A_126 : vector<16xi1>, vector<16xi32>
      %masked_sort3A_130 = arith.constant dense<true> : vector<16xi1>
      %masked_sort3A_131, %masked_sort3A_132, %masked_sort3A_133 = tpu.sort %select_n3A, %select_n3A_116 masked %masked_sort3A_130 {descending = true} : (vector<16xf32>, vector<16xi32>, vector<16xi1>) -> (vector<16xi1>, vector<16xf32>, vector<16xi32>)
      %masked_sort3A_134 = arith.constant dense<true> : vector<16xi1>
      %masked_sort3A_135, %masked_sort3A_136, %masked_sort3A_137 = tpu.sort %select_n3A_128, %select_n3A_129 masked %masked_sort3A_134 {descending = true} : (vector<16xf32>, vector<16xi32>, vector<16xi1>) -> (vector<16xi1>, vector<16xf32>, vector<16xi32>)
      %rev3A_138 = arith.constant 15 : i32
      %rev3A_139 = vector.broadcast %rev3A_138 : i32 to vector<16xi32>
      %rev3A_140 = tpu.iota {dimensions = array<i32: 0>} : vector<16xi32>
      %rev3A_141 = arith.subi %rev3A_139, %rev3A_140 : vector<16xi32>
      %rev3A_142 = tpu.dynamic_gather %masked_sort3A_136[%rev3A_141] in [0] : vector<16xf32>, vector<16xi32> -> vector<16xf32>
      %rev3A_143 = arith.constant 15 : i32
      %rev3A_144 = vector.broadcast %rev3A_143 : i32 to vector<16xi32>
      %rev3A_145 = tpu.iota {dimensions = array<i32: 0>} : vector<16xi32>
      %rev3A_146 = arith.subi %rev3A_144, %rev3A_145 : vector<16xi32>
      %rev3A_147 = tpu.dynamic_gather %masked_sort3A_137[%rev3A_146] in [0] : vector<16xi32>, vector<16xi32> -> vector<16xi32>
      %ge3A_148 = arith.cmpf oge, %masked_sort3A_132, %rev3A_142 : vector<16xf32>
      %select_n3A_149 = arith.select %ge3A_148, %masked_sort3A_132, %rev3A_142 : vector<16xi1>, vector<16xf32>
      %select_n3A_150 = arith.select %ge3A_148, %masked_sort3A_133, %rev3A_147 : vector<16xi1>, vector<16xi32>
      %masked_sort3A_151 = arith.constant dense<true> : vector<16xi1>
      %masked_sort3A_152, %masked_sort3A_153, %masked_sort3A_154 = tpu.sort %select_n3A_149, %select_n3A_150 masked %masked_sort3A_151 {descending = true} : (vector<16xf32>, vector<16xi32>, vector<16xi1>) -> (vector<16xi1>, vector<16xf32>, vector<16xi32>)
      %add3A_155 = arith.constant 1 : i32
      %add3A_156 = arith.addi %mul3A_60, %add3A_155 : i32
      %mul3A_157 = arith.constant 64 : i32
      %mul3A_158 = arith.muli %add3A_156, %mul3A_157 : i32
      %add3A_159 = arith.constant 0 : i32
      %add3A_160 = arith.addi %mul3A_158, %add3A_159 : i32
      %get3A_161 = arith.index_cast %add3A_160 : i32 to index
      %get3A_162 = tpu.vector_load %arg5[%get3A_161] {strides = array<i32>} : memref<32768xf32, #tpu.memory_space<vmem>>, vector<16xf32>,
      %add3A_163 = arith.constant 0 : i32
      %add3A_164 = vector.broadcast %add3A_163 : i32 to vector<16xi32>
      %add3A_165 = arith.addi %iota3A, %add3A_164 : vector<16xi32>
      %masked_sort3A_166 = arith.constant dense<true> : vector<16xi1>
      %masked_sort3A_167, %masked_sort3A_168, %masked_sort3A_169 = tpu.sort %get3A_162, %add3A_165 masked %masked_sort3A_166 {descending = true} : (vector<16xf32>, vector<16xi32>, vector<16xi1>) -> (vector<16xi1>, vector<16xf32>, vector<16xi32>)
      %add3A_170 = arith.constant 16 : i32
      %add3A_171 = arith.addi %mul3A_158, %add3A_170 : i32
      %get3A_172 = arith.index_cast %add3A_171 : i32 to index
      %get3A_173 = tpu.vector_load %arg5[%get3A_172] {strides = array<i32>} : memref<32768xf32, #tpu.memory_space<vmem>>, vector<16xf32>,
      %add3A_174 = arith.constant 16 : i32
      %add3A_175 = vector.broadcast %add3A_174 : i32 to vector<16xi32>
      %add3A_176 = arith.addi %iota3A, %add3A_175 : vector<16xi32>
      %masked_sort3A_177 = arith.constant dense<true> : vector<16xi1>
      %masked_sort3A_178, %masked_sort3A_179, %masked_sort3A_180 = tpu.sort %get3A_173, %add3A_176 masked %masked_sort3A_177 {descending = true} : (vector<16xf32>, vector<16xi32>, vector<16xi1>) -> (vector<16xi1>, vector<16xf32>, vector<16xi32>)
      %add3A_181 = arith.constant 32 : i32
      %add3A_182 = arith.addi %mul3A_158, %add3A_181 : i32
      %get3A_183 = arith.index_cast %add3A_182 : i32 to index
      %get3A_184 = tpu.vector_load %arg5[%get3A_183] {strides = array<i32>} : memref<32768xf32, #tpu.memory_space<vmem>>, vector<16xf32>,
      %add3A_185 = arith.constant 32 : i32
      %add3A_186 = vector.broadcast %add3A_185 : i32 to vector<16xi32>
      %add3A_187 = arith.addi %iota3A, %add3A_186 : vector<16xi32>
      %masked_sort3A_188 = arith.constant dense<true> : vector<16xi1>
      %masked_sort3A_189, %masked_sort3A_190, %masked_sort3A_191 = tpu.sort %get3A_184, %add3A_187 masked %masked_sort3A_188 {descending = true} : (vector<16xf32>, vector<16xi32>, vector<16xi1>) -> (vector<16xi1>, vector<16xf32>, vector<16xi32>)
      %add3A_192 = arith.constant 48 : i32
      %add3A_193 = arith.addi %mul3A_158, %add3A_192 : i32
      %get3A_194 = arith.index_cast %add3A_193 : i32 to index
      %get3A_195 = tpu.vector_load %arg5[%get3A_194] {strides = array<i32>} : memref<32768xf32, #tpu.memory_space<vmem>>, vector<16xf32>,
      %add3A_196 = arith.constant 48 : i32
      %add3A_197 = vector.broadcast %add3A_196 : i32 to vector<16xi32>
      %add3A_198 = arith.addi %iota3A, %add3A_197 : vector<16xi32>
      %masked_sort3A_199 = arith.constant dense<true> : vector<16xi1>
      %masked_sort3A_200, %masked_sort3A_201, %masked_sort3A_202 = tpu.sort %get3A_195, %add3A_198 masked %masked_sort3A_199 {descending = true} : (vector<16xf32>, vector<16xi32>, vector<16xi1>) -> (vector<16xi1>, vector<16xf32>, vector<16xi32>)
      %rev3A_203 = arith.constant 15 : i32
      %rev3A_204 = vector.broadcast %rev3A_203 : i32 to vector<16xi32>
      %rev3A_205 = tpu.iota {dimensions = array<i32: 0>} : vector<16xi32>
      %rev3A_206 = arith.subi %rev3A_204, %rev3A_205 : vector<16xi32>
      %rev3A_207 = tpu.dynamic_gather %masked_sort3A_179[%rev3A_206] in [0] : vector<16xf32>, vector<16xi32> -> vector<16xf32>
      %rev3A_208 = arith.constant 15 : i32
      %rev3A_209 = vector.broadcast %rev3A_208 : i32 to vector<16xi32>
      %rev3A_210 = tpu.iota {dimensions = array<i32: 0>} : vector<16xi32>
      %rev3A_211 = arith.subi %rev3A_209, %rev3A_210 : vector<16xi32>
      %rev3A_212 = tpu.dynamic_gather %masked_sort3A_180[%rev3A_211] in [0] : vector<16xi32>, vector<16xi32> -> vector<16xi32>
      %ge3A_213 = arith.cmpf oge, %masked_sort3A_168, %rev3A_207 : vector<16xf32>
      %select_n3A_214 = arith.select %ge3A_213, %masked_sort3A_168, %rev3A_207 : vector<16xi1>, vector<16xf32>
      %select_n3A_215 = arith.select %ge3A_213, %masked_sort3A_169, %rev3A_212 : vector<16xi1>, vector<16xi32>
      %rev3A_216 = arith.constant 15 : i32
      %rev3A_217 = vector.broadcast %rev3A_216 : i32 to vector<16xi32>
      %rev3A_218 = tpu.iota {dimensions = array<i32: 0>} : vector<16xi32>
      %rev3A_219 = arith.subi %rev3A_217, %rev3A_218 : vector<16xi32>
      %rev3A_220 = tpu.dynamic_gather %masked_sort3A_201[%rev3A_219] in [0] : vector<16xf32>, vector<16xi32> -> vector<16xf32>
      %rev3A_221 = arith.constant 15 : i32
      %rev3A_222 = vector.broadcast %rev3A_221 : i32 to vector<16xi32>
      %rev3A_223 = tpu.iota {dimensions = array<i32: 0>} : vector<16xi32>
      %rev3A_224 = arith.subi %rev3A_222, %rev3A_223 : vector<16xi32>
      %rev3A_225 = tpu.dynamic_gather %masked_sort3A_202[%rev3A_224] in [0] : vector<16xi32>, vector<16xi32> -> vector<16xi32>
      %ge3A_226 = arith.cmpf oge, %masked_sort3A_190, %rev3A_220 : vector<16xf32>
      %select_n3A_227 = arith.select %ge3A_226, %masked_sort3A_190, %rev3A_220 : vector<16xi1>, vector<16xf32>
      %select_n3A_228 = arith.select %ge3A_226, %masked_sort3A_191, %rev3A_225 : vector<16xi1>, vector<16xi32>
      %masked_sort3A_229 = arith.constant dense<true> : vector<16xi1>
      %masked_sort3A_230, %masked_sort3A_231, %masked_sort3A_232 = tpu.sort %select_n3A_214, %select_n3A_215 masked %masked_sort3A_229 {descending = true} : (vector<16xf32>, vector<16xi32>, vector<16xi1>) -> (vector<16xi1>, vector<16xf32>, vector<16xi32>)
      %masked_sort3A_233 = arith.constant dense<true> : vector<16xi1>
      %masked_sort3A_234, %masked_sort3A_235, %masked_sort3A_236 = tpu.sort %select_n3A_227, %select_n3A_228 masked %masked_sort3A_233 {descending = true} : (vector<16xf32>, vector<16xi32>, vector<16xi1>) -> (vector<16xi1>, vector<16xf32>, vector<16xi32>)
      %rev3A_237 = arith.constant 15 : i32
      %rev3A_238 = vector.broadcast %rev3A_237 : i32 to vector<16xi32>
      %rev3A_239 = tpu.iota {dimensions = array<i32: 0>} : vector<16xi32>
      %rev3A_240 = arith.subi %rev3A_238, %rev3A_239 : vector<16xi32>
      %rev3A_241 = tpu.dynamic_gather %masked_sort3A_235[%rev3A_240] in [0] : vector<16xf32>, vector<16xi32> -> vector<16xf32>
      %rev3A_242 = arith.constant 15 : i32
      %rev3A_243 = vector.broadcast %rev3A_242 : i32 to vector<16xi32>
      %rev3A_244 = tpu.iota {dimensions = array<i32: 0>} : vector<16xi32>
      %rev3A_245 = arith.subi %rev3A_243, %rev3A_244 : vector<16xi32>
      %rev3A_246 = tpu.dynamic_gather %masked_sort3A_236[%rev3A_245] in [0] : vector<16xi32>, vector<16xi32> -> vector<16xi32>
      %ge3A_247 = arith.cmpf oge, %masked_sort3A_231, %rev3A_241 : vector<16xf32>
      %select_n3A_248 = arith.select %ge3A_247, %masked_sort3A_231, %rev3A_241 : vector<16xi1>, vector<16xf32>
      %select_n3A_249 = arith.select %ge3A_247, %masked_sort3A_232, %rev3A_246 : vector<16xi1>, vector<16xi32>
      %masked_sort3A_250 = arith.constant dense<true> : vector<16xi1>
      %masked_sort3A_251, %masked_sort3A_252, %masked_sort3A_253 = tpu.sort %select_n3A_248, %select_n3A_249 masked %masked_sort3A_250 {descending = true} : (vector<16xf32>, vector<16xi32>, vector<16xi1>) -> (vector<16xi1>, vector<16xf32>, vector<16xi32>)
      %add3A_254 = arith.constant 2 : i32
      %add3A_255 = arith.addi %mul3A_60, %add3A_254 : i32
      %mul3A_256 = arith.constant 64 : i32
      %mul3A_257 = arith.muli %add3A_255, %mul3A_256 : i32
      %add3A_258 = arith.constant 0 : i32
      %add3A_259 = arith.addi %mul3A_257, %add3A_258 : i32
      %get3A_260 = arith.index_cast %add3A_259 : i32 to index
      %get3A_261 = tpu.vector_load %arg5[%get3A_260] {strides = array<i32>} : memref<32768xf32, #tpu.memory_space<vmem>>, vector<16xf32>,
      %add3A_262 = arith.constant 0 : i32
      %add3A_263 = vector.broadcast %add3A_262 : i32 to vector<16xi32>
      %add3A_264 = arith.addi %iota3A, %add3A_263 : vector<16xi32>
      %masked_sort3A_265 = arith.constant dense<true> : vector<16xi1>
      %masked_sort3A_266, %masked_sort3A_267, %masked_sort3A_268 = tpu.sort %get3A_261, %add3A_264 masked %masked_sort3A_265 {descending = true} : (vector<16xf32>, vector<16xi32>, vector<16xi1>) -> (vector<16xi1>, vector<16xf32>, vector<16xi32>)
      %add3A_269 = arith.constant 16 : i32
      %add3A_270 = arith.addi %mul3A_257, %add3A_269 : i32
      %get3A_271 = arith.index_cast %add3A_270 : i32 to index
      %get3A_272 = tpu.vector_load %arg5[%get3A_271] {strides = array<i32>} : memref<32768xf32, #tpu.memory_space<vmem>>, vector<16xf32>,
      %add3A_273 = arith.constant 16 : i32
      %add3A_274 = vector.broadcast %add3A_273 : i32 to vector<16xi32>
      %add3A_275 = arith.addi %iota3A, %add3A_274 : vector<16xi32>
      %masked_sort3A_276 = arith.constant dense<true> : vector<16xi1>
      %masked_sort3A_277, %masked_sort3A_278, %masked_sort3A_279 = tpu.sort %get3A_272, %add3A_275 masked %masked_sort3A_276 {descending = true} : (vector<16xf32>, vector<16xi32>, vector<16xi1>) -> (vector<16xi1>, vector<16xf32>, vector<16xi32>)
      %add3A_280 = arith.constant 32 : i32
      %add3A_281 = arith.addi %mul3A_257, %add3A_280 : i32
      %get3A_282 = arith.index_cast %add3A_281 : i32 to index
      %get3A_283 = tpu.vector_load %arg5[%get3A_282] {strides = array<i32>} : memref<32768xf32, #tpu.memory_space<vmem>>, vector<16xf32>,
      %add3A_284 = arith.constant 32 : i32
      %add3A_285 = vector.broadcast %add3A_284 : i32 to vector<16xi32>
      %add3A_286 = arith.addi %iota3A, %add3A_285 : vector<16xi32>
      %masked_sort3A_287 = arith.constant dense<true> : vector<16xi1>
      %masked_sort3A_288, %masked_sort3A_289, %masked_sort3A_290 = tpu.sort %get3A_283, %add3A_286 masked %masked_sort3A_287 {descending = true} : (vector<16xf32>, vector<16xi32>, vector<16xi1>) -> (vector<16xi1>, vector<16xf32>, vector<16xi32>)
      %add3A_291 = arith.constant 48 : i32
      %add3A_292 = arith.addi %mul3A_257, %add3A_291 : i32
      %get3A_293 = arith.index_cast %add3A_292 : i32 to index
      %get3A_294 = tpu.vector_load %arg5[%get3A_293] {strides = array<i32>} : memref<32768xf32, #tpu.memory_space<vmem>>, vector<16xf32>,
      %add3A_295 = arith.constant 48 : i32
      %add3A_296 = vector.broadcast %add3A_295 : i32 to vector<16xi32>
      %add3A_297 = arith.addi %iota3A, %add3A_296 : vector<16xi32>
      %masked_sort3A_298 = arith.constant dense<true> : vector<16xi1>
      %masked_sort3A_299, %masked_sort3A_300, %masked_sort3A_301 = tpu.sort %get3A_294, %add3A_297 masked %masked_sort3A_298 {descending = true} : (vector<16xf32>, vector<16xi32>, vector<16xi1>) -> (vector<16xi1>, vector<16xf32>, vector<16xi32>)
      %rev3A_302 = arith.constant 15 : i32
      %rev3A_303 = vector.broadcast %rev3A_302 : i32 to vector<16xi32>
      %rev3A_304 = tpu.iota {dimensions = array<i32: 0>} : vector<16xi32>
      %rev3A_305 = arith.subi %rev3A_303, %rev3A_304 : vector<16xi32>
      %rev3A_306 = tpu.dynamic_gather %masked_sort3A_278[%rev3A_305] in [0] : vector<16xf32>, vector<16xi32> -> vector<16xf32>
      %rev3A_307 = arith.constant 15 : i32
      %rev3A_308 = vector.broadcast %rev3A_307 : i32 to vector<16xi32>
      %rev3A_309 = tpu.iota {dimensions = array<i32: 0>} : vector<16xi32>
      %rev3A_310 = arith.subi %rev3A_308, %rev3A_309 : vector<16xi32>
      %rev3A_311 = tpu.dynamic_gather %masked_sort3A_279[%rev3A_310] in [0] : vector<16xi32>, vector<16xi32> -> vector<16xi32>
      %ge3A_312 = arith.cmpf oge, %masked_sort3A_267, %rev3A_306 : vector<16xf32>
      %select_n3A_313 = arith.select %ge3A_312, %masked_sort3A_267, %rev3A_306 : vector<16xi1>, vector<16xf32>
      %select_n3A_314 = arith.select %ge3A_312, %masked_sort3A_268, %rev3A_311 : vector<16xi1>, vector<16xi32>
      %rev3A_315 = arith.constant 15 : i32
      %rev3A_316 = vector.broadcast %rev3A_315 : i32 to vector<16xi32>
      %rev3A_317 = tpu.iota {dimensions = array<i32: 0>} : vector<16xi32>
      %rev3A_318 = arith.subi %rev3A_316, %rev3A_317 : vector<16xi32>
      %rev3A_319 = tpu.dynamic_gather %masked_sort3A_300[%rev3A_318] in [0] : vector<16xf32>, vector<16xi32> -> vector<16xf32>
      %rev3A_320 = arith.constant 15 : i32
      %rev3A_321 = vector.broadcast %rev3A_320 : i32 to vector<16xi32>
      %rev3A_322 = tpu.iota {dimensions = array<i32: 0>} : vector<16xi32>
      %rev3A_323 = arith.subi %rev3A_321, %rev3A_322 : vector<16xi32>
      %rev3A_324 = tpu.dynamic_gather %masked_sort3A_301[%rev3A_323] in [0] : vector<16xi32>, vector<16xi32> -> vector<16xi32>
      %ge3A_325 = arith.cmpf oge, %masked_sort3A_289, %rev3A_319 : vector<16xf32>
      %select_n3A_326 = arith.select %ge3A_325, %masked_sort3A_289, %rev3A_319 : vector<16xi1>, vector<16xf32>
      %select_n3A_327 = arith.select %ge3A_325, %masked_sort3A_290, %rev3A_324 : vector<16xi1>, vector<16xi32>
      %masked_sort3A_328 = arith.constant dense<true> : vector<16xi1>
      %masked_sort3A_329, %masked_sort3A_330, %masked_sort3A_331 = tpu.sort %select_n3A_313, %select_n3A_314 masked %masked_sort3A_328 {descending = true} : (vector<16xf32>, vector<16xi32>, vector<16xi1>) -> (vector<16xi1>, vector<16xf32>, vector<16xi32>)
      %masked_sort3A_332 = arith.constant dense<true> : vector<16xi1>
      %masked_sort3A_333, %masked_sort3A_334, %masked_sort3A_335 = tpu.sort %select_n3A_326, %select_n3A_327 masked %masked_sort3A_332 {descending = true} : (vector<16xf32>, vector<16xi32>, vector<16xi1>) -> (vector<16xi1>, vector<16xf32>, vector<16xi32>)
      %rev3A_336 = arith.constant 15 : i32
      %rev3A_337 = vector.broadcast %rev3A_336 : i32 to vector<16xi32>
      %rev3A_338 = tpu.iota {dimensions = array<i32: 0>} : vector<16xi32>
      %rev3A_339 = arith.subi %rev3A_337, %rev3A_338 : vector<16xi32>
      %rev3A_340 = tpu.dynamic_gather %masked_sort3A_334[%rev3A_339] in [0] : vector<16xf32>, vector<16xi32> -> vector<16xf32>
      %rev3A_341 = arith.constant 15 : i32
      %rev3A_342 = vector.broadcast %rev3A_341 : i32 to vector<16xi32>
      %rev3A_343 = tpu.iota {dimensions = array<i32: 0>} : vector<16xi32>
      %rev3A_344 = arith.subi %rev3A_342, %rev3A_343 : vector<16xi32>
      %rev3A_345 = tpu.dynamic_gather %masked_sort3A_335[%rev3A_344] in [0] : vector<16xi32>, vector<16xi32> -> vector<16xi32>
      %ge3A_346 = arith.cmpf oge, %masked_sort3A_330, %rev3A_340 : vector<16xf32>
      %select_n3A_347 = arith.select %ge3A_346, %masked_sort3A_330, %rev3A_340 : vector<16xi1>, vector<16xf32>
      %select_n3A_348 = arith.select %ge3A_346, %masked_sort3A_331, %rev3A_345 : vector<16xi1>, vector<16xi32>
      %masked_sort3A_349 = arith.constant dense<true> : vector<16xi1>
      %masked_sort3A_350, %masked_sort3A_351, %masked_sort3A_352 = tpu.sort %select_n3A_347, %select_n3A_348 masked %masked_sort3A_349 {descending = true} : (vector<16xf32>, vector<16xi32>, vector<16xi1>) -> (vector<16xi1>, vector<16xf32>, vector<16xi32>)
      %add3A_353 = arith.constant 3 : i32
      %add3A_354 = arith.addi %mul3A_60, %add3A_353 : i32
      %mul3A_355 = arith.constant 64 : i32
      %mul3A_356 = arith.muli %add3A_354, %mul3A_355 : i32
      %add3A_357 = arith.constant 0 : i32
      %add3A_358 = arith.addi %mul3A_356, %add3A_357 : i32
      %get3A_359 = arith.index_cast %add3A_358 : i32 to index
      %get3A_360 = tpu.vector_load %arg5[%get3A_359] {strides = array<i32>} : memref<32768xf32, #tpu.memory_space<vmem>>, vector<16xf32>,
      %add3A_361 = arith.constant 0 : i32
      %add3A_362 = vector.broadcast %add3A_361 : i32 to vector<16xi32>
      %add3A_363 = arith.addi %iota3A, %add3A_362 : vector<16xi32>
      %masked_sort3A_364 = arith.constant dense<true> : vector<16xi1>
      %masked_sort3A_365, %masked_sort3A_366, %masked_sort3A_367 = tpu.sort %get3A_360, %add3A_363 masked %masked_sort3A_364 {descending = true} : (vector<16xf32>, vector<16xi32>, vector<16xi1>) -> (vector<16xi1>, vector<16xf32>, vector<16xi32>)
      %add3A_368 = arith.constant 16 : i32
      %add3A_369 = arith.addi %mul3A_356, %add3A_368 : i32
      %get3A_370 = arith.index_cast %add3A_369 : i32 to index
      %get3A_371 = tpu.vector_load %arg5[%get3A_370] {strides = array<i32>} : memref<32768xf32, #tpu.memory_space<vmem>>, vector<16xf32>,
      %add3A_372 = arith.constant 16 : i32
      %add3A_373 = vector.broadcast %add3A_372 : i32 to vector<16xi32>
      %add3A_374 = arith.addi %iota3A, %add3A_373 : vector<16xi32>
      %masked_sort3A_375 = arith.constant dense<true> : vector<16xi1>
      %masked_sort3A_376, %masked_sort3A_377, %masked_sort3A_378 = tpu.sort %get3A_371, %add3A_374 masked %masked_sort3A_375 {descending = true} : (vector<16xf32>, vector<16xi32>, vector<16xi1>) -> (vector<16xi1>, vector<16xf32>, vector<16xi32>)
      %add3A_379 = arith.constant 32 : i32
      %add3A_380 = arith.addi %mul3A_356, %add3A_379 : i32
      %get3A_381 = arith.index_cast %add3A_380 : i32 to index
      %get3A_382 = tpu.vector_load %arg5[%get3A_381] {strides = array<i32>} : memref<32768xf32, #tpu.memory_space<vmem>>, vector<16xf32>,
      %add3A_383 = arith.constant 32 : i32
      %add3A_384 = vector.broadcast %add3A_383 : i32 to vector<16xi32>
      %add3A_385 = arith.addi %iota3A, %add3A_384 : vector<16xi32>
      %masked_sort3A_386 = arith.constant dense<true> : vector<16xi1>
      %masked_sort3A_387, %masked_sort3A_388, %masked_sort3A_389 = tpu.sort %get3A_382, %add3A_385 masked %masked_sort3A_386 {descending = true} : (vector<16xf32>, vector<16xi32>, vector<16xi1>) -> (vector<16xi1>, vector<16xf32>, vector<16xi32>)
      %add3A_390 = arith.constant 48 : i32
      %add3A_391 = arith.addi %mul3A_356, %add3A_390 : i32
      %get3A_392 = arith.index_cast %add3A_391 : i32 to index
      %get3A_393 = tpu.vector_load %arg5[%get3A_392] {strides = array<i32>} : memref<32768xf32, #tpu.memory_space<vmem>>, vector<16xf32>,
      %add3A_394 = arith.constant 48 : i32
      %add3A_395 = vector.broadcast %add3A_394 : i32 to vector<16xi32>
      %add3A_396 = arith.addi %iota3A, %add3A_395 : vector<16xi32>
      %masked_sort3A_397 = arith.constant dense<true> : vector<16xi1>
      %masked_sort3A_398, %masked_sort3A_399, %masked_sort3A_400 = tpu.sort %get3A_393, %add3A_396 masked %masked_sort3A_397 {descending = true} : (vector<16xf32>, vector<16xi32>, vector<16xi1>) -> (vector<16xi1>, vector<16xf32>, vector<16xi32>)
      %rev3A_401 = arith.constant 15 : i32
      %rev3A_402 = vector.broadcast %rev3A_401 : i32 to vector<16xi32>
      %rev3A_403 = tpu.iota {dimensions = array<i32: 0>} : vector<16xi32>
      %rev3A_404 = arith.subi %rev3A_402, %rev3A_403 : vector<16xi32>
      %rev3A_405 = tpu.dynamic_gather %masked_sort3A_377[%rev3A_404] in [0] : vector<16xf32>, vector<16xi32> -> vector<16xf32>
      %rev3A_406 = arith.constant 15 : i32
      %rev3A_407 = vector.broadcast %rev3A_406 : i32 to vector<16xi32>
      %rev3A_408 = tpu.iota {dimensions = array<i32: 0>} : vector<16xi32>
      %rev3A_409 = arith.subi %rev3A_407, %rev3A_408 : vector<16xi32>
      %rev3A_410 = tpu.dynamic_gather %masked_sort3A_378[%rev3A_409] in [0] : vector<16xi32>, vector<16xi32> -> vector<16xi32>
      %ge3A_411 = arith.cmpf oge, %masked_sort3A_366, %rev3A_405 : vector<16xf32>
      %select_n3A_412 = arith.select %ge3A_411, %masked_sort3A_366, %rev3A_405 : vector<16xi1>, vector<16xf32>
      %select_n3A_413 = arith.select %ge3A_411, %masked_sort3A_367, %rev3A_410 : vector<16xi1>, vector<16xi32>
      %rev3A_414 = arith.constant 15 : i32
      %rev3A_415 = vector.broadcast %rev3A_414 : i32 to vector<16xi32>
      %rev3A_416 = tpu.iota {dimensions = array<i32: 0>} : vector<16xi32>
      %rev3A_417 = arith.subi %rev3A_415, %rev3A_416 : vector<16xi32>
      %rev3A_418 = tpu.dynamic_gather %masked_sort3A_399[%rev3A_417] in [0] : vector<16xf32>, vector<16xi32> -> vector<16xf32>
      %rev3A_419 = arith.constant 15 : i32
      %rev3A_420 = vector.broadcast %rev3A_419 : i32 to vector<16xi32>
      %rev3A_421 = tpu.iota {dimensions = array<i32: 0>} : vector<16xi32>
      %rev3A_422 = arith.subi %rev3A_420, %rev3A_421 : vector<16xi32>
      %rev3A_423 = tpu.dynamic_gather %masked_sort3A_400[%rev3A_422] in [0] : vector<16xi32>, vector<16xi32> -> vector<16xi32>
      %ge3A_424 = arith.cmpf oge, %masked_sort3A_388, %rev3A_418 : vector<16xf32>
      %select_n3A_425 = arith.select %ge3A_424, %masked_sort3A_388, %rev3A_418 : vector<16xi1>, vector<16xf32>
      %select_n3A_426 = arith.select %ge3A_424, %masked_sort3A_389, %rev3A_423 : vector<16xi1>, vector<16xi32>
      %masked_sort3A_427 = arith.constant dense<true> : vector<16xi1>
      %masked_sort3A_428, %masked_sort3A_429, %masked_sort3A_430 = tpu.sort %select_n3A_412, %select_n3A_413 masked %masked_sort3A_427 {descending = true} : (vector<16xf32>, vector<16xi32>, vector<16xi1>) -> (vector<16xi1>, vector<16xf32>, vector<16xi32>)
      %masked_sort3A_431 = arith.constant dense<true> : vector<16xi1>
      %masked_sort3A_432, %masked_sort3A_433, %masked_sort3A_434 = tpu.sort %select_n3A_425, %select_n3A_426 masked %masked_sort3A_431 {descending = true} : (vector<16xf32>, vector<16xi32>, vector<16xi1>) -> (vector<16xi1>, vector<16xf32>, vector<16xi32>)
      %rev3A_435 = arith.constant 15 : i32
      %rev3A_436 = vector.broadcast %rev3A_435 : i32 to vector<16xi32>
      %rev3A_437 = tpu.iota {dimensions = array<i32: 0>} : vector<16xi32>
      %rev3A_438 = arith.subi %rev3A_436, %rev3A_437 : vector<16xi32>
      %rev3A_439 = tpu.dynamic_gather %masked_sort3A_433[%rev3A_438] in [0] : vector<16xf32>, vector<16xi32> -> vector<16xf32>
      %rev3A_440 = arith.constant 15 : i32
      %rev3A_441 = vector.broadcast %rev3A_440 : i32 to vector<16xi32>
      %rev3A_442 = tpu.iota {dimensions = array<i32: 0>} : vector<16xi32>
      %rev3A_443 = arith.subi %rev3A_441, %rev3A_442 : vector<16xi32>
      %rev3A_444 = tpu.dynamic_gather %masked_sort3A_434[%rev3A_443] in [0] : vector<16xi32>, vector<16xi32> -> vector<16xi32>
      %ge3A_445 = arith.cmpf oge, %masked_sort3A_429, %rev3A_439 : vector<16xf32>
      %select_n3A_446 = arith.select %ge3A_445, %masked_sort3A_429, %rev3A_439 : vector<16xi1>, vector<16xf32>
      %select_n3A_447 = arith.select %ge3A_445, %masked_sort3A_430, %rev3A_444 : vector<16xi1>, vector<16xi32>
      %masked_sort3A_448 = arith.constant dense<true> : vector<16xi1>
      %masked_sort3A_449, %masked_sort3A_450, %masked_sort3A_451 = tpu.sort %select_n3A_446, %select_n3A_447 masked %masked_sort3A_448 {descending = true} : (vector<16xf32>, vector<16xi32>, vector<16xi1>) -> (vector<16xi1>, vector<16xf32>, vector<16xi32>)
      %add3A_452 = arith.constant 4 : i32
      %add3A_453 = arith.addi %mul3A_60, %add3A_452 : i32
      %mul3A_454 = arith.constant 64 : i32
      %mul3A_455 = arith.muli %add3A_453, %mul3A_454 : i32
      %add3A_456 = arith.constant 0 : i32
      %add3A_457 = arith.addi %mul3A_455, %add3A_456 : i32
      %get3A_458 = arith.index_cast %add3A_457 : i32 to index
      %get3A_459 = tpu.vector_load %arg5[%get3A_458] {strides = array<i32>} : memref<32768xf32, #tpu.memory_space<vmem>>, vector<16xf32>,
      %add3A_460 = arith.constant 0 : i32
      %add3A_461 = vector.broadcast %add3A_460 : i32 to vector<16xi32>
      %add3A_462 = arith.addi %iota3A, %add3A_461 : vector<16xi32>
      %masked_sort3A_463 = arith.constant dense<true> : vector<16xi1>
      %masked_sort3A_464, %masked_sort3A_465, %masked_sort3A_466 = tpu.sort %get3A_459, %add3A_462 masked %masked_sort3A_463 {descending = true} : (vector<16xf32>, vector<16xi32>, vector<16xi1>) -> (vector<16xi1>, vector<16xf32>, vector<16xi32>)
      %add3A_467 = arith.constant 16 : i32
      %add3A_468 = arith.addi %mul3A_455, %add3A_467 : i32
      %get3A_469 = arith.index_cast %add3A_468 : i32 to index
      %get3A_470 = tpu.vector_load %arg5[%get3A_469] {strides = array<i32>} : memref<32768xf32, #tpu.memory_space<vmem>>, vector<16xf32>,
      %add3A_471 = arith.constant 16 : i32
      %add3A_472 = vector.broadcast %add3A_471 : i32 to vector<16xi32>
      %add3A_473 = arith.addi %iota3A, %add3A_472 : vector<16xi32>
      %masked_sort3A_474 = arith.constant dense<true> : vector<16xi1>
      %masked_sort3A_475, %masked_sort3A_476, %masked_sort3A_477 = tpu.sort %get3A_470, %add3A_473 masked %masked_sort3A_474 {descending = true} : (vector<16xf32>, vector<16xi32>, vector<16xi1>) -> (vector<16xi1>, vector<16xf32>, vector<16xi32>)
      %add3A_478 = arith.constant 32 : i32
      %add3A_479 = arith.addi %mul3A_455, %add3A_478 : i32
      %get3A_480 = arith.index_cast %add3A_479 : i32 to index
      %get3A_481 = tpu.vector_load %arg5[%get3A_480] {strides = array<i32>} : memref<32768xf32, #tpu.memory_space<vmem>>, vector<16xf32>,
      %add3A_482 = arith.constant 32 : i32
      %add3A_483 = vector.broadcast %add3A_482 : i32 to vector<16xi32>
      %add3A_484 = arith.addi %iota3A, %add3A_483 : vector<16xi32>
      %masked_sort3A_485 = arith.constant dense<true> : vector<16xi1>
      %masked_sort3A_486, %masked_sort3A_487, %masked_sort3A_488 = tpu.sort %get3A_481, %add3A_484 masked %masked_sort3A_485 {descending = true} : (vector<16xf32>, vector<16xi32>, vector<16xi1>) -> (vector<16xi1>, vector<16xf32>, vector<16xi32>)
      %add3A_489 = arith.constant 48 : i32
      %add3A_490 = arith.addi %mul3A_455, %add3A_489 : i32
      %get3A_491 = arith.index_cast %add3A_490 : i32 to index
      %get3A_492 = tpu.vector_load %arg5[%get3A_491] {strides = array<i32>} : memref<32768xf32, #tpu.memory_space<vmem>>, vector<16xf32>,
      %add3A_493 = arith.constant 48 : i32
      %add3A_494 = vector.broadcast %add3A_493 : i32 to vector<16xi32>
      %add3A_495 = arith.addi %iota3A, %add3A_494 : vector<16xi32>
      %masked_sort3A_496 = arith.constant dense<true> : vector<16xi1>
      %masked_sort3A_497, %masked_sort3A_498, %masked_sort3A_499 = tpu.sort %get3A_492, %add3A_495 masked %masked_sort3A_496 {descending = true} : (vector<16xf32>, vector<16xi32>, vector<16xi1>) -> (vector<16xi1>, vector<16xf32>, vector<16xi32>)
      %rev3A_500 = arith.constant 15 : i32
      %rev3A_501 = vector.broadcast %rev3A_500 : i32 to vector<16xi32>
      %rev3A_502 = tpu.iota {dimensions = array<i32: 0>} : vector<16xi32>
      %rev3A_503 = arith.subi %rev3A_501, %rev3A_502 : vector<16xi32>
      %rev3A_504 = tpu.dynamic_gather %masked_sort3A_476[%rev3A_503] in [0] : vector<16xf32>, vector<16xi32> -> vector<16xf32>
      %rev3A_505 = arith.constant 15 : i32
      %rev3A_506 = vector.broadcast %rev3A_505 : i32 to vector<16xi32>
      %rev3A_507 = tpu.iota {dimensions = array<i32: 0>} : vector<16xi32>
      %rev3A_508 = arith.subi %rev3A_506, %rev3A_507 : vector<16xi32>
      %rev3A_509 = tpu.dynamic_gather %masked_sort3A_477[%rev3A_508] in [0] : vector<16xi32>, vector<16xi32> -> vector<16xi32>
      %ge3A_510 = arith.cmpf oge, %masked_sort3A_465, %rev3A_504 : vector<16xf32>
      %select_n3A_511 = arith.select %ge3A_510, %masked_sort3A_465, %rev3A_504 : vector<16xi1>, vector<16xf32>
      %select_n3A_512 = arith.select %ge3A_510, %masked_sort3A_466, %rev3A_509 : vector<16xi1>, vector<16xi32>
      %rev3A_513 = arith.constant 15 : i32
      %rev3A_514 = vector.broadcast %rev3A_513 : i32 to vector<16xi32>
      %rev3A_515 = tpu.iota {dimensions = array<i32: 0>} : vector<16xi32>
      %rev3A_516 = arith.subi %rev3A_514, %rev3A_515 : vector<16xi32>
      %rev3A_517 = tpu.dynamic_gather %masked_sort3A_498[%rev3A_516] in [0] : vector<16xf32>, vector<16xi32> -> vector<16xf32>
      %rev3A_518 = arith.constant 15 : i32
      %rev3A_519 = vector.broadcast %rev3A_518 : i32 to vector<16xi32>
      %rev3A_520 = tpu.iota {dimensions = array<i32: 0>} : vector<16xi32>
      %rev3A_521 = arith.subi %rev3A_519, %rev3A_520 : vector<16xi32>
      %rev3A_522 = tpu.dynamic_gather %masked_sort3A_499[%rev3A_521] in [0] : vector<16xi32>, vector<16xi32> -> vector<16xi32>
      %ge3A_523 = arith.cmpf oge, %masked_sort3A_487, %rev3A_517 : vector<16xf32>
      %select_n3A_524 = arith.select %ge3A_523, %masked_sort3A_487, %rev3A_517 : vector<16xi1>, vector<16xf32>
      %select_n3A_525 = arith.select %ge3A_523, %masked_sort3A_488, %rev3A_522 : vector<16xi1>, vector<16xi32>
      %masked_sort3A_526 = arith.constant dense<true> : vector<16xi1>
      %masked_sort3A_527, %masked_sort3A_528, %masked_sort3A_529 = tpu.sort %select_n3A_511, %select_n3A_512 masked %masked_sort3A_526 {descending = true} : (vector<16xf32>, vector<16xi32>, vector<16xi1>) -> (vector<16xi1>, vector<16xf32>, vector<16xi32>)
      %masked_sort3A_530 = arith.constant dense<true> : vector<16xi1>
      %masked_sort3A_531, %masked_sort3A_532, %masked_sort3A_533 = tpu.sort %select_n3A_524, %select_n3A_525 masked %masked_sort3A_530 {descending = true} : (vector<16xf32>, vector<16xi32>, vector<16xi1>) -> (vector<16xi1>, vector<16xf32>, vector<16xi32>)
      %rev3A_534 = arith.constant 15 : i32
      %rev3A_535 = vector.broadcast %rev3A_534 : i32 to vector<16xi32>
      %rev3A_536 = tpu.iota {dimensions = array<i32: 0>} : vector<16xi32>
      %rev3A_537 = arith.subi %rev3A_535, %rev3A_536 : vector<16xi32>
      %rev3A_538 = tpu.dynamic_gather %masked_sort3A_532[%rev3A_537] in [0] : vector<16xf32>, vector<16xi32> -> vector<16xf32>
      %rev3A_539 = arith.constant 15 : i32
      %rev3A_540 = vector.broadcast %rev3A_539 : i32 to vector<16xi32>
      %rev3A_541 = tpu.iota {dimensions = array<i32: 0>} : vector<16xi32>
      %rev3A_542 = arith.subi %rev3A_540, %rev3A_541 : vector<16xi32>
      %rev3A_543 = tpu.dynamic_gather %masked_sort3A_533[%rev3A_542] in [0] : vector<16xi32>, vector<16xi32> -> vector<16xi32>
      %ge3A_544 = arith.cmpf oge, %masked_sort3A_528, %rev3A_538 : vector<16xf32>
      %select_n3A_545 = arith.select %ge3A_544, %masked_sort3A_528, %rev3A_538 : vector<16xi1>, vector<16xf32>
      %select_n3A_546 = arith.select %ge3A_544, %masked_sort3A_529, %rev3A_543 : vector<16xi1>, vector<16xi32>
      %masked_sort3A_547 = arith.constant dense<true> : vector<16xi1>
      %masked_sort3A_548, %masked_sort3A_549, %masked_sort3A_550 = tpu.sort %select_n3A_545, %select_n3A_546 masked %masked_sort3A_547 {descending = true} : (vector<16xf32>, vector<16xi32>, vector<16xi1>) -> (vector<16xi1>, vector<16xf32>, vector<16xi32>)
      %add3A_551 = arith.constant 5 : i32
      %add3A_552 = arith.addi %mul3A_60, %add3A_551 : i32
      %mul3A_553 = arith.constant 64 : i32
      %mul3A_554 = arith.muli %add3A_552, %mul3A_553 : i32
      %add3A_555 = arith.constant 0 : i32
      %add3A_556 = arith.addi %mul3A_554, %add3A_555 : i32
      %get3A_557 = arith.index_cast %add3A_556 : i32 to index
      %get3A_558 = tpu.vector_load %arg5[%get3A_557] {strides = array<i32>} : memref<32768xf32, #tpu.memory_space<vmem>>, vector<16xf32>,
      %add3A_559 = arith.constant 0 : i32
      %add3A_560 = vector.broadcast %add3A_559 : i32 to vector<16xi32>
      %add3A_561 = arith.addi %iota3A, %add3A_560 : vector<16xi32>
      %masked_sort3A_562 = arith.constant dense<true> : vector<16xi1>
      %masked_sort3A_563, %masked_sort3A_564, %masked_sort3A_565 = tpu.sort %get3A_558, %add3A_561 masked %masked_sort3A_562 {descending = true} : (vector<16xf32>, vector<16xi32>, vector<16xi1>) -> (vector<16xi1>, vector<16xf32>, vector<16xi32>)
      %add3A_566 = arith.constant 16 : i32
      %add3A_567 = arith.addi %mul3A_554, %add3A_566 : i32
      %get3A_568 = arith.index_cast %add3A_567 : i32 to index
      %get3A_569 = tpu.vector_load %arg5[%get3A_568] {strides = array<i32>} : memref<32768xf32, #tpu.memory_space<vmem>>, vector<16xf32>,
      %add3A_570 = arith.constant 16 : i32
      %add3A_571 = vector.broadcast %add3A_570 : i32 to vector<16xi32>
      %add3A_572 = arith.addi %iota3A, %add3A_571 : vector<16xi32>
      %masked_sort3A_573 = arith.constant dense<true> : vector<16xi1>
      %masked_sort3A_574, %masked_sort3A_575, %masked_sort3A_576 = tpu.sort %get3A_569, %add3A_572 masked %masked_sort3A_573 {descending = true} : (vector<16xf32>, vector<16xi32>, vector<16xi1>) -> (vector<16xi1>, vector<16xf32>, vector<16xi32>)
      %add3A_577 = arith.constant 32 : i32
      %add3A_578 = arith.addi %mul3A_554, %add3A_577 : i32
      %get3A_579 = arith.index_cast %add3A_578 : i32 to index
      %get3A_580 = tpu.vector_load %arg5[%get3A_579] {strides = array<i32>} : memref<32768xf32, #tpu.memory_space<vmem>>, vector<16xf32>,
      %add3A_581 = arith.constant 32 : i32
      %add3A_582 = vector.broadcast %add3A_581 : i32 to vector<16xi32>
      %add3A_583 = arith.addi %iota3A, %add3A_582 : vector<16xi32>
      %masked_sort3A_584 = arith.constant dense<true> : vector<16xi1>
      %masked_sort3A_585, %masked_sort3A_586, %masked_sort3A_587 = tpu.sort %get3A_580, %add3A_583 masked %masked_sort3A_584 {descending = true} : (vector<16xf32>, vector<16xi32>, vector<16xi1>) -> (vector<16xi1>, vector<16xf32>, vector<16xi32>)
      %add3A_588 = arith.constant 48 : i32
      %add3A_589 = arith.addi %mul3A_554, %add3A_588 : i32
      %get3A_590 = arith.index_cast %add3A_589 : i32 to index
      %get3A_591 = tpu.vector_load %arg5[%get3A_590] {strides = array<i32>} : memref<32768xf32, #tpu.memory_space<vmem>>, vector<16xf32>,
      %add3A_592 = arith.constant 48 : i32
      %add3A_593 = vector.broadcast %add3A_592 : i32 to vector<16xi32>
      %add3A_594 = arith.addi %iota3A, %add3A_593 : vector<16xi32>
      %masked_sort3A_595 = arith.constant dense<true> : vector<16xi1>
      %masked_sort3A_596, %masked_sort3A_597, %masked_sort3A_598 = tpu.sort %get3A_591, %add3A_594 masked %masked_sort3A_595 {descending = true} : (vector<16xf32>, vector<16xi32>, vector<16xi1>) -> (vector<16xi1>, vector<16xf32>, vector<16xi32>)
      %rev3A_599 = arith.constant 15 : i32
      %rev3A_600 = vector.broadcast %rev3A_599 : i32 to vector<16xi32>
      %rev3A_601 = tpu.iota {dimensions = array<i32: 0>} : vector<16xi32>
      %rev3A_602 = arith.subi %rev3A_600, %rev3A_601 : vector<16xi32>
      %rev3A_603 = tpu.dynamic_gather %masked_sort3A_575[%rev3A_602] in [0] : vector<16xf32>, vector<16xi32> -> vector<16xf32>
      %rev3A_604 = arith.constant 15 : i32
      %rev3A_605 = vector.broadcast %rev3A_604 : i32 to vector<16xi32>
      %rev3A_606 = tpu.iota {dimensions = array<i32: 0>} : vector<16xi32>
      %rev3A_607 = arith.subi %rev3A_605, %rev3A_606 : vector<16xi32>
      %rev3A_608 = tpu.dynamic_gather %masked_sort3A_576[%rev3A_607] in [0] : vector<16xi32>, vector<16xi32> -> vector<16xi32>
      %ge3A_609 = arith.cmpf oge, %masked_sort3A_564, %rev3A_603 : vector<16xf32>
      %select_n3A_610 = arith.select %ge3A_609, %masked_sort3A_564, %rev3A_603 : vector<16xi1>, vector<16xf32>
      %select_n3A_611 = arith.select %ge3A_609, %masked_sort3A_565, %rev3A_608 : vector<16xi1>, vector<16xi32>
      %rev3A_612 = arith.constant 15 : i32
      %rev3A_613 = vector.broadcast %rev3A_612 : i32 to vector<16xi32>
      %rev3A_614 = tpu.iota {dimensions = array<i32: 0>} : vector<16xi32>
      %rev3A_615 = arith.subi %rev3A_613, %rev3A_614 : vector<16xi32>
      %rev3A_616 = tpu.dynamic_gather %masked_sort3A_597[%rev3A_615] in [0] : vector<16xf32>, vector<16xi32> -> vector<16xf32>
      %rev3A_617 = arith.constant 15 : i32
      %rev3A_618 = vector.broadcast %rev3A_617 : i32 to vector<16xi32>
      %rev3A_619 = tpu.iota {dimensions = array<i32: 0>} : vector<16xi32>
      %rev3A_620 = arith.subi %rev3A_618, %rev3A_619 : vector<16xi32>
      %rev3A_621 = tpu.dynamic_gather %masked_sort3A_598[%rev3A_620] in [0] : vector<16xi32>, vector<16xi32> -> vector<16xi32>
      %ge3A_622 = arith.cmpf oge, %masked_sort3A_586, %rev3A_616 : vector<16xf32>
      %select_n3A_623 = arith.select %ge3A_622, %masked_sort3A_586, %rev3A_616 : vector<16xi1>, vector<16xf32>
      %select_n3A_624 = arith.select %ge3A_622, %masked_sort3A_587, %rev3A_621 : vector<16xi1>, vector<16xi32>
      %masked_sort3A_625 = arith.constant dense<true> : vector<16xi1>
      %masked_sort3A_626, %masked_sort3A_627, %masked_sort3A_628 = tpu.sort %select_n3A_610, %select_n3A_611 masked %masked_sort3A_625 {descending = true} : (vector<16xf32>, vector<16xi32>, vector<16xi1>) -> (vector<16xi1>, vector<16xf32>, vector<16xi32>)
      %masked_sort3A_629 = arith.constant dense<true> : vector<16xi1>
      %masked_sort3A_630, %masked_sort3A_631, %masked_sort3A_632 = tpu.sort %select_n3A_623, %select_n3A_624 masked %masked_sort3A_629 {descending = true} : (vector<16xf32>, vector<16xi32>, vector<16xi1>) -> (vector<16xi1>, vector<16xf32>, vector<16xi32>)
      %rev3A_633 = arith.constant 15 : i32
      %rev3A_634 = vector.broadcast %rev3A_633 : i32 to vector<16xi32>
      %rev3A_635 = tpu.iota {dimensions = array<i32: 0>} : vector<16xi32>
      %rev3A_636 = arith.subi %rev3A_634, %rev3A_635 : vector<16xi32>
      %rev3A_637 = tpu.dynamic_gather %masked_sort3A_631[%rev3A_636] in [0] : vector<16xf32>, vector<16xi32> -> vector<16xf32>
      %rev3A_638 = arith.constant 15 : i32
      %rev3A_639 = vector.broadcast %rev3A_638 : i32 to vector<16xi32>
      %rev3A_640 = tpu.iota {dimensions = array<i32: 0>} : vector<16xi32>
      %rev3A_641 = arith.subi %rev3A_639, %rev3A_640 : vector<16xi32>
      %rev3A_642 = tpu.dynamic_gather %masked_sort3A_632[%rev3A_641] in [0] : vector<16xi32>, vector<16xi32> -> vector<16xi32>
      %ge3A_643 = arith.cmpf oge, %masked_sort3A_627, %rev3A_637 : vector<16xf32>
      %select_n3A_644 = arith.select %ge3A_643, %masked_sort3A_627, %rev3A_637 : vector<16xi1>, vector<16xf32>
      %select_n3A_645 = arith.select %ge3A_643, %masked_sort3A_628, %rev3A_642 : vector<16xi1>, vector<16xi32>
      %masked_sort3A_646 = arith.constant dense<true> : vector<16xi1>
      %masked_sort3A_647, %masked_sort3A_648, %masked_sort3A_649 = tpu.sort %select_n3A_644, %select_n3A_645 masked %masked_sort3A_646 {descending = true} : (vector<16xf32>, vector<16xi32>, vector<16xi1>) -> (vector<16xi1>, vector<16xf32>, vector<16xi32>)
      %add3A_650 = arith.constant 6 : i32
      %add3A_651 = arith.addi %mul3A_60, %add3A_650 : i32
      %mul3A_652 = arith.constant 64 : i32
      %mul3A_653 = arith.muli %add3A_651, %mul3A_652 : i32
      %add3A_654 = arith.constant 0 : i32
      %add3A_655 = arith.addi %mul3A_653, %add3A_654 : i32
      %get3A_656 = arith.index_cast %add3A_655 : i32 to index
      %get3A_657 = tpu.vector_load %arg5[%get3A_656] {strides = array<i32>} : memref<32768xf32, #tpu.memory_space<vmem>>, vector<16xf32>,
      %add3A_658 = arith.constant 0 : i32
      %add3A_659 = vector.broadcast %add3A_658 : i32 to vector<16xi32>
      %add3A_660 = arith.addi %iota3A, %add3A_659 : vector<16xi32>
      %masked_sort3A_661 = arith.constant dense<true> : vector<16xi1>
      %masked_sort3A_662, %masked_sort3A_663, %masked_sort3A_664 = tpu.sort %get3A_657, %add3A_660 masked %masked_sort3A_661 {descending = true} : (vector<16xf32>, vector<16xi32>, vector<16xi1>) -> (vector<16xi1>, vector<16xf32>, vector<16xi32>)
      %add3A_665 = arith.constant 16 : i32
      %add3A_666 = arith.addi %mul3A_653, %add3A_665 : i32
      %get3A_667 = arith.index_cast %add3A_666 : i32 to index
      %get3A_668 = tpu.vector_load %arg5[%get3A_667] {strides = array<i32>} : memref<32768xf32, #tpu.memory_space<vmem>>, vector<16xf32>,
      %add3A_669 = arith.constant 16 : i32
      %add3A_670 = vector.broadcast %add3A_669 : i32 to vector<16xi32>
      %add3A_671 = arith.addi %iota3A, %add3A_670 : vector<16xi32>
      %masked_sort3A_672 = arith.constant dense<true> : vector<16xi1>
      %masked_sort3A_673, %masked_sort3A_674, %masked_sort3A_675 = tpu.sort %get3A_668, %add3A_671 masked %masked_sort3A_672 {descending = true} : (vector<16xf32>, vector<16xi32>, vector<16xi1>) -> (vector<16xi1>, vector<16xf32>, vector<16xi32>)
      %add3A_676 = arith.constant 32 : i32
      %add3A_677 = arith.addi %mul3A_653, %add3A_676 : i32
      %get3A_678 = arith.index_cast %add3A_677 : i32 to index
      %get3A_679 = tpu.vector_load %arg5[%get3A_678] {strides = array<i32>} : memref<32768xf32, #tpu.memory_space<vmem>>, vector<16xf32>,
      %add3A_680 = arith.constant 32 : i32
      %add3A_681 = vector.broadcast %add3A_680 : i32 to vector<16xi32>
      %add3A_682 = arith.addi %iota3A, %add3A_681 : vector<16xi32>
      %masked_sort3A_683 = arith.constant dense<true> : vector<16xi1>
      %masked_sort3A_684, %masked_sort3A_685, %masked_sort3A_686 = tpu.sort %get3A_679, %add3A_682 masked %masked_sort3A_683 {descending = true} : (vector<16xf32>, vector<16xi32>, vector<16xi1>) -> (vector<16xi1>, vector<16xf32>, vector<16xi32>)
      %add3A_687 = arith.constant 48 : i32
      %add3A_688 = arith.addi %mul3A_653, %add3A_687 : i32
      %get3A_689 = arith.index_cast %add3A_688 : i32 to index
      %get3A_690 = tpu.vector_load %arg5[%get3A_689] {strides = array<i32>} : memref<32768xf32, #tpu.memory_space<vmem>>, vector<16xf32>,
      %add3A_691 = arith.constant 48 : i32
      %add3A_692 = vector.broadcast %add3A_691 : i32 to vector<16xi32>
      %add3A_693 = arith.addi %iota3A, %add3A_692 : vector<16xi32>
      %masked_sort3A_694 = arith.constant dense<true> : vector<16xi1>
      %masked_sort3A_695, %masked_sort3A_696, %masked_sort3A_697 = tpu.sort %get3A_690, %add3A_693 masked %masked_sort3A_694 {descending = true} : (vector<16xf32>, vector<16xi32>, vector<16xi1>) -> (vector<16xi1>, vector<16xf32>, vector<16xi32>)
      %rev3A_698 = arith.constant 15 : i32
      %rev3A_699 = vector.broadcast %rev3A_698 : i32 to vector<16xi32>
      %rev3A_700 = tpu.iota {dimensions = array<i32: 0>} : vector<16xi32>
      %rev3A_701 = arith.subi %rev3A_699, %rev3A_700 : vector<16xi32>
      %rev3A_702 = tpu.dynamic_gather %masked_sort3A_674[%rev3A_701] in [0] : vector<16xf32>, vector<16xi32> -> vector<16xf32>
      %rev3A_703 = arith.constant 15 : i32
      %rev3A_704 = vector.broadcast %rev3A_703 : i32 to vector<16xi32>
      %rev3A_705 = tpu.iota {dimensions = array<i32: 0>} : vector<16xi32>
      %rev3A_706 = arith.subi %rev3A_704, %rev3A_705 : vector<16xi32>
      %rev3A_707 = tpu.dynamic_gather %masked_sort3A_675[%rev3A_706] in [0] : vector<16xi32>, vector<16xi32> -> vector<16xi32>
      %ge3A_708 = arith.cmpf oge, %masked_sort3A_663, %rev3A_702 : vector<16xf32>
      %select_n3A_709 = arith.select %ge3A_708, %masked_sort3A_663, %rev3A_702 : vector<16xi1>, vector<16xf32>
      %select_n3A_710 = arith.select %ge3A_708, %masked_sort3A_664, %rev3A_707 : vector<16xi1>, vector<16xi32>
      %rev3A_711 = arith.constant 15 : i32
      %rev3A_712 = vector.broadcast %rev3A_711 : i32 to vector<16xi32>
      %rev3A_713 = tpu.iota {dimensions = array<i32: 0>} : vector<16xi32>
      %rev3A_714 = arith.subi %rev3A_712, %rev3A_713 : vector<16xi32>
      %rev3A_715 = tpu.dynamic_gather %masked_sort3A_696[%rev3A_714] in [0] : vector<16xf32>, vector<16xi32> -> vector<16xf32>
      %rev3A_716 = arith.constant 15 : i32
      %rev3A_717 = vector.broadcast %rev3A_716 : i32 to vector<16xi32>
      %rev3A_718 = tpu.iota {dimensions = array<i32: 0>} : vector<16xi32>
      %rev3A_719 = arith.subi %rev3A_717, %rev3A_718 : vector<16xi32>
      %rev3A_720 = tpu.dynamic_gather %masked_sort3A_697[%rev3A_719] in [0] : vector<16xi32>, vector<16xi32> -> vector<16xi32>
      %ge3A_721 = arith.cmpf oge, %masked_sort3A_685, %rev3A_715 : vector<16xf32>
      %select_n3A_722 = arith.select %ge3A_721, %masked_sort3A_685, %rev3A_715 : vector<16xi1>, vector<16xf32>
      %select_n3A_723 = arith.select %ge3A_721, %masked_sort3A_686, %rev3A_720 : vector<16xi1>, vector<16xi32>
      %masked_sort3A_724 = arith.constant dense<true> : vector<16xi1>
      %masked_sort3A_725, %masked_sort3A_726, %masked_sort3A_727 = tpu.sort %select_n3A_709, %select_n3A_710 masked %masked_sort3A_724 {descending = true} : (vector<16xf32>, vector<16xi32>, vector<16xi1>) -> (vector<16xi1>, vector<16xf32>, vector<16xi32>)
      %masked_sort3A_728 = arith.constant dense<true> : vector<16xi1>
      %masked_sort3A_729, %masked_sort3A_730, %masked_sort3A_731 = tpu.sort %select_n3A_722, %select_n3A_723 masked %masked_sort3A_728 {descending = true} : (vector<16xf32>, vector<16xi32>, vector<16xi1>) -> (vector<16xi1>, vector<16xf32>, vector<16xi32>)
      %rev3A_732 = arith.constant 15 : i32
      %rev3A_733 = vector.broadcast %rev3A_732 : i32 to vector<16xi32>
      %rev3A_734 = tpu.iota {dimensions = array<i32: 0>} : vector<16xi32>
      %rev3A_735 = arith.subi %rev3A_733, %rev3A_734 : vector<16xi32>
      %rev3A_736 = tpu.dynamic_gather %masked_sort3A_730[%rev3A_735] in [0] : vector<16xf32>, vector<16xi32> -> vector<16xf32>
      %rev3A_737 = arith.constant 15 : i32
      %rev3A_738 = vector.broadcast %rev3A_737 : i32 to vector<16xi32>
      %rev3A_739 = tpu.iota {dimensions = array<i32: 0>} : vector<16xi32>
      %rev3A_740 = arith.subi %rev3A_738, %rev3A_739 : vector<16xi32>
      %rev3A_741 = tpu.dynamic_gather %masked_sort3A_731[%rev3A_740] in [0] : vector<16xi32>, vector<16xi32> -> vector<16xi32>
      %ge3A_742 = arith.cmpf oge, %masked_sort3A_726, %rev3A_736 : vector<16xf32>
      %select_n3A_743 = arith.select %ge3A_742, %masked_sort3A_726, %rev3A_736 : vector<16xi1>, vector<16xf32>
      %select_n3A_744 = arith.select %ge3A_742, %masked_sort3A_727, %rev3A_741 : vector<16xi1>, vector<16xi32>
      %masked_sort3A_745 = arith.constant dense<true> : vector<16xi1>
      %masked_sort3A_746, %masked_sort3A_747, %masked_sort3A_748 = tpu.sort %select_n3A_743, %select_n3A_744 masked %masked_sort3A_745 {descending = true} : (vector<16xf32>, vector<16xi32>, vector<16xi1>) -> (vector<16xi1>, vector<16xf32>, vector<16xi32>)
      %add3A_749 = arith.constant 7 : i32
      %add3A_750 = arith.addi %mul3A_60, %add3A_749 : i32
      %mul3A_751 = arith.constant 64 : i32
      %mul3A_752 = arith.muli %add3A_750, %mul3A_751 : i32
      %add3A_753 = arith.constant 0 : i32
      %add3A_754 = arith.addi %mul3A_752, %add3A_753 : i32
      %get3A_755 = arith.index_cast %add3A_754 : i32 to index
      %get3A_756 = tpu.vector_load %arg5[%get3A_755] {strides = array<i32>} : memref<32768xf32, #tpu.memory_space<vmem>>, vector<16xf32>,
      %add3A_757 = arith.constant 0 : i32
      %add3A_758 = vector.broadcast %add3A_757 : i32 to vector<16xi32>
      %add3A_759 = arith.addi %iota3A, %add3A_758 : vector<16xi32>
      %masked_sort3A_760 = arith.constant dense<true> : vector<16xi1>
      %masked_sort3A_761, %masked_sort3A_762, %masked_sort3A_763 = tpu.sort %get3A_756, %add3A_759 masked %masked_sort3A_760 {descending = true} : (vector<16xf32>, vector<16xi32>, vector<16xi1>) -> (vector<16xi1>, vector<16xf32>, vector<16xi32>)
      %add3A_764 = arith.constant 16 : i32
      %add3A_765 = arith.addi %mul3A_752, %add3A_764 : i32
      %get3A_766 = arith.index_cast %add3A_765 : i32 to index
      %get3A_767 = tpu.vector_load %arg5[%get3A_766] {strides = array<i32>} : memref<32768xf32, #tpu.memory_space<vmem>>, vector<16xf32>,
      %add3A_768 = arith.constant 16 : i32
      %add3A_769 = vector.broadcast %add3A_768 : i32 to vector<16xi32>
      %add3A_770 = arith.addi %iota3A, %add3A_769 : vector<16xi32>
      %masked_sort3A_771 = arith.constant dense<true> : vector<16xi1>
      %masked_sort3A_772, %masked_sort3A_773, %masked_sort3A_774 = tpu.sort %get3A_767, %add3A_770 masked %masked_sort3A_771 {descending = true} : (vector<16xf32>, vector<16xi32>, vector<16xi1>) -> (vector<16xi1>, vector<16xf32>, vector<16xi32>)
      %add3A_775 = arith.constant 32 : i32
      %add3A_776 = arith.addi %mul3A_752, %add3A_775 : i32
      %get3A_777 = arith.index_cast %add3A_776 : i32 to index
      %get3A_778 = tpu.vector_load %arg5[%get3A_777] {strides = array<i32>} : memref<32768xf32, #tpu.memory_space<vmem>>, vector<16xf32>,
      %add3A_779 = arith.constant 32 : i32
      %add3A_780 = vector.broadcast %add3A_779 : i32 to vector<16xi32>
      %add3A_781 = arith.addi %iota3A, %add3A_780 : vector<16xi32>
      %masked_sort3A_782 = arith.constant dense<true> : vector<16xi1>
      %masked_sort3A_783, %masked_sort3A_784, %masked_sort3A_785 = tpu.sort %get3A_778, %add3A_781 masked %masked_sort3A_782 {descending = true} : (vector<16xf32>, vector<16xi32>, vector<16xi1>) -> (vector<16xi1>, vector<16xf32>, vector<16xi32>)
      %add3A_786 = arith.constant 48 : i32
      %add3A_787 = arith.addi %mul3A_752, %add3A_786 : i32
      %get3A_788 = arith.index_cast %add3A_787 : i32 to index
      %get3A_789 = tpu.vector_load %arg5[%get3A_788] {strides = array<i32>} : memref<32768xf32, #tpu.memory_space<vmem>>, vector<16xf32>,
      %add3A_790 = arith.constant 48 : i32
      %add3A_791 = vector.broadcast %add3A_790 : i32 to vector<16xi32>
      %add3A_792 = arith.addi %iota3A, %add3A_791 : vector<16xi32>
      %masked_sort3A_793 = arith.constant dense<true> : vector<16xi1>
      %masked_sort3A_794, %masked_sort3A_795, %masked_sort3A_796 = tpu.sort %get3A_789, %add3A_792 masked %masked_sort3A_793 {descending = true} : (vector<16xf32>, vector<16xi32>, vector<16xi1>) -> (vector<16xi1>, vector<16xf32>, vector<16xi32>)
      %rev3A_797 = arith.constant 15 : i32
      %rev3A_798 = vector.broadcast %rev3A_797 : i32 to vector<16xi32>
      %rev3A_799 = tpu.iota {dimensions = array<i32: 0>} : vector<16xi32>
      %rev3A_800 = arith.subi %rev3A_798, %rev3A_799 : vector<16xi32>
      %rev3A_801 = tpu.dynamic_gather %masked_sort3A_773[%rev3A_800] in [0] : vector<16xf32>, vector<16xi32> -> vector<16xf32>
      %rev3A_802 = arith.constant 15 : i32
      %rev3A_803 = vector.broadcast %rev3A_802 : i32 to vector<16xi32>
      %rev3A_804 = tpu.iota {dimensions = array<i32: 0>} : vector<16xi32>
      %rev3A_805 = arith.subi %rev3A_803, %rev3A_804 : vector<16xi32>
      %rev3A_806 = tpu.dynamic_gather %masked_sort3A_774[%rev3A_805] in [0] : vector<16xi32>, vector<16xi32> -> vector<16xi32>
      %ge3A_807 = arith.cmpf oge, %masked_sort3A_762, %rev3A_801 : vector<16xf32>
      %select_n3A_808 = arith.select %ge3A_807, %masked_sort3A_762, %rev3A_801 : vector<16xi1>, vector<16xf32>
      %select_n3A_809 = arith.select %ge3A_807, %masked_sort3A_763, %rev3A_806 : vector<16xi1>, vector<16xi32>
      %rev3A_810 = arith.constant 15 : i32
      %rev3A_811 = vector.broadcast %rev3A_810 : i32 to vector<16xi32>
      %rev3A_812 = tpu.iota {dimensions = array<i32: 0>} : vector<16xi32>
      %rev3A_813 = arith.subi %rev3A_811, %rev3A_812 : vector<16xi32>
      %rev3A_814 = tpu.dynamic_gather %masked_sort3A_795[%rev3A_813] in [0] : vector<16xf32>, vector<16xi32> -> vector<16xf32>
      %rev3A_815 = arith.constant 15 : i32
      %rev3A_816 = vector.broadcast %rev3A_815 : i32 to vector<16xi32>
      %rev3A_817 = tpu.iota {dimensions = array<i32: 0>} : vector<16xi32>
      %rev3A_818 = arith.subi %rev3A_816, %rev3A_817 : vector<16xi32>
      %rev3A_819 = tpu.dynamic_gather %masked_sort3A_796[%rev3A_818] in [0] : vector<16xi32>, vector<16xi32> -> vector<16xi32>
      %ge3A_820 = arith.cmpf oge, %masked_sort3A_784, %rev3A_814 : vector<16xf32>
      %select_n3A_821 = arith.select %ge3A_820, %masked_sort3A_784, %rev3A_814 : vector<16xi1>, vector<16xf32>
      %select_n3A_822 = arith.select %ge3A_820, %masked_sort3A_785, %rev3A_819 : vector<16xi1>, vector<16xi32>
      %masked_sort3A_823 = arith.constant dense<true> : vector<16xi1>
      %masked_sort3A_824, %masked_sort3A_825, %masked_sort3A_826 = tpu.sort %select_n3A_808, %select_n3A_809 masked %masked_sort3A_823 {descending = true} : (vector<16xf32>, vector<16xi32>, vector<16xi1>) -> (vector<16xi1>, vector<16xf32>, vector<16xi32>)
      %masked_sort3A_827 = arith.constant dense<true> : vector<16xi1>
      %masked_sort3A_828, %masked_sort3A_829, %masked_sort3A_830 = tpu.sort %select_n3A_821, %select_n3A_822 masked %masked_sort3A_827 {descending = true} : (vector<16xf32>, vector<16xi32>, vector<16xi1>) -> (vector<16xi1>, vector<16xf32>, vector<16xi32>)
      %rev3A_831 = arith.constant 15 : i32
      %rev3A_832 = vector.broadcast %rev3A_831 : i32 to vector<16xi32>
      %rev3A_833 = tpu.iota {dimensions = array<i32: 0>} : vector<16xi32>
      %rev3A_834 = arith.subi %rev3A_832, %rev3A_833 : vector<16xi32>
      %rev3A_835 = tpu.dynamic_gather %masked_sort3A_829[%rev3A_834] in [0] : vector<16xf32>, vector<16xi32> -> vector<16xf32>
      %rev3A_836 = arith.constant 15 : i32
      %rev3A_837 = vector.broadcast %rev3A_836 : i32 to vector<16xi32>
      %rev3A_838 = tpu.iota {dimensions = array<i32: 0>} : vector<16xi32>
      %rev3A_839 = arith.subi %rev3A_837, %rev3A_838 : vector<16xi32>
      %rev3A_840 = tpu.dynamic_gather %masked_sort3A_830[%rev3A_839] in [0] : vector<16xi32>, vector<16xi32> -> vector<16xi32>
      %ge3A_841 = arith.cmpf oge, %masked_sort3A_825, %rev3A_835 : vector<16xf32>
      %select_n3A_842 = arith.select %ge3A_841, %masked_sort3A_825, %rev3A_835 : vector<16xi1>, vector<16xf32>
      %select_n3A_843 = arith.select %ge3A_841, %masked_sort3A_826, %rev3A_840 : vector<16xi1>, vector<16xi32>
      %masked_sort3A_844 = arith.constant dense<true> : vector<16xi1>
      %masked_sort3A_845, %masked_sort3A_846, %masked_sort3A_847 = tpu.sort %select_n3A_842, %select_n3A_843 masked %masked_sort3A_844 {descending = true} : (vector<16xf32>, vector<16xi32>, vector<16xi1>) -> (vector<16xi1>, vector<16xf32>, vector<16xi32>)
      %add3A_848 = arith.constant 0 : i32
      %add3A_849 = arith.addi %mul3A_60, %add3A_848 : i32
      %mul3A_850 = arith.constant 8 : i32
      %mul3A_851 = arith.muli %add3A_849, %mul3A_850 : i32
      %swap3A_852 = arith.index_cast %mul3A_851 : i32 to index
      %swap3A_853 = tpu.vector_load %arg6[%swap3A_852] masked %lt3A_33 {strides = array<i32>} : memref<4112xi32, #tpu.memory_space<vmem>>, vector<16xi32>, vector<16xi1>
      tpu.vector_store %arg6[%swap3A_852], %masked_sort3A_154 masked %lt3A_33 {strides = array<i32>} : memref<4112xi32, #tpu.memory_space<vmem>>, vector<16xi32>, vector<16xi1>
      tpu.vector_store_idx %arg7[%masked_sort3A_154], %broadcast_in_dim3A_29 masked %eq3A_31 {add = true} : memref<64xf32, #tpu.memory_space<vmem>>[vector<16xi32>], vector<16xf32>, vector<16xi1>
      %add3A_854 = arith.constant 1 : i32
      %add3A_855 = arith.addi %mul3A_60, %add3A_854 : i32
      %mul3A_856 = arith.constant 8 : i32
      %mul3A_857 = arith.muli %add3A_855, %mul3A_856 : i32
      %swap3A_858 = arith.index_cast %mul3A_857 : i32 to index
      %swap3A_859 = tpu.vector_load %arg6[%swap3A_858] masked %lt3A_33 {strides = array<i32>} : memref<4112xi32, #tpu.memory_space<vmem>>, vector<16xi32>, vector<16xi1>
      tpu.vector_store %arg6[%swap3A_858], %masked_sort3A_253 masked %lt3A_33 {strides = array<i32>} : memref<4112xi32, #tpu.memory_space<vmem>>, vector<16xi32>, vector<16xi1>
      tpu.vector_store_idx %arg7[%masked_sort3A_253], %broadcast_in_dim3A_29 masked %eq3A_31 {add = true} : memref<64xf32, #tpu.memory_space<vmem>>[vector<16xi32>], vector<16xf32>, vector<16xi1>
      %add3A_860 = arith.constant 2 : i32
      %add3A_861 = arith.addi %mul3A_60, %add3A_860 : i32
      %mul3A_862 = arith.constant 8 : i32
      %mul3A_863 = arith.muli %add3A_861, %mul3A_862 : i32
      %swap3A_864 = arith.index_cast %mul3A_863 : i32 to index
      %swap3A_865 = tpu.vector_load %arg6[%swap3A_864] masked %lt3A_33 {strides = array<i32>} : memref<4112xi32, #tpu.memory_space<vmem>>, vector<16xi32>, vector<16xi1>
      tpu.vector_store %arg6[%swap3A_864], %masked_sort3A_352 masked %lt3A_33 {strides = array<i32>} : memref<4112xi32, #tpu.memory_space<vmem>>, vector<16xi32>, vector<16xi1>
      tpu.vector_store_idx %arg7[%masked_sort3A_352], %broadcast_in_dim3A_29 masked %eq3A_31 {add = true} : memref<64xf32, #tpu.memory_space<vmem>>[vector<16xi32>], vector<16xf32>, vector<16xi1>
      %add3A_866 = arith.constant 3 : i32
      %add3A_867 = arith.addi %mul3A_60, %add3A_866 : i32
      %mul3A_868 = arith.constant 8 : i32
      %mul3A_869 = arith.muli %add3A_867, %mul3A_868 : i32
      %swap3A_870 = arith.index_cast %mul3A_869 : i32 to index
      %swap3A_871 = tpu.vector_load %arg6[%swap3A_870] masked %lt3A_33 {strides = array<i32>} : memref<4112xi32, #tpu.memory_space<vmem>>, vector<16xi32>, vector<16xi1>
      tpu.vector_store %arg6[%swap3A_870], %masked_sort3A_451 masked %lt3A_33 {strides = array<i32>} : memref<4112xi32, #tpu.memory_space<vmem>>, vector<16xi32>, vector<16xi1>
      tpu.vector_store_idx %arg7[%masked_sort3A_451], %broadcast_in_dim3A_29 masked %eq3A_31 {add = true} : memref<64xf32, #tpu.memory_space<vmem>>[vector<16xi32>], vector<16xf32>, vector<16xi1>
      %add3A_872 = arith.constant 4 : i32
      %add3A_873 = arith.addi %mul3A_60, %add3A_872 : i32
      %mul3A_874 = arith.constant 8 : i32
      %mul3A_875 = arith.muli %add3A_873, %mul3A_874 : i32
      %swap3A_876 = arith.index_cast %mul3A_875 : i32 to index
      %swap3A_877 = tpu.vector_load %arg6[%swap3A_876] masked %lt3A_33 {strides = array<i32>} : memref<4112xi32, #tpu.memory_space<vmem>>, vector<16xi32>, vector<16xi1>
      tpu.vector_store %arg6[%swap3A_876], %masked_sort3A_550 masked %lt3A_33 {strides = array<i32>} : memref<4112xi32, #tpu.memory_space<vmem>>, vector<16xi32>, vector<16xi1>
      tpu.vector_store_idx %arg7[%masked_sort3A_550], %broadcast_in_dim3A_29 masked %eq3A_31 {add = true} : memref<64xf32, #tpu.memory_space<vmem>>[vector<16xi32>], vector<16xf32>, vector<16xi1>
      %add3A_878 = arith.constant 5 : i32
      %add3A_879 = arith.addi %mul3A_60, %add3A_878 : i32
      %mul3A_880 = arith.constant 8 : i32
      %mul3A_881 = arith.muli %add3A_879, %mul3A_880 : i32
      %swap3A_882 = arith.index_cast %mul3A_881 : i32 to index
      %swap3A_883 = tpu.vector_load %arg6[%swap3A_882] masked %lt3A_33 {strides = array<i32>} : memref<4112xi32, #tpu.memory_space<vmem>>, vector<16xi32>, vector<16xi1>
      tpu.vector_store %arg6[%swap3A_882], %masked_sort3A_649 masked %lt3A_33 {strides = array<i32>} : memref<4112xi32, #tpu.memory_space<vmem>>, vector<16xi32>, vector<16xi1>
      tpu.vector_store_idx %arg7[%masked_sort3A_649], %broadcast_in_dim3A_29 masked %eq3A_31 {add = true} : memref<64xf32, #tpu.memory_space<vmem>>[vector<16xi32>], vector<16xf32>, vector<16xi1>
      %add3A_884 = arith.constant 6 : i32
      %add3A_885 = arith.addi %mul3A_60, %add3A_884 : i32
      %mul3A_886 = arith.constant 8 : i32
      %mul3A_887 = arith.muli %add3A_885, %mul3A_886 : i32
      %swap3A_888 = arith.index_cast %mul3A_887 : i32 to index
      %swap3A_889 = tpu.vector_load %arg6[%swap3A_888] masked %lt3A_33 {strides = array<i32>} : memref<4112xi32, #tpu.memory_space<vmem>>, vector<16xi32>, vector<16xi1>
      tpu.vector_store %arg6[%swap3A_888], %masked_sort3A_748 masked %lt3A_33 {strides = array<i32>} : memref<4112xi32, #tpu.memory_space<vmem>>, vector<16xi32>, vector<16xi1>
      tpu.vector_store_idx %arg7[%masked_sort3A_748], %broadcast_in_dim3A_29 masked %eq3A_31 {add = true} : memref<64xf32, #tpu.memory_space<vmem>>[vector<16xi32>], vector<16xf32>, vector<16xi1>
      %add3A_890 = arith.constant 7 : i32
      %add3A_891 = arith.addi %mul3A_60, %add3A_890 : i32
      %mul3A_892 = arith.constant 8 : i32
      %mul3A_893 = arith.muli %add3A_891, %mul3A_892 : i32
      %swap3A_894 = arith.index_cast %mul3A_893 : i32 to index
      %swap3A_895 = tpu.vector_load %arg6[%swap3A_894] masked %lt3A_33 {strides = array<i32>} : memref<4112xi32, #tpu.memory_space<vmem>>, vector<16xi32>, vector<16xi1>
      tpu.vector_store %arg6[%swap3A_894], %masked_sort3A_847 masked %lt3A_33 {strides = array<i32>} : memref<4112xi32, #tpu.memory_space<vmem>>, vector<16xi32>, vector<16xi1>
      tpu.vector_store_idx %arg7[%masked_sort3A_847], %broadcast_in_dim3A_29 masked %eq3A_31 {add = true} : memref<64xf32, #tpu.memory_space<vmem>>[vector<16xi32>], vector<16xf32>, vector<16xi1>
    }
    %scan3A_43 = arith.constant 32 : i32
    %dma_wait3A_44 = arith.constant 16384 : i32
    %dma_wait3A_45 = tpu.memref_slice %arg5[%dma_wait3A_44] : memref<32768xf32, #tpu.memory_space<vmem>> -> memref<16384xf32, #tpu.memory_space<vmem>>
    %dma_wait3A_46 = tpu.memref_slice %arg2[%add3A_13] : memref<1048576xf32, #tpu.memory_space<hbm>> -> memref<16384xf32, #tpu.memory_space<hbm>>
    %dma_wait3A_47 = arith.constant 16384 : i32
    %dma_wait3A_48 = tpu.memref_slice %arg5[%dma_wait3A_47] : memref<32768xf32, #tpu.memory_space<vmem>> -> memref<16384xf32, #tpu.memory_space<vmem>>
    %dma_wait3A_49 = tpu.memref_slice %arg2[%add3A_13] : memref<1048576xf32, #tpu.memory_space<hbm>> -> memref<16384xf32, #tpu.memory_space<hbm>>
    tpu.wait_dma2 semaphore(%arg9 : memref<!tpu.dma_semaphore, #tpu.memory_space<semaphore_mem>>) src(%dma_wait3A_49 : memref<16384xf32, #tpu.memory_space<hbm>>) dst(%dma_wait3A_48 : memref<16384xf32, #tpu.memory_space<vmem>>)
    %scan3A_50 = arith.constant 0 : i32
    %scan3A_51 = arith.constant 32 : i32
    %scan3A_52 = arith.constant 32 : i32
    %scan3A_53 = arith.addi %scan3A_51, %scan3A_52 : i32
    %scan3A_54 = arith.constant 1 : i32
    scf.for %scan3A_58 = %scan3A_51 to %scan3A_53 step %scan3A_54  : i32 {
      %mul3A_59 = arith.constant 8 : i32
      %mul3A_60 = arith.muli %scan3A_58, %mul3A_59 : i32
      %add3A_61 = arith.constant 0 : i32
      %add3A_62 = arith.addi %mul3A_60, %add3A_61 : i32
      %mul3A_63 = arith.constant 64 : i32
      %mul3A_64 = arith.muli %add3A_62, %mul3A_63 : i32
      %add3A_65 = arith.constant 0 : i32
      %add3A_66 = arith.addi %mul3A_64, %add3A_65 : i32
      %get3A = arith.index_cast %add3A_66 : i32 to index
      %get3A_67 = tpu.vector_load %arg5[%get3A] {strides = array<i32>} : memref<32768xf32, #tpu.memory_space<vmem>>, vector<16xf32>,
      %add3A_68 = arith.constant 0 : i32
      %add3A_69 = vector.broadcast %add3A_68 : i32 to vector<16xi32>
      %add3A_70 = arith.addi %iota3A, %add3A_69 : vector<16xi32>
      %masked_sort3A = arith.constant dense<true> : vector<16xi1>
      %masked_sort3A_71, %masked_sort3A_72, %masked_sort3A_73 = tpu.sort %get3A_67, %add3A_70 masked %masked_sort3A {descending = true} : (vector<16xf32>, vector<16xi32>, vector<16xi1>) -> (vector<16xi1>, vector<16xf32>, vector<16xi32>)
      %add3A_74 = arith.constant 16 : i32
      %add3A_75 = arith.addi %mul3A_64, %add3A_74 : i32
      %get3A_76 = arith.index_cast %add3A_75 : i32 to index
      %get3A_77 = tpu.vector_load %arg5[%get3A_76] {strides = array<i32>} : memref<32768xf32, #tpu.memory_space<vmem>>, vector<16xf32>,
      %add3A_78 = arith.constant 16 : i32
      %add3A_79 = vector.broadcast %add3A_78 : i32 to vector<16xi32>
      %add3A_80 = arith.addi %iota3A, %add3A_79 : vector<16xi32>
      %masked_sort3A_81 = arith.constant dense<true> : vector<16xi1>
      %masked_sort3A_82, %masked_sort3A_83, %masked_sort3A_84 = tpu.sort %get3A_77, %add3A_80 masked %masked_sort3A_81 {descending = true} : (vector<16xf32>, vector<16xi32>, vector<16xi1>) -> (vector<16xi1>, vector<16xf32>, vector<16xi32>)
      %add3A_85 = arith.constant 32 : i32
      %add3A_86 = arith.addi %mul3A_64, %add3A_85 : i32
      %get3A_87 = arith.index_cast %add3A_86 : i32 to index
      %get3A_88 = tpu.vector_load %arg5[%get3A_87] {strides = array<i32>} : memref<32768xf32, #tpu.memory_space<vmem>>, vector<16xf32>,
      %add3A_89 = arith.constant 32 : i32
      %add3A_90 = vector.broadcast %add3A_89 : i32 to vector<16xi32>
      %add3A_91 = arith.addi %iota3A, %add3A_90 : vector<16xi32>
      %masked_sort3A_92 = arith.constant dense<true> : vector<16xi1>
      %masked_sort3A_93, %masked_sort3A_94, %masked_sort3A_95 = tpu.sort %get3A_88, %add3A_91 masked %masked_sort3A_92 {descending = true} : (vector<16xf32>, vector<16xi32>, vector<16xi1>) -> (vector<16xi1>, vector<16xf32>, vector<16xi32>)
      %add3A_96 = arith.constant 48 : i32
      %add3A_97 = arith.addi %mul3A_64, %add3A_96 : i32
      %get3A_98 = arith.index_cast %add3A_97 : i32 to index
      %get3A_99 = tpu.vector_load %arg5[%get3A_98] {strides = array<i32>} : memref<32768xf32, #tpu.memory_space<vmem>>, vector<16xf32>,
      %add3A_100 = arith.constant 48 : i32
      %add3A_101 = vector.broadcast %add3A_100 : i32 to vector<16xi32>
      %add3A_102 = arith.addi %iota3A, %add3A_101 : vector<16xi32>
      %masked_sort3A_103 = arith.constant dense<true> : vector<16xi1>
      %masked_sort3A_104, %masked_sort3A_105, %masked_sort3A_106 = tpu.sort %get3A_99, %add3A_102 masked %masked_sort3A_103 {descending = true} : (vector<16xf32>, vector<16xi32>, vector<16xi1>) -> (vector<16xi1>, vector<16xf32>, vector<16xi32>)
      %rev3A = arith.constant 15 : i32
      %rev3A_107 = vector.broadcast %rev3A : i32 to vector<16xi32>
      %rev3A_108 = tpu.iota {dimensions = array<i32: 0>} : vector<16xi32>
      %rev3A_109 = arith.subi %rev3A_107, %rev3A_108 : vector<16xi32>
      %rev3A_110 = tpu.dynamic_gather %masked_sort3A_83[%rev3A_109] in [0] : vector<16xf32>, vector<16xi32> -> vector<16xf32>
      %rev3A_111 = arith.constant 15 : i32
      %rev3A_112 = vector.broadcast %rev3A_111 : i32 to vector<16xi32>
      %rev3A_113 = tpu.iota {dimensions = array<i32: 0>} : vector<16xi32>
      %rev3A_114 = arith.subi %rev3A_112, %rev3A_113 : vector<16xi32>
      %rev3A_115 = tpu.dynamic_gather %masked_sort3A_84[%rev3A_114] in [0] : vector<16xi32>, vector<16xi32> -> vector<16xi32>
      %ge3A = arith.cmpf oge, %masked_sort3A_72, %rev3A_110 : vector<16xf32>
      %select_n3A = arith.select %ge3A, %masked_sort3A_72, %rev3A_110 : vector<16xi1>, vector<16xf32>
      %select_n3A_116 = arith.select %ge3A, %masked_sort3A_73, %rev3A_115 : vector<16xi1>, vector<16xi32>
      %rev3A_117 = arith.constant 15 : i32
      %rev3A_118 = vector.broadcast %rev3A_117 : i32 to vector<16xi32>
      %rev3A_119 = tpu.iota {dimensions = array<i32: 0>} : vector<16xi32>
      %rev3A_120 = arith.subi %rev3A_118, %rev3A_119 : vector<16xi32>
      %rev3A_121 = tpu.dynamic_gather %masked_sort3A_105[%rev3A_120] in [0] : vector<16xf32>, vector<16xi32> -> vector<16xf32>
      %rev3A_122 = arith.constant 15 : i32
      %rev3A_123 = vector.broadcast %rev3A_122 : i32 to vector<16xi32>
      %rev3A_124 = tpu.iota {dimensions = array<i32: 0>} : vector<16xi32>
      %rev3A_125 = arith.subi %rev3A_123, %rev3A_124 : vector<16xi32>
      %rev3A_126 = tpu.dynamic_gather %masked_sort3A_106[%rev3A_125] in [0] : vector<16xi32>, vector<16xi32> -> vector<16xi32>
      %ge3A_127 = arith.cmpf oge, %masked_sort3A_94, %rev3A_121 : vector<16xf32>
      %select_n3A_128 = arith.select %ge3A_127, %masked_sort3A_94, %rev3A_121 : vector<16xi1>, vector<16xf32>
      %select_n3A_129 = arith.select %ge3A_127, %masked_sort3A_95, %rev3A_126 : vector<16xi1>, vector<16xi32>
      %masked_sort3A_130 = arith.constant dense<true> : vector<16xi1>
      %masked_sort3A_131, %masked_sort3A_132, %masked_sort3A_133 = tpu.sort %select_n3A, %select_n3A_116 masked %masked_sort3A_130 {descending = true} : (vector<16xf32>, vector<16xi32>, vector<16xi1>) -> (vector<16xi1>, vector<16xf32>, vector<16xi32>)
      %masked_sort3A_134 = arith.constant dense<true> : vector<16xi1>
      %masked_sort3A_135, %masked_sort3A_136, %masked_sort3A_137 = tpu.sort %select_n3A_128, %select_n3A_129 masked %masked_sort3A_134 {descending = true} : (vector<16xf32>, vector<16xi32>, vector<16xi1>) -> (vector<16xi1>, vector<16xf32>, vector<16xi32>)
      %rev3A_138 = arith.constant 15 : i32
      %rev3A_139 = vector.broadcast %rev3A_138 : i32 to vector<16xi32>
      %rev3A_140 = tpu.iota {dimensions = array<i32: 0>} : vector<16xi32>
      %rev3A_141 = arith.subi %rev3A_139, %rev3A_140 : vector<16xi32>
      %rev3A_142 = tpu.dynamic_gather %masked_sort3A_136[%rev3A_141] in [0] : vector<16xf32>, vector<16xi32> -> vector<16xf32>
      %rev3A_143 = arith.constant 15 : i32
      %rev3A_144 = vector.broadcast %rev3A_143 : i32 to vector<16xi32>
      %rev3A_145 = tpu.iota {dimensions = array<i32: 0>} : vector<16xi32>
      %rev3A_146 = arith.subi %rev3A_144, %rev3A_145 : vector<16xi32>
      %rev3A_147 = tpu.dynamic_gather %masked_sort3A_137[%rev3A_146] in [0] : vector<16xi32>, vector<16xi32> -> vector<16xi32>
      %ge3A_148 = arith.cmpf oge, %masked_sort3A_132, %rev3A_142 : vector<16xf32>
      %select_n3A_149 = arith.select %ge3A_148, %masked_sort3A_132, %rev3A_142 : vector<16xi1>, vector<16xf32>
      %select_n3A_150 = arith.select %ge3A_148, %masked_sort3A_133, %rev3A_147 : vector<16xi1>, vector<16xi32>
      %masked_sort3A_151 = arith.constant dense<true> : vector<16xi1>
      %masked_sort3A_152, %masked_sort3A_153, %masked_sort3A_154 = tpu.sort %select_n3A_149, %select_n3A_150 masked %masked_sort3A_151 {descending = true} : (vector<16xf32>, vector<16xi32>, vector<16xi1>) -> (vector<16xi1>, vector<16xf32>, vector<16xi32>)
      %add3A_155 = arith.constant 1 : i32
      %add3A_156 = arith.addi %mul3A_60, %add3A_155 : i32
      %mul3A_157 = arith.constant 64 : i32
      %mul3A_158 = arith.muli %add3A_156, %mul3A_157 : i32
      %add3A_159 = arith.constant 0 : i32
      %add3A_160 = arith.addi %mul3A_158, %add3A_159 : i32
      %get3A_161 = arith.index_cast %add3A_160 : i32 to index
      %get3A_162 = tpu.vector_load %arg5[%get3A_161] {strides = array<i32>} : memref<32768xf32, #tpu.memory_space<vmem>>, vector<16xf32>,
      %add3A_163 = arith.constant 0 : i32
      %add3A_164 = vector.broadcast %add3A_163 : i32 to vector<16xi32>
      %add3A_165 = arith.addi %iota3A, %add3A_164 : vector<16xi32>
      %masked_sort3A_166 = arith.constant dense<true> : vector<16xi1>
      %masked_sort3A_167, %masked_sort3A_168, %masked_sort3A_169 = tpu.sort %get3A_162, %add3A_165 masked %masked_sort3A_166 {descending = true} : (vector<16xf32>, vector<16xi32>, vector<16xi1>) -> (vector<16xi1>, vector<16xf32>, vector<16xi32>)
      %add3A_170 = arith.constant 16 : i32
      %add3A_171 = arith.addi %mul3A_158, %add3A_170 : i32
      %get3A_172 = arith.index_cast %add3A_171 : i32 to index
      %get3A_173 = tpu.vector_load %arg5[%get3A_172] {strides = array<i32>} : memref<32768xf32, #tpu.memory_space<vmem>>, vector<16xf32>,
      %add3A_174 = arith.constant 16 : i32
      %add3A_175 = vector.broadcast %add3A_174 : i32 to vector<16xi32>
      %add3A_176 = arith.addi %iota3A, %add3A_175 : vector<16xi32>
      %masked_sort3A_177 = arith.constant dense<true> : vector<16xi1>
      %masked_sort3A_178, %masked_sort3A_179, %masked_sort3A_180 = tpu.sort %get3A_173, %add3A_176 masked %masked_sort3A_177 {descending = true} : (vector<16xf32>, vector<16xi32>, vector<16xi1>) -> (vector<16xi1>, vector<16xf32>, vector<16xi32>)
      %add3A_181 = arith.constant 32 : i32
      %add3A_182 = arith.addi %mul3A_158, %add3A_181 : i32
      %get3A_183 = arith.index_cast %add3A_182 : i32 to index
      %get3A_184 = tpu.vector_load %arg5[%get3A_183] {strides = array<i32>} : memref<32768xf32, #tpu.memory_space<vmem>>, vector<16xf32>,
      %add3A_185 = arith.constant 32 : i32
      %add3A_186 = vector.broadcast %add3A_185 : i32 to vector<16xi32>
      %add3A_187 = arith.addi %iota3A, %add3A_186 : vector<16xi32>
      %masked_sort3A_188 = arith.constant dense<true> : vector<16xi1>
      %masked_sort3A_189, %masked_sort3A_190, %masked_sort3A_191 = tpu.sort %get3A_184, %add3A_187 masked %masked_sort3A_188 {descending = true} : (vector<16xf32>, vector<16xi32>, vector<16xi1>) -> (vector<16xi1>, vector<16xf32>, vector<16xi32>)
      %add3A_192 = arith.constant 48 : i32
      %add3A_193 = arith.addi %mul3A_158, %add3A_192 : i32
      %get3A_194 = arith.index_cast %add3A_193 : i32 to index
      %get3A_195 = tpu.vector_load %arg5[%get3A_194] {strides = array<i32>} : memref<32768xf32, #tpu.memory_space<vmem>>, vector<16xf32>,
      %add3A_196 = arith.constant 48 : i32
      %add3A_197 = vector.broadcast %add3A_196 : i32 to vector<16xi32>
      %add3A_198 = arith.addi %iota3A, %add3A_197 : vector<16xi32>
      %masked_sort3A_199 = arith.constant dense<true> : vector<16xi1>
      %masked_sort3A_200, %masked_sort3A_201, %masked_sort3A_202 = tpu.sort %get3A_195, %add3A_198 masked %masked_sort3A_199 {descending = true} : (vector<16xf32>, vector<16xi32>, vector<16xi1>) -> (vector<16xi1>, vector<16xf32>, vector<16xi32>)
      %rev3A_203 = arith.constant 15 : i32
      %rev3A_204 = vector.broadcast %rev3A_203 : i32 to vector<16xi32>
      %rev3A_205 = tpu.iota {dimensions = array<i32: 0>} : vector<16xi32>
      %rev3A_206 = arith.subi %rev3A_204, %rev3A_205 : vector<16xi32>
      %rev3A_207 = tpu.dynamic_gather %masked_sort3A_179[%rev3A_206] in [0] : vector<16xf32>, vector<16xi32> -> vector<16xf32>
      %rev3A_208 = arith.constant 15 : i32
      %rev3A_209 = vector.broadcast %rev3A_208 : i32 to vector<16xi32>
      %rev3A_210 = tpu.iota {dimensions = array<i32: 0>} : vector<16xi32>
      %rev3A_211 = arith.subi %rev3A_209, %rev3A_210 : vector<16xi32>
      %rev3A_212 = tpu.dynamic_gather %masked_sort3A_180[%rev3A_211] in [0] : vector<16xi32>, vector<16xi32> -> vector<16xi32>
      %ge3A_213 = arith.cmpf oge, %masked_sort3A_168, %rev3A_207 : vector<16xf32>
      %select_n3A_214 = arith.select %ge3A_213, %masked_sort3A_168, %rev3A_207 : vector<16xi1>, vector<16xf32>
      %select_n3A_215 = arith.select %ge3A_213, %masked_sort3A_169, %rev3A_212 : vector<16xi1>, vector<16xi32>
      %rev3A_216 = arith.constant 15 : i32
      %rev3A_217 = vector.broadcast %rev3A_216 : i32 to vector<16xi32>
      %rev3A_218 = tpu.iota {dimensions = array<i32: 0>} : vector<16xi32>
      %rev3A_219 = arith.subi %rev3A_217, %rev3A_218 : vector<16xi32>
      %rev3A_220 = tpu.dynamic_gather %masked_sort3A_201[%rev3A_219] in [0] : vector<16xf32>, vector<16xi32> -> vector<16xf32>
      %rev3A_221 = arith.constant 15 : i32
      %rev3A_222 = vector.broadcast %rev3A_221 : i32 to vector<16xi32>
      %rev3A_223 = tpu.iota {dimensions = array<i32: 0>} : vector<16xi32>
      %rev3A_224 = arith.subi %rev3A_222, %rev3A_223 : vector<16xi32>
      %rev3A_225 = tpu.dynamic_gather %masked_sort3A_202[%rev3A_224] in [0] : vector<16xi32>, vector<16xi32> -> vector<16xi32>
      %ge3A_226 = arith.cmpf oge, %masked_sort3A_190, %rev3A_220 : vector<16xf32>
      %select_n3A_227 = arith.select %ge3A_226, %masked_sort3A_190, %rev3A_220 : vector<16xi1>, vector<16xf32>
      %select_n3A_228 = arith.select %ge3A_226, %masked_sort3A_191, %rev3A_225 : vector<16xi1>, vector<16xi32>
      %masked_sort3A_229 = arith.constant dense<true> : vector<16xi1>
      %masked_sort3A_230, %masked_sort3A_231, %masked_sort3A_232 = tpu.sort %select_n3A_214, %select_n3A_215 masked %masked_sort3A_229 {descending = true} : (vector<16xf32>, vector<16xi32>, vector<16xi1>) -> (vector<16xi1>, vector<16xf32>, vector<16xi32>)
      %masked_sort3A_233 = arith.constant dense<true> : vector<16xi1>
      %masked_sort3A_234, %masked_sort3A_235, %masked_sort3A_236 = tpu.sort %select_n3A_227, %select_n3A_228 masked %masked_sort3A_233 {descending = true} : (vector<16xf32>, vector<16xi32>, vector<16xi1>) -> (vector<16xi1>, vector<16xf32>, vector<16xi32>)
      %rev3A_237 = arith.constant 15 : i32
      %rev3A_238 = vector.broadcast %rev3A_237 : i32 to vector<16xi32>
      %rev3A_239 = tpu.iota {dimensions = array<i32: 0>} : vector<16xi32>
      %rev3A_240 = arith.subi %rev3A_238, %rev3A_239 : vector<16xi32>
      %rev3A_241 = tpu.dynamic_gather %masked_sort3A_235[%rev3A_240] in [0] : vector<16xf32>, vector<16xi32> -> vector<16xf32>
      %rev3A_242 = arith.constant 15 : i32
      %rev3A_243 = vector.broadcast %rev3A_242 : i32 to vector<16xi32>
      %rev3A_244 = tpu.iota {dimensions = array<i32: 0>} : vector<16xi32>
      %rev3A_245 = arith.subi %rev3A_243, %rev3A_244 : vector<16xi32>
      %rev3A_246 = tpu.dynamic_gather %masked_sort3A_236[%rev3A_245] in [0] : vector<16xi32>, vector<16xi32> -> vector<16xi32>
      %ge3A_247 = arith.cmpf oge, %masked_sort3A_231, %rev3A_241 : vector<16xf32>
      %select_n3A_248 = arith.select %ge3A_247, %masked_sort3A_231, %rev3A_241 : vector<16xi1>, vector<16xf32>
      %select_n3A_249 = arith.select %ge3A_247, %masked_sort3A_232, %rev3A_246 : vector<16xi1>, vector<16xi32>
      %masked_sort3A_250 = arith.constant dense<true> : vector<16xi1>
      %masked_sort3A_251, %masked_sort3A_252, %masked_sort3A_253 = tpu.sort %select_n3A_248, %select_n3A_249 masked %masked_sort3A_250 {descending = true} : (vector<16xf32>, vector<16xi32>, vector<16xi1>) -> (vector<16xi1>, vector<16xf32>, vector<16xi32>)
      %add3A_254 = arith.constant 2 : i32
      %add3A_255 = arith.addi %mul3A_60, %add3A_254 : i32
      %mul3A_256 = arith.constant 64 : i32
      %mul3A_257 = arith.muli %add3A_255, %mul3A_256 : i32
      %add3A_258 = arith.constant 0 : i32
      %add3A_259 = arith.addi %mul3A_257, %add3A_258 : i32
      %get3A_260 = arith.index_cast %add3A_259 : i32 to index
      %get3A_261 = tpu.vector_load %arg5[%get3A_260] {strides = array<i32>} : memref<32768xf32, #tpu.memory_space<vmem>>, vector<16xf32>,
      %add3A_262 = arith.constant 0 : i32
      %add3A_263 = vector.broadcast %add3A_262 : i32 to vector<16xi32>
      %add3A_264 = arith.addi %iota3A, %add3A_263 : vector<16xi32>
      %masked_sort3A_265 = arith.constant dense<true> : vector<16xi1>
      %masked_sort3A_266, %masked_sort3A_267, %masked_sort3A_268 = tpu.sort %get3A_261, %add3A_264 masked %masked_sort3A_265 {descending = true} : (vector<16xf32>, vector<16xi32>, vector<16xi1>) -> (vector<16xi1>, vector<16xf32>, vector<16xi32>)
      %add3A_269 = arith.constant 16 : i32
      %add3A_270 = arith.addi %mul3A_257, %add3A_269 : i32
      %get3A_271 = arith.index_cast %add3A_270 : i32 to index
      %get3A_272 = tpu.vector_load %arg5[%get3A_271] {strides = array<i32>} : memref<32768xf32, #tpu.memory_space<vmem>>, vector<16xf32>,
      %add3A_273 = arith.constant 16 : i32
      %add3A_274 = vector.broadcast %add3A_273 : i32 to vector<16xi32>
      %add3A_275 = arith.addi %iota3A, %add3A_274 : vector<16xi32>
      %masked_sort3A_276 = arith.constant dense<true> : vector<16xi1>
      %masked_sort3A_277, %masked_sort3A_278, %masked_sort3A_279 = tpu.sort %get3A_272, %add3A_275 masked %masked_sort3A_276 {descending = true} : (vector<16xf32>, vector<16xi32>, vector<16xi1>) -> (vector<16xi1>, vector<16xf32>, vector<16xi32>)
      %add3A_280 = arith.constant 32 : i32
      %add3A_281 = arith.addi %mul3A_257, %add3A_280 : i32
      %get3A_282 = arith.index_cast %add3A_281 : i32 to index
      %get3A_283 = tpu.vector_load %arg5[%get3A_282] {strides = array<i32>} : memref<32768xf32, #tpu.memory_space<vmem>>, vector<16xf32>,
      %add3A_284 = arith.constant 32 : i32
      %add3A_285 = vector.broadcast %add3A_284 : i32 to vector<16xi32>
      %add3A_286 = arith.addi %iota3A, %add3A_285 : vector<16xi32>
      %masked_sort3A_287 = arith.constant dense<true> : vector<16xi1>
      %masked_sort3A_288, %masked_sort3A_289, %masked_sort3A_290 = tpu.sort %get3A_283, %add3A_286 masked %masked_sort3A_287 {descending = true} : (vector<16xf32>, vector<16xi32>, vector<16xi1>) -> (vector<16xi1>, vector<16xf32>, vector<16xi32>)
      %add3A_291 = arith.constant 48 : i32
      %add3A_292 = arith.addi %mul3A_257, %add3A_291 : i32
      %get3A_293 = arith.index_cast %add3A_292 : i32 to index
      %get3A_294 = tpu.vector_load %arg5[%get3A_293] {strides = array<i32>} : memref<32768xf32, #tpu.memory_space<vmem>>, vector<16xf32>,
      %add3A_295 = arith.constant 48 : i32
      %add3A_296 = vector.broadcast %add3A_295 : i32 to vector<16xi32>
      %add3A_297 = arith.addi %iota3A, %add3A_296 : vector<16xi32>
      %masked_sort3A_298 = arith.constant dense<true> : vector<16xi1>
      %masked_sort3A_299, %masked_sort3A_300, %masked_sort3A_301 = tpu.sort %get3A_294, %add3A_297 masked %masked_sort3A_298 {descending = true} : (vector<16xf32>, vector<16xi32>, vector<16xi1>) -> (vector<16xi1>, vector<16xf32>, vector<16xi32>)
      %rev3A_302 = arith.constant 15 : i32
      %rev3A_303 = vector.broadcast %rev3A_302 : i32 to vector<16xi32>
      %rev3A_304 = tpu.iota {dimensions = array<i32: 0>} : vector<16xi32>
      %rev3A_305 = arith.subi %rev3A_303, %rev3A_304 : vector<16xi32>
      %rev3A_306 = tpu.dynamic_gather %masked_sort3A_278[%rev3A_305] in [0] : vector<16xf32>, vector<16xi32> -> vector<16xf32>
      %rev3A_307 = arith.constant 15 : i32
      %rev3A_308 = vector.broadcast %rev3A_307 : i32 to vector<16xi32>
      %rev3A_309 = tpu.iota {dimensions = array<i32: 0>} : vector<16xi32>
      %rev3A_310 = arith.subi %rev3A_308, %rev3A_309 : vector<16xi32>
      %rev3A_311 = tpu.dynamic_gather %masked_sort3A_279[%rev3A_310] in [0] : vector<16xi32>, vector<16xi32> -> vector<16xi32>
      %ge3A_312 = arith.cmpf oge, %masked_sort3A_267, %rev3A_306 : vector<16xf32>
      %select_n3A_313 = arith.select %ge3A_312, %masked_sort3A_267, %rev3A_306 : vector<16xi1>, vector<16xf32>
      %select_n3A_314 = arith.select %ge3A_312, %masked_sort3A_268, %rev3A_311 : vector<16xi1>, vector<16xi32>
      %rev3A_315 = arith.constant 15 : i32
      %rev3A_316 = vector.broadcast %rev3A_315 : i32 to vector<16xi32>
      %rev3A_317 = tpu.iota {dimensions = array<i32: 0>} : vector<16xi32>
      %rev3A_318 = arith.subi %rev3A_316, %rev3A_317 : vector<16xi32>
      %rev3A_319 = tpu.dynamic_gather %masked_sort3A_300[%rev3A_318] in [0] : vector<16xf32>, vector<16xi32> -> vector<16xf32>
      %rev3A_320 = arith.constant 15 : i32
      %rev3A_321 = vector.broadcast %rev3A_320 : i32 to vector<16xi32>
      %rev3A_322 = tpu.iota {dimensions = array<i32: 0>} : vector<16xi32>
      %rev3A_323 = arith.subi %rev3A_321, %rev3A_322 : vector<16xi32>
      %rev3A_324 = tpu.dynamic_gather %masked_sort3A_301[%rev3A_323] in [0] : vector<16xi32>, vector<16xi32> -> vector<16xi32>
      %ge3A_325 = arith.cmpf oge, %masked_sort3A_289, %rev3A_319 : vector<16xf32>
      %select_n3A_326 = arith.select %ge3A_325, %masked_sort3A_289, %rev3A_319 : vector<16xi1>, vector<16xf32>
      %select_n3A_327 = arith.select %ge3A_325, %masked_sort3A_290, %rev3A_324 : vector<16xi1>, vector<16xi32>
      %masked_sort3A_328 = arith.constant dense<true> : vector<16xi1>
      %masked_sort3A_329, %masked_sort3A_330, %masked_sort3A_331 = tpu.sort %select_n3A_313, %select_n3A_314 masked %masked_sort3A_328 {descending = true} : (vector<16xf32>, vector<16xi32>, vector<16xi1>) -> (vector<16xi1>, vector<16xf32>, vector<16xi32>)
      %masked_sort3A_332 = arith.constant dense<true> : vector<16xi1>
      %masked_sort3A_333, %masked_sort3A_334, %masked_sort3A_335 = tpu.sort %select_n3A_326, %select_n3A_327 masked %masked_sort3A_332 {descending = true} : (vector<16xf32>, vector<16xi32>, vector<16xi1>) -> (vector<16xi1>, vector<16xf32>, vector<16xi32>)
      %rev3A_336 = arith.constant 15 : i32
      %rev3A_337 = vector.broadcast %rev3A_336 : i32 to vector<16xi32>
      %rev3A_338 = tpu.iota {dimensions = array<i32: 0>} : vector<16xi32>
      %rev3A_339 = arith.subi %rev3A_337, %rev3A_338 : vector<16xi32>
      %rev3A_340 = tpu.dynamic_gather %masked_sort3A_334[%rev3A_339] in [0] : vector<16xf32>, vector<16xi32> -> vector<16xf32>
      %rev3A_341 = arith.constant 15 : i32
      %rev3A_342 = vector.broadcast %rev3A_341 : i32 to vector<16xi32>
      %rev3A_343 = tpu.iota {dimensions = array<i32: 0>} : vector<16xi32>
      %rev3A_344 = arith.subi %rev3A_342, %rev3A_343 : vector<16xi32>
      %rev3A_345 = tpu.dynamic_gather %masked_sort3A_335[%rev3A_344] in [0] : vector<16xi32>, vector<16xi32> -> vector<16xi32>
      %ge3A_346 = arith.cmpf oge, %masked_sort3A_330, %rev3A_340 : vector<16xf32>
      %select_n3A_347 = arith.select %ge3A_346, %masked_sort3A_330, %rev3A_340 : vector<16xi1>, vector<16xf32>
      %select_n3A_348 = arith.select %ge3A_346, %masked_sort3A_331, %rev3A_345 : vector<16xi1>, vector<16xi32>
      %masked_sort3A_349 = arith.constant dense<true> : vector<16xi1>
      %masked_sort3A_350, %masked_sort3A_351, %masked_sort3A_352 = tpu.sort %select_n3A_347, %select_n3A_348 masked %masked_sort3A_349 {descending = true} : (vector<16xf32>, vector<16xi32>, vector<16xi1>) -> (vector<16xi1>, vector<16xf32>, vector<16xi32>)
      %add3A_353 = arith.constant 3 : i32
      %add3A_354 = arith.addi %mul3A_60, %add3A_353 : i32
      %mul3A_355 = arith.constant 64 : i32
      %mul3A_356 = arith.muli %add3A_354, %mul3A_355 : i32
      %add3A_357 = arith.constant 0 : i32
      %add3A_358 = arith.addi %mul3A_356, %add3A_357 : i32
      %get3A_359 = arith.index_cast %add3A_358 : i32 to index
      %get3A_360 = tpu.vector_load %arg5[%get3A_359] {strides = array<i32>} : memref<32768xf32, #tpu.memory_space<vmem>>, vector<16xf32>,
      %add3A_361 = arith.constant 0 : i32
      %add3A_362 = vector.broadcast %add3A_361 : i32 to vector<16xi32>
      %add3A_363 = arith.addi %iota3A, %add3A_362 : vector<16xi32>
      %masked_sort3A_364 = arith.constant dense<true> : vector<16xi1>
      %masked_sort3A_365, %masked_sort3A_366, %masked_sort3A_367 = tpu.sort %get3A_360, %add3A_363 masked %masked_sort3A_364 {descending = true} : (vector<16xf32>, vector<16xi32>, vector<16xi1>) -> (vector<16xi1>, vector<16xf32>, vector<16xi32>)
      %add3A_368 = arith.constant 16 : i32
      %add3A_369 = arith.addi %mul3A_356, %add3A_368 : i32
      %get3A_370 = arith.index_cast %add3A_369 : i32 to index
      %get3A_371 = tpu.vector_load %arg5[%get3A_370] {strides = array<i32>} : memref<32768xf32, #tpu.memory_space<vmem>>, vector<16xf32>,
      %add3A_372 = arith.constant 16 : i32
      %add3A_373 = vector.broadcast %add3A_372 : i32 to vector<16xi32>
      %add3A_374 = arith.addi %iota3A, %add3A_373 : vector<16xi32>
      %masked_sort3A_375 = arith.constant dense<true> : vector<16xi1>
      %masked_sort3A_376, %masked_sort3A_377, %masked_sort3A_378 = tpu.sort %get3A_371, %add3A_374 masked %masked_sort3A_375 {descending = true} : (vector<16xf32>, vector<16xi32>, vector<16xi1>) -> (vector<16xi1>, vector<16xf32>, vector<16xi32>)
      %add3A_379 = arith.constant 32 : i32
      %add3A_380 = arith.addi %mul3A_356, %add3A_379 : i32
      %get3A_381 = arith.index_cast %add3A_380 : i32 to index
      %get3A_382 = tpu.vector_load %arg5[%get3A_381] {strides = array<i32>} : memref<32768xf32, #tpu.memory_space<vmem>>, vector<16xf32>,
      %add3A_383 = arith.constant 32 : i32
      %add3A_384 = vector.broadcast %add3A_383 : i32 to vector<16xi32>
      %add3A_385 = arith.addi %iota3A, %add3A_384 : vector<16xi32>
      %masked_sort3A_386 = arith.constant dense<true> : vector<16xi1>
      %masked_sort3A_387, %masked_sort3A_388, %masked_sort3A_389 = tpu.sort %get3A_382, %add3A_385 masked %masked_sort3A_386 {descending = true} : (vector<16xf32>, vector<16xi32>, vector<16xi1>) -> (vector<16xi1>, vector<16xf32>, vector<16xi32>)
      %add3A_390 = arith.constant 48 : i32
      %add3A_391 = arith.addi %mul3A_356, %add3A_390 : i32
      %get3A_392 = arith.index_cast %add3A_391 : i32 to index
      %get3A_393 = tpu.vector_load %arg5[%get3A_392] {strides = array<i32>} : memref<32768xf32, #tpu.memory_space<vmem>>, vector<16xf32>,
      %add3A_394 = arith.constant 48 : i32
      %add3A_395 = vector.broadcast %add3A_394 : i32 to vector<16xi32>
      %add3A_396 = arith.addi %iota3A, %add3A_395 : vector<16xi32>
      %masked_sort3A_397 = arith.constant dense<true> : vector<16xi1>
      %masked_sort3A_398, %masked_sort3A_399, %masked_sort3A_400 = tpu.sort %get3A_393, %add3A_396 masked %masked_sort3A_397 {descending = true} : (vector<16xf32>, vector<16xi32>, vector<16xi1>) -> (vector<16xi1>, vector<16xf32>, vector<16xi32>)
      %rev3A_401 = arith.constant 15 : i32
      %rev3A_402 = vector.broadcast %rev3A_401 : i32 to vector<16xi32>
      %rev3A_403 = tpu.iota {dimensions = array<i32: 0>} : vector<16xi32>
      %rev3A_404 = arith.subi %rev3A_402, %rev3A_403 : vector<16xi32>
      %rev3A_405 = tpu.dynamic_gather %masked_sort3A_377[%rev3A_404] in [0] : vector<16xf32>, vector<16xi32> -> vector<16xf32>
      %rev3A_406 = arith.constant 15 : i32
      %rev3A_407 = vector.broadcast %rev3A_406 : i32 to vector<16xi32>
      %rev3A_408 = tpu.iota {dimensions = array<i32: 0>} : vector<16xi32>
      %rev3A_409 = arith.subi %rev3A_407, %rev3A_408 : vector<16xi32>
      %rev3A_410 = tpu.dynamic_gather %masked_sort3A_378[%rev3A_409] in [0] : vector<16xi32>, vector<16xi32> -> vector<16xi32>
      %ge3A_411 = arith.cmpf oge, %masked_sort3A_366, %rev3A_405 : vector<16xf32>
      %select_n3A_412 = arith.select %ge3A_411, %masked_sort3A_366, %rev3A_405 : vector<16xi1>, vector<16xf32>
      %select_n3A_413 = arith.select %ge3A_411, %masked_sort3A_367, %rev3A_410 : vector<16xi1>, vector<16xi32>
      %rev3A_414 = arith.constant 15 : i32
      %rev3A_415 = vector.broadcast %rev3A_414 : i32 to vector<16xi32>
      %rev3A_416 = tpu.iota {dimensions = array<i32: 0>} : vector<16xi32>
      %rev3A_417 = arith.subi %rev3A_415, %rev3A_416 : vector<16xi32>
      %rev3A_418 = tpu.dynamic_gather %masked_sort3A_399[%rev3A_417] in [0] : vector<16xf32>, vector<16xi32> -> vector<16xf32>
      %rev3A_419 = arith.constant 15 : i32
      %rev3A_420 = vector.broadcast %rev3A_419 : i32 to vector<16xi32>
      %rev3A_421 = tpu.iota {dimensions = array<i32: 0>} : vector<16xi32>
      %rev3A_422 = arith.subi %rev3A_420, %rev3A_421 : vector<16xi32>
      %rev3A_423 = tpu.dynamic_gather %masked_sort3A_400[%rev3A_422] in [0] : vector<16xi32>, vector<16xi32> -> vector<16xi32>
      %ge3A_424 = arith.cmpf oge, %masked_sort3A_388, %rev3A_418 : vector<16xf32>
      %select_n3A_425 = arith.select %ge3A_424, %masked_sort3A_388, %rev3A_418 : vector<16xi1>, vector<16xf32>
      %select_n3A_426 = arith.select %ge3A_424, %masked_sort3A_389, %rev3A_423 : vector<16xi1>, vector<16xi32>
      %masked_sort3A_427 = arith.constant dense<true> : vector<16xi1>
      %masked_sort3A_428, %masked_sort3A_429, %masked_sort3A_430 = tpu.sort %select_n3A_412, %select_n3A_413 masked %masked_sort3A_427 {descending = true} : (vector<16xf32>, vector<16xi32>, vector<16xi1>) -> (vector<16xi1>, vector<16xf32>, vector<16xi32>)
      %masked_sort3A_431 = arith.constant dense<true> : vector<16xi1>
      %masked_sort3A_432, %masked_sort3A_433, %masked_sort3A_434 = tpu.sort %select_n3A_425, %select_n3A_426 masked %masked_sort3A_431 {descending = true} : (vector<16xf32>, vector<16xi32>, vector<16xi1>) -> (vector<16xi1>, vector<16xf32>, vector<16xi32>)
      %rev3A_435 = arith.constant 15 : i32
      %rev3A_436 = vector.broadcast %rev3A_435 : i32 to vector<16xi32>
      %rev3A_437 = tpu.iota {dimensions = array<i32: 0>} : vector<16xi32>
      %rev3A_438 = arith.subi %rev3A_436, %rev3A_437 : vector<16xi32>
      %rev3A_439 = tpu.dynamic_gather %masked_sort3A_433[%rev3A_438] in [0] : vector<16xf32>, vector<16xi32> -> vector<16xf32>
      %rev3A_440 = arith.constant 15 : i32
      %rev3A_441 = vector.broadcast %rev3A_440 : i32 to vector<16xi32>
      %rev3A_442 = tpu.iota {dimensions = array<i32: 0>} : vector<16xi32>
      %rev3A_443 = arith.subi %rev3A_441, %rev3A_442 : vector<16xi32>
      %rev3A_444 = tpu.dynamic_gather %masked_sort3A_434[%rev3A_443] in [0] : vector<16xi32>, vector<16xi32> -> vector<16xi32>
      %ge3A_445 = arith.cmpf oge, %masked_sort3A_429, %rev3A_439 : vector<16xf32>
      %select_n3A_446 = arith.select %ge3A_445, %masked_sort3A_429, %rev3A_439 : vector<16xi1>, vector<16xf32>
      %select_n3A_447 = arith.select %ge3A_445, %masked_sort3A_430, %rev3A_444 : vector<16xi1>, vector<16xi32>
      %masked_sort3A_448 = arith.constant dense<true> : vector<16xi1>
      %masked_sort3A_449, %masked_sort3A_450, %masked_sort3A_451 = tpu.sort %select_n3A_446, %select_n3A_447 masked %masked_sort3A_448 {descending = true} : (vector<16xf32>, vector<16xi32>, vector<16xi1>) -> (vector<16xi1>, vector<16xf32>, vector<16xi32>)
      %add3A_452 = arith.constant 4 : i32
      %add3A_453 = arith.addi %mul3A_60, %add3A_452 : i32
      %mul3A_454 = arith.constant 64 : i32
      %mul3A_455 = arith.muli %add3A_453, %mul3A_454 : i32
      %add3A_456 = arith.constant 0 : i32
      %add3A_457 = arith.addi %mul3A_455, %add3A_456 : i32
      %get3A_458 = arith.index_cast %add3A_457 : i32 to index
      %get3A_459 = tpu.vector_load %arg5[%get3A_458] {strides = array<i32>} : memref<32768xf32, #tpu.memory_space<vmem>>, vector<16xf32>,
      %add3A_460 = arith.constant 0 : i32
      %add3A_461 = vector.broadcast %add3A_460 : i32 to vector<16xi32>
      %add3A_462 = arith.addi %iota3A, %add3A_461 : vector<16xi32>
      %masked_sort3A_463 = arith.constant dense<true> : vector<16xi1>
      %masked_sort3A_464, %masked_sort3A_465, %masked_sort3A_466 = tpu.sort %get3A_459, %add3A_462 masked %masked_sort3A_463 {descending = true} : (vector<16xf32>, vector<16xi32>, vector<16xi1>) -> (vector<16xi1>, vector<16xf32>, vector<16xi32>)
      %add3A_467 = arith.constant 16 : i32
      %add3A_468 = arith.addi %mul3A_455, %add3A_467 : i32
      %get3A_469 = arith.index_cast %add3A_468 : i32 to index
      %get3A_470 = tpu.vector_load %arg5[%get3A_469] {strides = array<i32>} : memref<32768xf32, #tpu.memory_space<vmem>>, vector<16xf32>,
      %add3A_471 = arith.constant 16 : i32
      %add3A_472 = vector.broadcast %add3A_471 : i32 to vector<16xi32>
      %add3A_473 = arith.addi %iota3A, %add3A_472 : vector<16xi32>
      %masked_sort3A_474 = arith.constant dense<true> : vector<16xi1>
      %masked_sort3A_475, %masked_sort3A_476, %masked_sort3A_477 = tpu.sort %get3A_470, %add3A_473 masked %masked_sort3A_474 {descending = true} : (vector<16xf32>, vector<16xi32>, vector<16xi1>) -> (vector<16xi1>, vector<16xf32>, vector<16xi32>)
      %add3A_478 = arith.constant 32 : i32
      %add3A_479 = arith.addi %mul3A_455, %add3A_478 : i32
      %get3A_480 = arith.index_cast %add3A_479 : i32 to index
      %get3A_481 = tpu.vector_load %arg5[%get3A_480] {strides = array<i32>} : memref<32768xf32, #tpu.memory_space<vmem>>, vector<16xf32>,
      %add3A_482 = arith.constant 32 : i32
      %add3A_483 = vector.broadcast %add3A_482 : i32 to vector<16xi32>
      %add3A_484 = arith.addi %iota3A, %add3A_483 : vector<16xi32>
      %masked_sort3A_485 = arith.constant dense<true> : vector<16xi1>
      %masked_sort3A_486, %masked_sort3A_487, %masked_sort3A_488 = tpu.sort %get3A_481, %add3A_484 masked %masked_sort3A_485 {descending = true} : (vector<16xf32>, vector<16xi32>, vector<16xi1>) -> (vector<16xi1>, vector<16xf32>, vector<16xi32>)
      %add3A_489 = arith.constant 48 : i32
      %add3A_490 = arith.addi %mul3A_455, %add3A_489 : i32
      %get3A_491 = arith.index_cast %add3A_490 : i32 to index
      %get3A_492 = tpu.vector_load %arg5[%get3A_491] {strides = array<i32>} : memref<32768xf32, #tpu.memory_space<vmem>>, vector<16xf32>,
      %add3A_493 = arith.constant 48 : i32
      %add3A_494 = vector.broadcast %add3A_493 : i32 to vector<16xi32>
      %add3A_495 = arith.addi %iota3A, %add3A_494 : vector<16xi32>
      %masked_sort3A_496 = arith.constant dense<true> : vector<16xi1>
      %masked_sort3A_497, %masked_sort3A_498, %masked_sort3A_499 = tpu.sort %get3A_492, %add3A_495 masked %masked_sort3A_496 {descending = true} : (vector<16xf32>, vector<16xi32>, vector<16xi1>) -> (vector<16xi1>, vector<16xf32>, vector<16xi32>)
      %rev3A_500 = arith.constant 15 : i32
      %rev3A_501 = vector.broadcast %rev3A_500 : i32 to vector<16xi32>
      %rev3A_502 = tpu.iota {dimensions = array<i32: 0>} : vector<16xi32>
      %rev3A_503 = arith.subi %rev3A_501, %rev3A_502 : vector<16xi32>
      %rev3A_504 = tpu.dynamic_gather %masked_sort3A_476[%rev3A_503] in [0] : vector<16xf32>, vector<16xi32> -> vector<16xf32>
      %rev3A_505 = arith.constant 15 : i32
      %rev3A_506 = vector.broadcast %rev3A_505 : i32 to vector<16xi32>
      %rev3A_507 = tpu.iota {dimensions = array<i32: 0>} : vector<16xi32>
      %rev3A_508 = arith.subi %rev3A_506, %rev3A_507 : vector<16xi32>
      %rev3A_509 = tpu.dynamic_gather %masked_sort3A_477[%rev3A_508] in [0] : vector<16xi32>, vector<16xi32> -> vector<16xi32>
      %ge3A_510 = arith.cmpf oge, %masked_sort3A_465, %rev3A_504 : vector<16xf32>
      %select_n3A_511 = arith.select %ge3A_510, %masked_sort3A_465, %rev3A_504 : vector<16xi1>, vector<16xf32>
      %select_n3A_512 = arith.select %ge3A_510, %masked_sort3A_466, %rev3A_509 : vector<16xi1>, vector<16xi32>
      %rev3A_513 = arith.constant 15 : i32
      %rev3A_514 = vector.broadcast %rev3A_513 : i32 to vector<16xi32>
      %rev3A_515 = tpu.iota {dimensions = array<i32: 0>} : vector<16xi32>
      %rev3A_516 = arith.subi %rev3A_514, %rev3A_515 : vector<16xi32>
      %rev3A_517 = tpu.dynamic_gather %masked_sort3A_498[%rev3A_516] in [0] : vector<16xf32>, vector<16xi32> -> vector<16xf32>
      %rev3A_518 = arith.constant 15 : i32
      %rev3A_519 = vector.broadcast %rev3A_518 : i32 to vector<16xi32>
      %rev3A_520 = tpu.iota {dimensions = array<i32: 0>} : vector<16xi32>
      %rev3A_521 = arith.subi %rev3A_519, %rev3A_520 : vector<16xi32>
      %rev3A_522 = tpu.dynamic_gather %masked_sort3A_499[%rev3A_521] in [0] : vector<16xi32>, vector<16xi32> -> vector<16xi32>
      %ge3A_523 = arith.cmpf oge, %masked_sort3A_487, %rev3A_517 : vector<16xf32>
      %select_n3A_524 = arith.select %ge3A_523, %masked_sort3A_487, %rev3A_517 : vector<16xi1>, vector<16xf32>
      %select_n3A_525 = arith.select %ge3A_523, %masked_sort3A_488, %rev3A_522 : vector<16xi1>, vector<16xi32>
      %masked_sort3A_526 = arith.constant dense<true> : vector<16xi1>
      %masked_sort3A_527, %masked_sort3A_528, %masked_sort3A_529 = tpu.sort %select_n3A_511, %select_n3A_512 masked %masked_sort3A_526 {descending = true} : (vector<16xf32>, vector<16xi32>, vector<16xi1>) -> (vector<16xi1>, vector<16xf32>, vector<16xi32>)
      %masked_sort3A_530 = arith.constant dense<true> : vector<16xi1>
      %masked_sort3A_531, %masked_sort3A_532, %masked_sort3A_533 = tpu.sort %select_n3A_524, %select_n3A_525 masked %masked_sort3A_530 {descending = true} : (vector<16xf32>, vector<16xi32>, vector<16xi1>) -> (vector<16xi1>, vector<16xf32>, vector<16xi32>)
      %rev3A_534 = arith.constant 15 : i32
      %rev3A_535 = vector.broadcast %rev3A_534 : i32 to vector<16xi32>
      %rev3A_536 = tpu.iota {dimensions = array<i32: 0>} : vector<16xi32>
      %rev3A_537 = arith.subi %rev3A_535, %rev3A_536 : vector<16xi32>
      %rev3A_538 = tpu.dynamic_gather %masked_sort3A_532[%rev3A_537] in [0] : vector<16xf32>, vector<16xi32> -> vector<16xf32>
      %rev3A_539 = arith.constant 15 : i32
      %rev3A_540 = vector.broadcast %rev3A_539 : i32 to vector<16xi32>
      %rev3A_541 = tpu.iota {dimensions = array<i32: 0>} : vector<16xi32>
      %rev3A_542 = arith.subi %rev3A_540, %rev3A_541 : vector<16xi32>
      %rev3A_543 = tpu.dynamic_gather %masked_sort3A_533[%rev3A_542] in [0] : vector<16xi32>, vector<16xi32> -> vector<16xi32>
      %ge3A_544 = arith.cmpf oge, %masked_sort3A_528, %rev3A_538 : vector<16xf32>
      %select_n3A_545 = arith.select %ge3A_544, %masked_sort3A_528, %rev3A_538 : vector<16xi1>, vector<16xf32>
      %select_n3A_546 = arith.select %ge3A_544, %masked_sort3A_529, %rev3A_543 : vector<16xi1>, vector<16xi32>
      %masked_sort3A_547 = arith.constant dense<true> : vector<16xi1>
      %masked_sort3A_548, %masked_sort3A_549, %masked_sort3A_550 = tpu.sort %select_n3A_545, %select_n3A_546 masked %masked_sort3A_547 {descending = true} : (vector<16xf32>, vector<16xi32>, vector<16xi1>) -> (vector<16xi1>, vector<16xf32>, vector<16xi32>)
      %add3A_551 = arith.constant 5 : i32
      %add3A_552 = arith.addi %mul3A_60, %add3A_551 : i32
      %mul3A_553 = arith.constant 64 : i32
      %mul3A_554 = arith.muli %add3A_552, %mul3A_553 : i32
      %add3A_555 = arith.constant 0 : i32
      %add3A_556 = arith.addi %mul3A_554, %add3A_555 : i32
      %get3A_557 = arith.index_cast %add3A_556 : i32 to index
      %get3A_558 = tpu.vector_load %arg5[%get3A_557] {strides = array<i32>} : memref<32768xf32, #tpu.memory_space<vmem>>, vector<16xf32>,
      %add3A_559 = arith.constant 0 : i32
      %add3A_560 = vector.broadcast %add3A_559 : i32 to vector<16xi32>
      %add3A_561 = arith.addi %iota3A, %add3A_560 : vector<16xi32>
      %masked_sort3A_562 = arith.constant dense<true> : vector<16xi1>
      %masked_sort3A_563, %masked_sort3A_564, %masked_sort3A_565 = tpu.sort %get3A_558, %add3A_561 masked %masked_sort3A_562 {descending = true} : (vector<16xf32>, vector<16xi32>, vector<16xi1>) -> (vector<16xi1>, vector<16xf32>, vector<16xi32>)
      %add3A_566 = arith.constant 16 : i32
      %add3A_567 = arith.addi %mul3A_554, %add3A_566 : i32
      %get3A_568 = arith.index_cast %add3A_567 : i32 to index
      %get3A_569 = tpu.vector_load %arg5[%get3A_568] {strides = array<i32>} : memref<32768xf32, #tpu.memory_space<vmem>>, vector<16xf32>,
      %add3A_570 = arith.constant 16 : i32
      %add3A_571 = vector.broadcast %add3A_570 : i32 to vector<16xi32>
      %add3A_572 = arith.addi %iota3A, %add3A_571 : vector<16xi32>
      %masked_sort3A_573 = arith.constant dense<true> : vector<16xi1>
      %masked_sort3A_574, %masked_sort3A_575, %masked_sort3A_576 = tpu.sort %get3A_569, %add3A_572 masked %masked_sort3A_573 {descending = true} : (vector<16xf32>, vector<16xi32>, vector<16xi1>) -> (vector<16xi1>, vector<16xf32>, vector<16xi32>)
      %add3A_577 = arith.constant 32 : i32
      %add3A_578 = arith.addi %mul3A_554, %add3A_577 : i32
      %get3A_579 = arith.index_cast %add3A_578 : i32 to index
      %get3A_580 = tpu.vector_load %arg5[%get3A_579] {strides = array<i32>} : memref<32768xf32, #tpu.memory_space<vmem>>, vector<16xf32>,
      %add3A_581 = arith.constant 32 : i32
      %add3A_582 = vector.broadcast %add3A_581 : i32 to vector<16xi32>
      %add3A_583 = arith.addi %iota3A, %add3A_582 : vector<16xi32>
      %masked_sort3A_584 = arith.constant dense<true> : vector<16xi1>
      %masked_sort3A_585, %masked_sort3A_586, %masked_sort3A_587 = tpu.sort %get3A_580, %add3A_583 masked %masked_sort3A_584 {descending = true} : (vector<16xf32>, vector<16xi32>, vector<16xi1>) -> (vector<16xi1>, vector<16xf32>, vector<16xi32>)
      %add3A_588 = arith.constant 48 : i32
      %add3A_589 = arith.addi %mul3A_554, %add3A_588 : i32
      %get3A_590 = arith.index_cast %add3A_589 : i32 to index
      %get3A_591 = tpu.vector_load %arg5[%get3A_590] {strides = array<i32>} : memref<32768xf32, #tpu.memory_space<vmem>>, vector<16xf32>,
      %add3A_592 = arith.constant 48 : i32
      %add3A_593 = vector.broadcast %add3A_592 : i32 to vector<16xi32>
      %add3A_594 = arith.addi %iota3A, %add3A_593 : vector<16xi32>
      %masked_sort3A_595 = arith.constant dense<true> : vector<16xi1>
      %masked_sort3A_596, %masked_sort3A_597, %masked_sort3A_598 = tpu.sort %get3A_591, %add3A_594 masked %masked_sort3A_595 {descending = true} : (vector<16xf32>, vector<16xi32>, vector<16xi1>) -> (vector<16xi1>, vector<16xf32>, vector<16xi32>)
      %rev3A_599 = arith.constant 15 : i32
      %rev3A_600 = vector.broadcast %rev3A_599 : i32 to vector<16xi32>
      %rev3A_601 = tpu.iota {dimensions = array<i32: 0>} : vector<16xi32>
      %rev3A_602 = arith.subi %rev3A_600, %rev3A_601 : vector<16xi32>
      %rev3A_603 = tpu.dynamic_gather %masked_sort3A_575[%rev3A_602] in [0] : vector<16xf32>, vector<16xi32> -> vector<16xf32>
      %rev3A_604 = arith.constant 15 : i32
      %rev3A_605 = vector.broadcast %rev3A_604 : i32 to vector<16xi32>
      %rev3A_606 = tpu.iota {dimensions = array<i32: 0>} : vector<16xi32>
      %rev3A_607 = arith.subi %rev3A_605, %rev3A_606 : vector<16xi32>
      %rev3A_608 = tpu.dynamic_gather %masked_sort3A_576[%rev3A_607] in [0] : vector<16xi32>, vector<16xi32> -> vector<16xi32>
      %ge3A_609 = arith.cmpf oge, %masked_sort3A_564, %rev3A_603 : vector<16xf32>
      %select_n3A_610 = arith.select %ge3A_609, %masked_sort3A_564, %rev3A_603 : vector<16xi1>, vector<16xf32>
      %select_n3A_611 = arith.select %ge3A_609, %masked_sort3A_565, %rev3A_608 : vector<16xi1>, vector<16xi32>
      %rev3A_612 = arith.constant 15 : i32
      %rev3A_613 = vector.broadcast %rev3A_612 : i32 to vector<16xi32>
      %rev3A_614 = tpu.iota {dimensions = array<i32: 0>} : vector<16xi32>
      %rev3A_615 = arith.subi %rev3A_613, %rev3A_614 : vector<16xi32>
      %rev3A_616 = tpu.dynamic_gather %masked_sort3A_597[%rev3A_615] in [0] : vector<16xf32>, vector<16xi32> -> vector<16xf32>
      %rev3A_617 = arith.constant 15 : i32
      %rev3A_618 = vector.broadcast %rev3A_617 : i32 to vector<16xi32>
      %rev3A_619 = tpu.iota {dimensions = array<i32: 0>} : vector<16xi32>
      %rev3A_620 = arith.subi %rev3A_618, %rev3A_619 : vector<16xi32>
      %rev3A_621 = tpu.dynamic_gather %masked_sort3A_598[%rev3A_620] in [0] : vector<16xi32>, vector<16xi32> -> vector<16xi32>
      %ge3A_622 = arith.cmpf oge, %masked_sort3A_586, %rev3A_616 : vector<16xf32>
      %select_n3A_623 = arith.select %ge3A_622, %masked_sort3A_586, %rev3A_616 : vector<16xi1>, vector<16xf32>
      %select_n3A_624 = arith.select %ge3A_622, %masked_sort3A_587, %rev3A_621 : vector<16xi1>, vector<16xi32>
      %masked_sort3A_625 = arith.constant dense<true> : vector<16xi1>
      %masked_sort3A_626, %masked_sort3A_627, %masked_sort3A_628 = tpu.sort %select_n3A_610, %select_n3A_611 masked %masked_sort3A_625 {descending = true} : (vector<16xf32>, vector<16xi32>, vector<16xi1>) -> (vector<16xi1>, vector<16xf32>, vector<16xi32>)
      %masked_sort3A_629 = arith.constant dense<true> : vector<16xi1>
      %masked_sort3A_630, %masked_sort3A_631, %masked_sort3A_632 = tpu.sort %select_n3A_623, %select_n3A_624 masked %masked_sort3A_629 {descending = true} : (vector<16xf32>, vector<16xi32>, vector<16xi1>) -> (vector<16xi1>, vector<16xf32>, vector<16xi32>)
      %rev3A_633 = arith.constant 15 : i32
      %rev3A_634 = vector.broadcast %rev3A_633 : i32 to vector<16xi32>
      %rev3A_635 = tpu.iota {dimensions = array<i32: 0>} : vector<16xi32>
      %rev3A_636 = arith.subi %rev3A_634, %rev3A_635 : vector<16xi32>
      %rev3A_637 = tpu.dynamic_gather %masked_sort3A_631[%rev3A_636] in [0] : vector<16xf32>, vector<16xi32> -> vector<16xf32>
      %rev3A_638 = arith.constant 15 : i32
      %rev3A_639 = vector.broadcast %rev3A_638 : i32 to vector<16xi32>
      %rev3A_640 = tpu.iota {dimensions = array<i32: 0>} : vector<16xi32>
      %rev3A_641 = arith.subi %rev3A_639, %rev3A_640 : vector<16xi32>
      %rev3A_642 = tpu.dynamic_gather %masked_sort3A_632[%rev3A_641] in [0] : vector<16xi32>, vector<16xi32> -> vector<16xi32>
      %ge3A_643 = arith.cmpf oge, %masked_sort3A_627, %rev3A_637 : vector<16xf32>
      %select_n3A_644 = arith.select %ge3A_643, %masked_sort3A_627, %rev3A_637 : vector<16xi1>, vector<16xf32>
      %select_n3A_645 = arith.select %ge3A_643, %masked_sort3A_628, %rev3A_642 : vector<16xi1>, vector<16xi32>
      %masked_sort3A_646 = arith.constant dense<true> : vector<16xi1>
      %masked_sort3A_647, %masked_sort3A_648, %masked_sort3A_649 = tpu.sort %select_n3A_644, %select_n3A_645 masked %masked_sort3A_646 {descending = true} : (vector<16xf32>, vector<16xi32>, vector<16xi1>) -> (vector<16xi1>, vector<16xf32>, vector<16xi32>)
      %add3A_650 = arith.constant 6 : i32
      %add3A_651 = arith.addi %mul3A_60, %add3A_650 : i32
      %mul3A_652 = arith.constant 64 : i32
      %mul3A_653 = arith.muli %add3A_651, %mul3A_652 : i32
      %add3A_654 = arith.constant 0 : i32
      %add3A_655 = arith.addi %mul3A_653, %add3A_654 : i32
      %get3A_656 = arith.index_cast %add3A_655 : i32 to index
      %get3A_657 = tpu.vector_load %arg5[%get3A_656] {strides = array<i32>} : memref<32768xf32, #tpu.memory_space<vmem>>, vector<16xf32>,
      %add3A_658 = arith.constant 0 : i32
      %add3A_659 = vector.broadcast %add3A_658 : i32 to vector<16xi32>
      %add3A_660 = arith.addi %iota3A, %add3A_659 : vector<16xi32>
      %masked_sort3A_661 = arith.constant dense<true> : vector<16xi1>
      %masked_sort3A_662, %masked_sort3A_663, %masked_sort3A_664 = tpu.sort %get3A_657, %add3A_660 masked %masked_sort3A_661 {descending = true} : (vector<16xf32>, vector<16xi32>, vector<16xi1>) -> (vector<16xi1>, vector<16xf32>, vector<16xi32>)
      %add3A_665 = arith.constant 16 : i32
      %add3A_666 = arith.addi %mul3A_653, %add3A_665 : i32
      %get3A_667 = arith.index_cast %add3A_666 : i32 to index
      %get3A_668 = tpu.vector_load %arg5[%get3A_667] {strides = array<i32>} : memref<32768xf32, #tpu.memory_space<vmem>>, vector<16xf32>,
      %add3A_669 = arith.constant 16 : i32
      %add3A_670 = vector.broadcast %add3A_669 : i32 to vector<16xi32>
      %add3A_671 = arith.addi %iota3A, %add3A_670 : vector<16xi32>
      %masked_sort3A_672 = arith.constant dense<true> : vector<16xi1>
      %masked_sort3A_673, %masked_sort3A_674, %masked_sort3A_675 = tpu.sort %get3A_668, %add3A_671 masked %masked_sort3A_672 {descending = true} : (vector<16xf32>, vector<16xi32>, vector<16xi1>) -> (vector<16xi1>, vector<16xf32>, vector<16xi32>)
      %add3A_676 = arith.constant 32 : i32
      %add3A_677 = arith.addi %mul3A_653, %add3A_676 : i32
      %get3A_678 = arith.index_cast %add3A_677 : i32 to index
      %get3A_679 = tpu.vector_load %arg5[%get3A_678] {strides = array<i32>} : memref<32768xf32, #tpu.memory_space<vmem>>, vector<16xf32>,
      %add3A_680 = arith.constant 32 : i32
      %add3A_681 = vector.broadcast %add3A_680 : i32 to vector<16xi32>
      %add3A_682 = arith.addi %iota3A, %add3A_681 : vector<16xi32>
      %masked_sort3A_683 = arith.constant dense<true> : vector<16xi1>
      %masked_sort3A_684, %masked_sort3A_685, %masked_sort3A_686 = tpu.sort %get3A_679, %add3A_682 masked %masked_sort3A_683 {descending = true} : (vector<16xf32>, vector<16xi32>, vector<16xi1>) -> (vector<16xi1>, vector<16xf32>, vector<16xi32>)
      %add3A_687 = arith.constant 48 : i32
      %add3A_688 = arith.addi %mul3A_653, %add3A_687 : i32
      %get3A_689 = arith.index_cast %add3A_688 : i32 to index
      %get3A_690 = tpu.vector_load %arg5[%get3A_689] {strides = array<i32>} : memref<32768xf32, #tpu.memory_space<vmem>>, vector<16xf32>,
      %add3A_691 = arith.constant 48 : i32
      %add3A_692 = vector.broadcast %add3A_691 : i32 to vector<16xi32>
      %add3A_693 = arith.addi %iota3A, %add3A_692 : vector<16xi32>
      %masked_sort3A_694 = arith.constant dense<true> : vector<16xi1>
      %masked_sort3A_695, %masked_sort3A_696, %masked_sort3A_697 = tpu.sort %get3A_690, %add3A_693 masked %masked_sort3A_694 {descending = true} : (vector<16xf32>, vector<16xi32>, vector<16xi1>) -> (vector<16xi1>, vector<16xf32>, vector<16xi32>)
      %rev3A_698 = arith.constant 15 : i32
      %rev3A_699 = vector.broadcast %rev3A_698 : i32 to vector<16xi32>
      %rev3A_700 = tpu.iota {dimensions = array<i32: 0>} : vector<16xi32>
      %rev3A_701 = arith.subi %rev3A_699, %rev3A_700 : vector<16xi32>
      %rev3A_702 = tpu.dynamic_gather %masked_sort3A_674[%rev3A_701] in [0] : vector<16xf32>, vector<16xi32> -> vector<16xf32>
      %rev3A_703 = arith.constant 15 : i32
      %rev3A_704 = vector.broadcast %rev3A_703 : i32 to vector<16xi32>
      %rev3A_705 = tpu.iota {dimensions = array<i32: 0>} : vector<16xi32>
      %rev3A_706 = arith.subi %rev3A_704, %rev3A_705 : vector<16xi32>
      %rev3A_707 = tpu.dynamic_gather %masked_sort3A_675[%rev3A_706] in [0] : vector<16xi32>, vector<16xi32> -> vector<16xi32>
      %ge3A_708 = arith.cmpf oge, %masked_sort3A_663, %rev3A_702 : vector<16xf32>
      %select_n3A_709 = arith.select %ge3A_708, %masked_sort3A_663, %rev3A_702 : vector<16xi1>, vector<16xf32>
      %select_n3A_710 = arith.select %ge3A_708, %masked_sort3A_664, %rev3A_707 : vector<16xi1>, vector<16xi32>
      %rev3A_711 = arith.constant 15 : i32
      %rev3A_712 = vector.broadcast %rev3A_711 : i32 to vector<16xi32>
      %rev3A_713 = tpu.iota {dimensions = array<i32: 0>} : vector<16xi32>
      %rev3A_714 = arith.subi %rev3A_712, %rev3A_713 : vector<16xi32>
      %rev3A_715 = tpu.dynamic_gather %masked_sort3A_696[%rev3A_714] in [0] : vector<16xf32>, vector<16xi32> -> vector<16xf32>
      %rev3A_716 = arith.constant 15 : i32
      %rev3A_717 = vector.broadcast %rev3A_716 : i32 to vector<16xi32>
      %rev3A_718 = tpu.iota {dimensions = array<i32: 0>} : vector<16xi32>
      %rev3A_719 = arith.subi %rev3A_717, %rev3A_718 : vector<16xi32>
      %rev3A_720 = tpu.dynamic_gather %masked_sort3A_697[%rev3A_719] in [0] : vector<16xi32>, vector<16xi32> -> vector<16xi32>
      %ge3A_721 = arith.cmpf oge, %masked_sort3A_685, %rev3A_715 : vector<16xf32>
      %select_n3A_722 = arith.select %ge3A_721, %masked_sort3A_685, %rev3A_715 : vector<16xi1>, vector<16xf32>
      %select_n3A_723 = arith.select %ge3A_721, %masked_sort3A_686, %rev3A_720 : vector<16xi1>, vector<16xi32>
      %masked_sort3A_724 = arith.constant dense<true> : vector<16xi1>
      %masked_sort3A_725, %masked_sort3A_726, %masked_sort3A_727 = tpu.sort %select_n3A_709, %select_n3A_710 masked %masked_sort3A_724 {descending = true} : (vector<16xf32>, vector<16xi32>, vector<16xi1>) -> (vector<16xi1>, vector<16xf32>, vector<16xi32>)
      %masked_sort3A_728 = arith.constant dense<true> : vector<16xi1>
      %masked_sort3A_729, %masked_sort3A_730, %masked_sort3A_731 = tpu.sort %select_n3A_722, %select_n3A_723 masked %masked_sort3A_728 {descending = true} : (vector<16xf32>, vector<16xi32>, vector<16xi1>) -> (vector<16xi1>, vector<16xf32>, vector<16xi32>)
      %rev3A_732 = arith.constant 15 : i32
      %rev3A_733 = vector.broadcast %rev3A_732 : i32 to vector<16xi32>
      %rev3A_734 = tpu.iota {dimensions = array<i32: 0>} : vector<16xi32>
      %rev3A_735 = arith.subi %rev3A_733, %rev3A_734 : vector<16xi32>
      %rev3A_736 = tpu.dynamic_gather %masked_sort3A_730[%rev3A_735] in [0] : vector<16xf32>, vector<16xi32> -> vector<16xf32>
      %rev3A_737 = arith.constant 15 : i32
      %rev3A_738 = vector.broadcast %rev3A_737 : i32 to vector<16xi32>
      %rev3A_739 = tpu.iota {dimensions = array<i32: 0>} : vector<16xi32>
      %rev3A_740 = arith.subi %rev3A_738, %rev3A_739 : vector<16xi32>
      %rev3A_741 = tpu.dynamic_gather %masked_sort3A_731[%rev3A_740] in [0] : vector<16xi32>, vector<16xi32> -> vector<16xi32>
      %ge3A_742 = arith.cmpf oge, %masked_sort3A_726, %rev3A_736 : vector<16xf32>
      %select_n3A_743 = arith.select %ge3A_742, %masked_sort3A_726, %rev3A_736 : vector<16xi1>, vector<16xf32>
      %select_n3A_744 = arith.select %ge3A_742, %masked_sort3A_727, %rev3A_741 : vector<16xi1>, vector<16xi32>
      %masked_sort3A_745 = arith.constant dense<true> : vector<16xi1>
      %masked_sort3A_746, %masked_sort3A_747, %masked_sort3A_748 = tpu.sort %select_n3A_743, %select_n3A_744 masked %masked_sort3A_745 {descending = true} : (vector<16xf32>, vector<16xi32>, vector<16xi1>) -> (vector<16xi1>, vector<16xf32>, vector<16xi32>)
      %add3A_749 = arith.constant 7 : i32
      %add3A_750 = arith.addi %mul3A_60, %add3A_749 : i32
      %mul3A_751 = arith.constant 64 : i32
      %mul3A_752 = arith.muli %add3A_750, %mul3A_751 : i32
      %add3A_753 = arith.constant 0 : i32
      %add3A_754 = arith.addi %mul3A_752, %add3A_753 : i32
      %get3A_755 = arith.index_cast %add3A_754 : i32 to index
      %get3A_756 = tpu.vector_load %arg5[%get3A_755] {strides = array<i32>} : memref<32768xf32, #tpu.memory_space<vmem>>, vector<16xf32>,
      %add3A_757 = arith.constant 0 : i32
      %add3A_758 = vector.broadcast %add3A_757 : i32 to vector<16xi32>
      %add3A_759 = arith.addi %iota3A, %add3A_758 : vector<16xi32>
      %masked_sort3A_760 = arith.constant dense<true> : vector<16xi1>
      %masked_sort3A_761, %masked_sort3A_762, %masked_sort3A_763 = tpu.sort %get3A_756, %add3A_759 masked %masked_sort3A_760 {descending = true} : (vector<16xf32>, vector<16xi32>, vector<16xi1>) -> (vector<16xi1>, vector<16xf32>, vector<16xi32>)
      %add3A_764 = arith.constant 16 : i32
      %add3A_765 = arith.addi %mul3A_752, %add3A_764 : i32
      %get3A_766 = arith.index_cast %add3A_765 : i32 to index
      %get3A_767 = tpu.vector_load %arg5[%get3A_766] {strides = array<i32>} : memref<32768xf32, #tpu.memory_space<vmem>>, vector<16xf32>,
      %add3A_768 = arith.constant 16 : i32
      %add3A_769 = vector.broadcast %add3A_768 : i32 to vector<16xi32>
      %add3A_770 = arith.addi %iota3A, %add3A_769 : vector<16xi32>
      %masked_sort3A_771 = arith.constant dense<true> : vector<16xi1>
      %masked_sort3A_772, %masked_sort3A_773, %masked_sort3A_774 = tpu.sort %get3A_767, %add3A_770 masked %masked_sort3A_771 {descending = true} : (vector<16xf32>, vector<16xi32>, vector<16xi1>) -> (vector<16xi1>, vector<16xf32>, vector<16xi32>)
      %add3A_775 = arith.constant 32 : i32
      %add3A_776 = arith.addi %mul3A_752, %add3A_775 : i32
      %get3A_777 = arith.index_cast %add3A_776 : i32 to index
      %get3A_778 = tpu.vector_load %arg5[%get3A_777] {strides = array<i32>} : memref<32768xf32, #tpu.memory_space<vmem>>, vector<16xf32>,
      %add3A_779 = arith.constant 32 : i32
      %add3A_780 = vector.broadcast %add3A_779 : i32 to vector<16xi32>
      %add3A_781 = arith.addi %iota3A, %add3A_780 : vector<16xi32>
      %masked_sort3A_782 = arith.constant dense<true> : vector<16xi1>
      %masked_sort3A_783, %masked_sort3A_784, %masked_sort3A_785 = tpu.sort %get3A_778, %add3A_781 masked %masked_sort3A_782 {descending = true} : (vector<16xf32>, vector<16xi32>, vector<16xi1>) -> (vector<16xi1>, vector<16xf32>, vector<16xi32>)
      %add3A_786 = arith.constant 48 : i32
      %add3A_787 = arith.addi %mul3A_752, %add3A_786 : i32
      %get3A_788 = arith.index_cast %add3A_787 : i32 to index
      %get3A_789 = tpu.vector_load %arg5[%get3A_788] {strides = array<i32>} : memref<32768xf32, #tpu.memory_space<vmem>>, vector<16xf32>,
      %add3A_790 = arith.constant 48 : i32
      %add3A_791 = vector.broadcast %add3A_790 : i32 to vector<16xi32>
      %add3A_792 = arith.addi %iota3A, %add3A_791 : vector<16xi32>
      %masked_sort3A_793 = arith.constant dense<true> : vector<16xi1>
      %masked_sort3A_794, %masked_sort3A_795, %masked_sort3A_796 = tpu.sort %get3A_789, %add3A_792 masked %masked_sort3A_793 {descending = true} : (vector<16xf32>, vector<16xi32>, vector<16xi1>) -> (vector<16xi1>, vector<16xf32>, vector<16xi32>)
      %rev3A_797 = arith.constant 15 : i32
      %rev3A_798 = vector.broadcast %rev3A_797 : i32 to vector<16xi32>
      %rev3A_799 = tpu.iota {dimensions = array<i32: 0>} : vector<16xi32>
      %rev3A_800 = arith.subi %rev3A_798, %rev3A_799 : vector<16xi32>
      %rev3A_801 = tpu.dynamic_gather %masked_sort3A_773[%rev3A_800] in [0] : vector<16xf32>, vector<16xi32> -> vector<16xf32>
      %rev3A_802 = arith.constant 15 : i32
      %rev3A_803 = vector.broadcast %rev3A_802 : i32 to vector<16xi32>
      %rev3A_804 = tpu.iota {dimensions = array<i32: 0>} : vector<16xi32>
      %rev3A_805 = arith.subi %rev3A_803, %rev3A_804 : vector<16xi32>
      %rev3A_806 = tpu.dynamic_gather %masked_sort3A_774[%rev3A_805] in [0] : vector<16xi32>, vector<16xi32> -> vector<16xi32>
      %ge3A_807 = arith.cmpf oge, %masked_sort3A_762, %rev3A_801 : vector<16xf32>
      %select_n3A_808 = arith.select %ge3A_807, %masked_sort3A_762, %rev3A_801 : vector<16xi1>, vector<16xf32>
      %select_n3A_809 = arith.select %ge3A_807, %masked_sort3A_763, %rev3A_806 : vector<16xi1>, vector<16xi32>
      %rev3A_810 = arith.constant 15 : i32
      %rev3A_811 = vector.broadcast %rev3A_810 : i32 to vector<16xi32>
      %rev3A_812 = tpu.iota {dimensions = array<i32: 0>} : vector<16xi32>
      %rev3A_813 = arith.subi %rev3A_811, %rev3A_812 : vector<16xi32>
      %rev3A_814 = tpu.dynamic_gather %masked_sort3A_795[%rev3A_813] in [0] : vector<16xf32>, vector<16xi32> -> vector<16xf32>
      %rev3A_815 = arith.constant 15 : i32
      %rev3A_816 = vector.broadcast %rev3A_815 : i32 to vector<16xi32>
      %rev3A_817 = tpu.iota {dimensions = array<i32: 0>} : vector<16xi32>
      %rev3A_818 = arith.subi %rev3A_816, %rev3A_817 : vector<16xi32>
      %rev3A_819 = tpu.dynamic_gather %masked_sort3A_796[%rev3A_818] in [0] : vector<16xi32>, vector<16xi32> -> vector<16xi32>
      %ge3A_820 = arith.cmpf oge, %masked_sort3A_784, %rev3A_814 : vector<16xf32>
      %select_n3A_821 = arith.select %ge3A_820, %masked_sort3A_784, %rev3A_814 : vector<16xi1>, vector<16xf32>
      %select_n3A_822 = arith.select %ge3A_820, %masked_sort3A_785, %rev3A_819 : vector<16xi1>, vector<16xi32>
      %masked_sort3A_823 = arith.constant dense<true> : vector<16xi1>
      %masked_sort3A_824, %masked_sort3A_825, %masked_sort3A_826 = tpu.sort %select_n3A_808, %select_n3A_809 masked %masked_sort3A_823 {descending = true} : (vector<16xf32>, vector<16xi32>, vector<16xi1>) -> (vector<16xi1>, vector<16xf32>, vector<16xi32>)
      %masked_sort3A_827 = arith.constant dense<true> : vector<16xi1>
      %masked_sort3A_828, %masked_sort3A_829, %masked_sort3A_830 = tpu.sort %select_n3A_821, %select_n3A_822 masked %masked_sort3A_827 {descending = true} : (vector<16xf32>, vector<16xi32>, vector<16xi1>) -> (vector<16xi1>, vector<16xf32>, vector<16xi32>)
      %rev3A_831 = arith.constant 15 : i32
      %rev3A_832 = vector.broadcast %rev3A_831 : i32 to vector<16xi32>
      %rev3A_833 = tpu.iota {dimensions = array<i32: 0>} : vector<16xi32>
      %rev3A_834 = arith.subi %rev3A_832, %rev3A_833 : vector<16xi32>
      %rev3A_835 = tpu.dynamic_gather %masked_sort3A_829[%rev3A_834] in [0] : vector<16xf32>, vector<16xi32> -> vector<16xf32>
      %rev3A_836 = arith.constant 15 : i32
      %rev3A_837 = vector.broadcast %rev3A_836 : i32 to vector<16xi32>
      %rev3A_838 = tpu.iota {dimensions = array<i32: 0>} : vector<16xi32>
      %rev3A_839 = arith.subi %rev3A_837, %rev3A_838 : vector<16xi32>
      %rev3A_840 = tpu.dynamic_gather %masked_sort3A_830[%rev3A_839] in [0] : vector<16xi32>, vector<16xi32> -> vector<16xi32>
      %ge3A_841 = arith.cmpf oge, %masked_sort3A_825, %rev3A_835 : vector<16xf32>
      %select_n3A_842 = arith.select %ge3A_841, %masked_sort3A_825, %rev3A_835 : vector<16xi1>, vector<16xf32>
      %select_n3A_843 = arith.select %ge3A_841, %masked_sort3A_826, %rev3A_840 : vector<16xi1>, vector<16xi32>
      %masked_sort3A_844 = arith.constant dense<true> : vector<16xi1>
      %masked_sort3A_845, %masked_sort3A_846, %masked_sort3A_847 = tpu.sort %select_n3A_842, %select_n3A_843 masked %masked_sort3A_844 {descending = true} : (vector<16xf32>, vector<16xi32>, vector<16xi1>) -> (vector<16xi1>, vector<16xf32>, vector<16xi32>)
      %add3A_848 = arith.constant 0 : i32
      %add3A_849 = arith.addi %mul3A_60, %add3A_848 : i32
      %mul3A_850 = arith.constant 8 : i32
      %mul3A_851 = arith.muli %add3A_849, %mul3A_850 : i32
      %swap3A_852 = arith.index_cast %mul3A_851 : i32 to index
      %swap3A_853 = tpu.vector_load %arg6[%swap3A_852] masked %lt3A_33 {strides = array<i32>} : memref<4112xi32, #tpu.memory_space<vmem>>, vector<16xi32>, vector<16xi1>
      tpu.vector_store %arg6[%swap3A_852], %masked_sort3A_154 masked %lt3A_33 {strides = array<i32>} : memref<4112xi32, #tpu.memory_space<vmem>>, vector<16xi32>, vector<16xi1>
      tpu.vector_store_idx %arg7[%masked_sort3A_154], %broadcast_in_dim3A_29 masked %eq3A_31 {add = true} : memref<64xf32, #tpu.memory_space<vmem>>[vector<16xi32>], vector<16xf32>, vector<16xi1>
      %add3A_854 = arith.constant 1 : i32
      %add3A_855 = arith.addi %mul3A_60, %add3A_854 : i32
      %mul3A_856 = arith.constant 8 : i32
      %mul3A_857 = arith.muli %add3A_855, %mul3A_856 : i32
      %swap3A_858 = arith.index_cast %mul3A_857 : i32 to index
      %swap3A_859 = tpu.vector_load %arg6[%swap3A_858] masked %lt3A_33 {strides = array<i32>} : memref<4112xi32, #tpu.memory_space<vmem>>, vector<16xi32>, vector<16xi1>
      tpu.vector_store %arg6[%swap3A_858], %masked_sort3A_253 masked %lt3A_33 {strides = array<i32>} : memref<4112xi32, #tpu.memory_space<vmem>>, vector<16xi32>, vector<16xi1>
      tpu.vector_store_idx %arg7[%masked_sort3A_253], %broadcast_in_dim3A_29 masked %eq3A_31 {add = true} : memref<64xf32, #tpu.memory_space<vmem>>[vector<16xi32>], vector<16xf32>, vector<16xi1>
      %add3A_860 = arith.constant 2 : i32
      %add3A_861 = arith.addi %mul3A_60, %add3A_860 : i32
      %mul3A_862 = arith.constant 8 : i32
      %mul3A_863 = arith.muli %add3A_861, %mul3A_862 : i32
      %swap3A_864 = arith.index_cast %mul3A_863 : i32 to index
      %swap3A_865 = tpu.vector_load %arg6[%swap3A_864] masked %lt3A_33 {strides = array<i32>} : memref<4112xi32, #tpu.memory_space<vmem>>, vector<16xi32>, vector<16xi1>
      tpu.vector_store %arg6[%swap3A_864], %masked_sort3A_352 masked %lt3A_33 {strides = array<i32>} : memref<4112xi32, #tpu.memory_space<vmem>>, vector<16xi32>, vector<16xi1>
      tpu.vector_store_idx %arg7[%masked_sort3A_352], %broadcast_in_dim3A_29 masked %eq3A_31 {add = true} : memref<64xf32, #tpu.memory_space<vmem>>[vector<16xi32>], vector<16xf32>, vector<16xi1>
      %add3A_866 = arith.constant 3 : i32
      %add3A_867 = arith.addi %mul3A_60, %add3A_866 : i32
      %mul3A_868 = arith.constant 8 : i32
      %mul3A_869 = arith.muli %add3A_867, %mul3A_868 : i32
      %swap3A_870 = arith.index_cast %mul3A_869 : i32 to index
      %swap3A_871 = tpu.vector_load %arg6[%swap3A_870] masked %lt3A_33 {strides = array<i32>} : memref<4112xi32, #tpu.memory_space<vmem>>, vector<16xi32>, vector<16xi1>
      tpu.vector_store %arg6[%swap3A_870], %masked_sort3A_451 masked %lt3A_33 {strides = array<i32>} : memref<4112xi32, #tpu.memory_space<vmem>>, vector<16xi32>, vector<16xi1>
      tpu.vector_store_idx %arg7[%masked_sort3A_451], %broadcast_in_dim3A_29 masked %eq3A_31 {add = true} : memref<64xf32, #tpu.memory_space<vmem>>[vector<16xi32>], vector<16xf32>, vector<16xi1>
      %add3A_872 = arith.constant 4 : i32
      %add3A_873 = arith.addi %mul3A_60, %add3A_872 : i32
      %mul3A_874 = arith.constant 8 : i32
      %mul3A_875 = arith.muli %add3A_873, %mul3A_874 : i32
      %swap3A_876 = arith.index_cast %mul3A_875 : i32 to index
      %swap3A_877 = tpu.vector_load %arg6[%swap3A_876] masked %lt3A_33 {strides = array<i32>} : memref<4112xi32, #tpu.memory_space<vmem>>, vector<16xi32>, vector<16xi1>
      tpu.vector_store %arg6[%swap3A_876], %masked_sort3A_550 masked %lt3A_33 {strides = array<i32>} : memref<4112xi32, #tpu.memory_space<vmem>>, vector<16xi32>, vector<16xi1>
      tpu.vector_store_idx %arg7[%masked_sort3A_550], %broadcast_in_dim3A_29 masked %eq3A_31 {add = true} : memref<64xf32, #tpu.memory_space<vmem>>[vector<16xi32>], vector<16xf32>, vector<16xi1>
      %add3A_878 = arith.constant 5 : i32
      %add3A_879 = arith.addi %mul3A_60, %add3A_878 : i32
      %mul3A_880 = arith.constant 8 : i32
      %mul3A_881 = arith.muli %add3A_879, %mul3A_880 : i32
      %swap3A_882 = arith.index_cast %mul3A_881 : i32 to index
      %swap3A_883 = tpu.vector_load %arg6[%swap3A_882] masked %lt3A_33 {strides = array<i32>} : memref<4112xi32, #tpu.memory_space<vmem>>, vector<16xi32>, vector<16xi1>
      tpu.vector_store %arg6[%swap3A_882], %masked_sort3A_649 masked %lt3A_33 {strides = array<i32>} : memref<4112xi32, #tpu.memory_space<vmem>>, vector<16xi32>, vector<16xi1>
      tpu.vector_store_idx %arg7[%masked_sort3A_649], %broadcast_in_dim3A_29 masked %eq3A_31 {add = true} : memref<64xf32, #tpu.memory_space<vmem>>[vector<16xi32>], vector<16xf32>, vector<16xi1>
      %add3A_884 = arith.constant 6 : i32
      %add3A_885 = arith.addi %mul3A_60, %add3A_884 : i32
      %mul3A_886 = arith.constant 8 : i32
      %mul3A_887 = arith.muli %add3A_885, %mul3A_886 : i32
      %swap3A_888 = arith.index_cast %mul3A_887 : i32 to index
      %swap3A_889 = tpu.vector_load %arg6[%swap3A_888] masked %lt3A_33 {strides = array<i32>} : memref<4112xi32, #tpu.memory_space<vmem>>, vector<16xi32>, vector<16xi1>
      tpu.vector_store %arg6[%swap3A_888], %masked_sort3A_748 masked %lt3A_33 {strides = array<i32>} : memref<4112xi32, #tpu.memory_space<vmem>>, vector<16xi32>, vector<16xi1>
      tpu.vector_store_idx %arg7[%masked_sort3A_748], %broadcast_in_dim3A_29 masked %eq3A_31 {add = true} : memref<64xf32, #tpu.memory_space<vmem>>[vector<16xi32>], vector<16xf32>, vector<16xi1>
      %add3A_890 = arith.constant 7 : i32
      %add3A_891 = arith.addi %mul3A_60, %add3A_890 : i32
      %mul3A_892 = arith.constant 8 : i32
      %mul3A_893 = arith.muli %add3A_891, %mul3A_892 : i32
      %swap3A_894 = arith.index_cast %mul3A_893 : i32 to index
      %swap3A_895 = tpu.vector_load %arg6[%swap3A_894] masked %lt3A_33 {strides = array<i32>} : memref<4112xi32, #tpu.memory_space<vmem>>, vector<16xi32>, vector<16xi1>
      tpu.vector_store %arg6[%swap3A_894], %masked_sort3A_847 masked %lt3A_33 {strides = array<i32>} : memref<4112xi32, #tpu.memory_space<vmem>>, vector<16xi32>, vector<16xi1>
      tpu.vector_store_idx %arg7[%masked_sort3A_847], %broadcast_in_dim3A_29 masked %eq3A_31 {add = true} : memref<64xf32, #tpu.memory_space<vmem>>[vector<16xi32>], vector<16xf32>, vector<16xi1>
    }
    %scan3A_55 = arith.constant 32 : i32
    %mul3A_56 = arith.constant 8 : i32
    %mul3A_57 = arith.muli %mul3A_2, %mul3A_56 : i32
    "tpu.region"() ({
      %run_scoped3A = tpu.sem_alloc : memref<!tpu.dma_semaphore, #tpu.memory_space<semaphore_mem>>
      %dma_start3A_58 = arith.constant 0 : i32
      %dma_start3A_59 = tpu.memref_slice %arg6[%dma_start3A_58] : memref<4112xi32, #tpu.memory_space<vmem>> -> memref<4096xi32, #tpu.memory_space<vmem>>
      %dma_start3A_60 = tpu.memref_slice %arg3[%mul3A_57] : memref<131072xi32, #tpu.memory_space<hbm>> -> memref<4096xi32, #tpu.memory_space<hbm>>
      %dma_start3A_61 = tpu.memref_slice %arg3[%mul3A_57] : memref<131072xi32, #tpu.memory_space<hbm>> -> memref<4096xi32, #tpu.memory_space<hbm>>
      %dma_start3A_62 = arith.constant 0 : i32
      %dma_start3A_63 = tpu.memref_slice %arg6[%dma_start3A_62] : memref<4112xi32, #tpu.memory_space<vmem>> -> memref<4096xi32, #tpu.memory_space<vmem>>
      tpu.enqueue_dma source(%dma_start3A_63 : memref<4096xi32, #tpu.memory_space<vmem>>) target(%dma_start3A_61 : memref<4096xi32, #tpu.memory_space<hbm>>) target_semaphore(%run_scoped3A : memref<!tpu.dma_semaphore, #tpu.memory_space<semaphore_mem>>)
      %dma_wait3A_64 = arith.constant 0 : i32
      %dma_wait3A_65 = tpu.memref_slice %arg6[%dma_wait3A_64] : memref<4112xi32, #tpu.memory_space<vmem>> -> memref<4096xi32, #tpu.memory_space<vmem>>
      %dma_wait3A_66 = tpu.memref_slice %arg3[%mul3A_57] : memref<131072xi32, #tpu.memory_space<hbm>> -> memref<4096xi32, #tpu.memory_space<hbm>>
      %dma_wait3A_67 = tpu.memref_slice %arg3[%mul3A_57] : memref<131072xi32, #tpu.memory_space<hbm>> -> memref<4096xi32, #tpu.memory_space<hbm>>
      %dma_wait3A_68 = arith.constant 0 : i32
      %dma_wait3A_69 = tpu.memref_slice %arg6[%dma_wait3A_68] : memref<4112xi32, #tpu.memory_space<vmem>> -> memref<4096xi32, #tpu.memory_space<vmem>>
      tpu.wait_dma2 semaphore(%run_scoped3A : memref<!tpu.dma_semaphore, #tpu.memory_space<semaphore_mem>>) src(%dma_wait3A_69 : memref<4096xi32, #tpu.memory_space<vmem>>) dst(%dma_wait3A_67 : memref<4096xi32, #tpu.memory_space<hbm>>)
      tpu.yield
    }) : () -> ()
    "tpu.region"() ({
      %run_scoped3A = tpu.sem_alloc : memref<!tpu.dma_semaphore, #tpu.memory_space<semaphore_mem>>
      %dma_start3A_58 = arith.constant 0 : i32
      %dma_start3A_59 = tpu.memref_slice %arg4[%add3A, %dma_start3A_58] : memref<32x64xf32, #tpu.memory_space<hbm>> -> memref<1x64xf32, #tpu.memory_space<hbm>>
      %dma_start3A_60 = tpu.memref_squeeze %dma_start3A_59 : memref<1x64xf32, #tpu.memory_space<hbm>> -> memref<64xf32, #tpu.memory_space<hbm>>
      %dma_start3A_61 = arith.constant 0 : i32
      %dma_start3A_62 = tpu.memref_slice %arg4[%add3A, %dma_start3A_61] : memref<32x64xf32, #tpu.memory_space<hbm>> -> memref<1x64xf32, #tpu.memory_space<hbm>>
      %dma_start3A_63 = tpu.memref_squeeze %dma_start3A_62 : memref<1x64xf32, #tpu.memory_space<hbm>> -> memref<64xf32, #tpu.memory_space<hbm>>
      tpu.enqueue_dma source(%arg7 : memref<64xf32, #tpu.memory_space<vmem>>) target(%dma_start3A_63 : memref<64xf32, #tpu.memory_space<hbm>>) target_semaphore(%run_scoped3A : memref<!tpu.dma_semaphore, #tpu.memory_space<semaphore_mem>>)
      %dma_wait3A_64 = arith.constant 0 : i32
      %dma_wait3A_65 = tpu.memref_slice %arg4[%add3A, %dma_wait3A_64] : memref<32x64xf32, #tpu.memory_space<hbm>> -> memref<1x64xf32, #tpu.memory_space<hbm>>
      %dma_wait3A_66 = tpu.memref_squeeze %dma_wait3A_65 : memref<1x64xf32, #tpu.memory_space<hbm>> -> memref<64xf32, #tpu.memory_space<hbm>>
      %dma_wait3A_67 = arith.constant 0 : i32
      %dma_wait3A_68 = tpu.memref_slice %arg4[%add3A, %dma_wait3A_67] : memref<32x64xf32, #tpu.memory_space<hbm>> -> memref<1x64xf32, #tpu.memory_space<hbm>>
      %dma_wait3A_69 = tpu.memref_squeeze %dma_wait3A_68 : memref<1x64xf32, #tpu.memory_space<hbm>> -> memref<64xf32, #tpu.memory_space<hbm>>
      tpu.wait_dma2 semaphore(%run_scoped3A : memref<!tpu.dma_semaphore, #tpu.memory_space<semaphore_mem>>) src(%arg7 : memref<64xf32, #tpu.memory_space<vmem>>) dst(%dma_wait3A_69 : memref<64xf32, #tpu.memory_space<hbm>>)
      tpu.yield
    }) : () -> ()
    return
  }
}

module attributes {stable_mosaic.version = 14 : i64} {
  func.func @_gate_body(%arg0: i32, %arg1: memref<1xf32, #tpu.memory_space<smem>>, %arg2: memref<512x4096xf32, #tpu.memory_space<vmem>>, %arg3: memref<4096x64xf32, #tpu.memory_space<vmem>>, %arg4: memref<1x64xf32, #tpu.memory_space<vmem>>, %arg5: memref<512x64xf32, #tpu.memory_space<vmem>>) attributes {dimension_semantics = [#tpu.dimension_semantics<arbitrary>], iteration_bounds = array<i64: 32>, scalar_prefetch = 0 : i64, scratch_operands = 0 : i64, tpu.core_type = #tpu.core_type<tc>, window_params = [{transform_indices = @transform_0, window_bounds = array<i64: 1>}, {transform_indices = @transform_1, window_bounds = array<i64: 512, 4096>}, {pipeline_mode = #tpu.pipeline_mode<synchronous>, transform_indices = @transform_2, window_bounds = array<i64: 4096, 64>}, {pipeline_mode = #tpu.pipeline_mode<synchronous>, transform_indices = @transform_3, window_bounds = array<i64: 1, 64>}, {transform_indices = @transform_4, window_bounds = array<i64: 512, 64>}]} {
    %get3A = arith.constant 0 : index
    %get3A_0 = arith.constant 0 : index
    %get3A_1 = vector.load %arg2[%get3A, %get3A_0] : memref<512x4096xf32, #tpu.memory_space<vmem>>, vector<512x4096xf32>
    %get3A_2 = arith.constant 0 : index
    %get3A_3 = arith.constant 0 : index
    %get3A_4 = vector.load %arg3[%get3A_2, %get3A_3] : memref<4096x64xf32, #tpu.memory_space<vmem>>, vector<4096x64xf32>
    %dot_general3A = arith.constant dense<0.000000e+00> : vector<512x64xf32>
    %dot_general3A_5 = tpu.matmul %get3A_1, %get3A_4, %dot_general3A {dimension_numbers = #tpu.dot_dimension_numbers<[1], [0], [0], [1], [0, 0, 1, 1], [], []>, transpose_lhs_hint = false} : vector<512x4096xf32>, vector<4096x64xf32>, vector<512x64xf32> -> vector<512x64xf32>
    %get3A_6 = arith.constant 0 : index
    %get3A_7 = arith.constant 0 : index
    %get3A_8 = vector.load %arg4[%get3A_6, %get3A_7] : memref<1x64xf32, #tpu.memory_space<vmem>>, vector<1x64xf32>
    %add3A = vector.broadcast %get3A_8 : vector<1x64xf32> to vector<512x64xf32>
    %add3A_9 = arith.addf %dot_general3A_5, %add3A : vector<512x64xf32>
    %get3A_10 = arith.constant 0 : index
    %get3A_11 = memref.load %arg1[%get3A_10] : memref<1xf32, #tpu.memory_space<smem>>
    %div3A = vector.broadcast %get3A_11 : f32 to vector<512x64xf32>
    %div3A_12 = arith.divf %add3A_9, %div3A : vector<512x64xf32>
    %swap3A = arith.constant 0 : index
    %swap3A_13 = arith.constant 0 : index
    %swap3A_14 = vector.load %arg5[%swap3A, %swap3A_13] : memref<512x64xf32, #tpu.memory_space<vmem>>, vector<512x64xf32>
    tpu.vector_store %arg5[%swap3A, %swap3A_13], %div3A_12 {strides = array<i32>} : memref<512x64xf32, #tpu.memory_space<vmem>>, vector<512x64xf32>,
    return
  }
  func.func @transform_0(%arg0: i32) -> i32 {
    %c0_i32 = arith.constant 0 : i32
    %c0_i32_0 = arith.constant 0 : i32
    return %c0_i32 : i32
  }
  func.func @transform_1(%arg0: i32) -> (i32, i32) {
    %c0_i32 = arith.constant 0 : i32
    %c0_i32_0 = arith.constant 0 : i32
    return %arg0, %c0_i32 : i32, i32
  }
  func.func @transform_2(%arg0: i32) -> (i32, i32) {
    %c0_i32 = arith.constant 0 : i32
    %c0_i32_0 = arith.constant 0 : i32
    %c0_i32_1 = arith.constant 0 : i32
    return %c0_i32, %c0_i32_0 : i32, i32
  }
  func.func @transform_3(%arg0: i32) -> (i32, i32) {
    %c0_i32 = arith.constant 0 : i32
    %c0_i32_0 = arith.constant 0 : i32
    %c0_i32_1 = arith.constant 0 : i32
    return %c0_i32, %c0_i32_0 : i32, i32
  }
  func.func @transform_4(%arg0: i32) -> (i32, i32) {
    %c0_i32 = arith.constant 0 : i32
    %c0_i32_0 = arith.constant 0 : i32
    return %arg0, %c0_i32 : i32, i32
  }
}

module attributes {stable_mosaic.version = 14 : i64} {
  func.func @_loss_body(%arg0: memref<32x64xf32, #tpu.memory_space<vmem>>, %arg1: memref<1x1xf32, #tpu.memory_space<vmem>>) attributes {dimension_semantics = [], scalar_prefetch = 0 : i64, scratch_operands = 0 : i64, tpu.core_type = #tpu.core_type<tc>} {
    %get3A = arith.constant 0 : index
    %get3A_0 = arith.constant 0 : index
    %get3A_1 = vector.load %arg0[%get3A, %get3A_0] : memref<32x64xf32, #tpu.memory_space<vmem>>, vector<32x64xf32>
    %reduce_sum3A = arith.constant dense<0.000000e+00> : vector<64xf32>
    %reduce_sum3A_2 = vector.multi_reduction <add>, %get3A_1, %reduce_sum3A [0] : vector<32x64xf32> to vector<64xf32>
    %div3A = arith.constant 1.638400e+04 : f32
    %div3A_3 = vector.broadcast %div3A : f32 to vector<64xf32>
    %div3A_4 = arith.divf %reduce_sum3A_2, %div3A_3 : vector<64xf32>
    %add3A = arith.constant 9.99999993E-9 : f32
    %add3A_5 = vector.broadcast %add3A : f32 to vector<64xf32>
    %add3A_6 = arith.addf %div3A_4, %add3A_5 : vector<64xf32>
    %reduce_sum3A_7 = vector.shape_cast %add3A_6 : vector<64xf32> to vector<1x64xf32>
    %reduce_sum3A_8 = arith.constant dense<0.000000e+00> : vector<1xf32>
    %reduce_sum3A_9 = vector.multi_reduction <add>, %reduce_sum3A_7, %reduce_sum3A_8 [1] : vector<1x64xf32> to vector<1xf32>
    %reduce_sum3A_10 = vector.shape_cast %reduce_sum3A_9 : vector<1xf32> to vector<1x1xf32>
    %reduce_sum3A_11 = vector.extract %reduce_sum3A_10[0, 0] : f32 from vector<1x1xf32>
    %div3A_12 = vector.broadcast %reduce_sum3A_11 : f32 to vector<64xf32>
    %div3A_13 = arith.divf %add3A_6, %div3A_12 : vector<64xf32>
    %log3A = arith.constant 1.562500e-02 : f32
    %log3A_14 = math.log %log3A : f32
    %log3A_15 = math.log %div3A_13 : vector<64xf32>
    %sub3A = vector.broadcast %log3A_14 : f32 to vector<64xf32>
    %sub3A_16 = arith.subf %sub3A, %log3A_15 : vector<64xf32>
    %mul3A = arith.constant 1.562500e-02 : f32
    %mul3A_17 = vector.broadcast %mul3A : f32 to vector<64xf32>
    %mul3A_18 = arith.mulf %mul3A_17, %sub3A_16 : vector<64xf32>
    %reduce_sum3A_19 = vector.shape_cast %mul3A_18 : vector<64xf32> to vector<1x64xf32>
    %reduce_sum3A_20 = arith.constant dense<0.000000e+00> : vector<1xf32>
    %reduce_sum3A_21 = vector.multi_reduction <add>, %reduce_sum3A_19, %reduce_sum3A_20 [1] : vector<1x64xf32> to vector<1xf32>
    %reduce_sum3A_22 = vector.shape_cast %reduce_sum3A_21 : vector<1xf32> to vector<1x1xf32>
    %reduce_sum3A_23 = vector.extract %reduce_sum3A_22[0, 0] : f32 from vector<1x1xf32>
    %mul3A_24 = arith.constant 1.000000e-01 : f32
    %mul3A_25 = arith.mulf %mul3A_24, %reduce_sum3A_23 : f32
    %broadcast_in_dim3A = vector.broadcast %mul3A_25 : f32 to vector<1x1xf32>
    %swap3A = arith.constant 0 : index
    %swap3A_26 = arith.constant 0 : index
    %swap3A_27 = vector.load %arg1[%swap3A, %swap3A_26] : memref<1x1xf32, #tpu.memory_space<vmem>>, vector<1x1xf32>
    tpu.vector_store %arg1[%swap3A, %swap3A_26], %broadcast_in_dim3A {strides = array<i32>} : memref<1x1xf32, #tpu.memory_space<vmem>>, vector<1x1xf32>,
    return
  }
}

</mosaic_0001>

<sc_bundles>
// kernel: kernel.5.cloned.1.call-start
scs
__scs_entry_jumppad:
0x0: {  	(pc) =	sbr.rel $0x88, $3  }
0x1: {  	(tag) =	ssettag $0x0;
	lr =	simm.s32 $0x1  }
0x2: {  	[smem:$0x3F9D] =	sst lr;
	_ =	strace $0xD0000000  }
0x3: {  	_ = 	snop  }
0x4: {  	_ = 	snop  }
0x5: {  	_ = 	snop  }
0x6: {  	_ = 	snop  }
0x7: {  	_ = 	snop  }
__scs_overlays_trampoline_lowered:
0x8: {  	[smem:$0x3FAC] =	sst s0  }
0x9: {  	[smem:$0x3FAD] =	sst s1  }
0xa: {  	[smem:$0x3FAE] =	sst s2  }
0xb: {  	[smem:$0x3FAF] =	sst s3  }
0xc: {  	[smem:$0x3FB0] =	sst s4  }
0xd: {  	[smem:$0x3FB1] =	sst s5  }
0xe: {  	[smem:$0x3FB2] =	sst s6  }
0xf: {  	[smem:$0x3FB3] =	sst s7  }
0x10: {  	[smem:$0x3FB4] =	sst s8  }
0x11: {  	[smem:$0x3FB5] =	sst s9;
	s0 =	simm.s32 @!p0 $0x0  }
0x12: {  	s1 =	sld [smem:$0x3F9B];
	s0 =	simm.s32 @p0 $0x1  }
0x13: {  	[smem:$0x3FB6] =	sst s0;
	s0 =	simm.s32 @!p1 $0x0  }
0x14: {  	s2 =	sld [smem:$0x3F9A];
	s0 =	simm.s32 @p1 $0x1  }
0x15: {  	[smem:$0x3FB7] =	sst s0;
	s0 =	simm.s32 @!p2 $0x0  }
0x16: {  	s3 =	sld [smem:$0x3FDB];
	s0 =	simm.s32 @p2 $0x1  }
0x17: {  	s4 =	simm.s32 $0x1BF5;
	[smem:$0x3FB9] =	sst s0  }
0x18: {  	s0 =	sld [smem:$0x3F9C];
	_ =	swait.ge [sflag:s4], $0x0  }
0x19: {  	s7 =	sld [smem:$0x3F9D]  }
0x1a: {  	s8 =	sadd.s32 $0xFFFFE003, lr  }
0x1b: {  	s9 =	sadd.s32 $0xFFFFFEF7, lr;
	s5 =	simm.s32 $0xFFFFFFFF;
	p2 =	slt.u32 s8, $0xFFFFF086  }
0x1c: {  	p1 =	slt.u32 s9, $0xF7A;
	s5 =	simm.s32 @!p2 $0x0  }
0x1d: {  	s5 =	simm.s32 @p1 $0x1;
	p0 =	seq.s32 s7, s2  }
0x1e: {  	s7 =	smul.u32 @!p0 $0xF7A, s2;
	p2 =	seq.s32 @!p0 s5, $0x0  }
0x1f: {  	s9 =	smul.u32 $0xF7A, s1;
	s8 =	simm.s32 @!p0 $0x1BF5;
	p2 =	por !p2, p0  }
0x20: {  	[sflag:s8] =	ssyncset.s32 @!p0 $0xFFFFF086;
	s6 =	sadd.s32 @!p0 s3, s7;
	s7 =	simm.s32 @!p0 $0x108  }
0x21: {  	s3 =	sadd.s32 s3, s9;
	s6 =	sadd.s32 @!p0 $0x88, s6;
	s7 =	simm.s32 @p2 $0x1082  }
0x22: {  	[simem:s7], [sflag:s8] =	dma.local @!p0 [hbm:s6], $0xF7A  }
0x23: {  	s9 =	sor.u32 $0xD0000000, s2;
	s6 =	simm.s32 $0x108;
	_ =	swait.ge @!p0 [sflag:s8], $0x0  }
0x24: {  	s3 =	sadd.s32 $0x88, s3;
	s6 =	simm.s32 @!p1 $0x1082;
	[sflag:s4] =	ssyncset.s32 $0xFFFFF086  }
0x25: {  	[simem:s6], [sflag:s4] =	dma.local [hbm:s3], $0xF7A  }
0x26: {  	[smem:$0x3F9D] =	sst s1;
	(tag) =	ssettag s2;
	_ =	strace s9  }
0x27: {  	s1 =	sld [smem:$0x3FAD]  }
0x28: {  	s2 =	sld [smem:$0x3FAE]  }
0x29: {  	s4 =	sld [smem:$0x3FB0]  }
0x2a: {  	p0 =	seq.s32 s5, $0x0;
	s5 =	sld [smem:$0x3FB1]  }
0x2b: {  	s6 =	sld [smem:$0x3FB2]  }
0x2c: {  	s7 =	sld [smem:$0x3FB3]  }
0x2d: {  	s3 =	simm.s32 $0x108;
	s8 =	sld [smem:$0x3FB4]  }
0x2e: {  	s3 =	simm.s32 @!p0 $0x1082;
	s9 =	sld [smem:$0x3FB5]  }
0x2f: {  	lr =	sadd.s32 s0, s3;
	s0 =	sld [smem:$0x3FAC]  }
0x30: {  	s3 =	sld [smem:$0x3FAF]  }
0x31: {  	[smem:$0x3FB8] =	sst s10  }
0x32: {  	s10 =	sld [smem:$0x3FB6];
	_ =	sdelay $0x3  }
0x33: {  	p0 =	seq.s32 s10, $0x1;
	s10 =	sld [smem:$0x3FB8];
	_ =	sdelay $0x3  }
0x34: {  	[smem:$0x3FB8] =	sst s10  }
0x35: {  	s10 =	sld [smem:$0x3FB7];
	_ =	sdelay $0x3  }
0x36: {  	p1 =	seq.s32 s10, $0x1;
	s10 =	sld [smem:$0x3FB8];
	_ =	sdelay $0x3  }
0x37: {  	[smem:$0x3FB8] =	sst s10  }
0x38: {  	s10 =	sld [smem:$0x3FB9]  }
0x39: {  	_ = 	snop;
	(pc) =	sbr.ind lr, $3  }
0x3a: {  	_ = 	snop  }
0x3b: {  	_ = 	snop  }
0x3c: {  	p2 =	seq.s32 s10, $0x1;
	s10 =	sld [smem:$0x3FB8]  }
0x3d: {  	_ =	shalt  }
0x3e: {  	_ =	shalt  }
0x3f: {  	_ =	shalt  }
0x40: {  	_ =	shalt  }
0x41: {  	_ =	shalt  }
0x42: {  	_ =	shalt  }
0x43: {  	_ =	shalt  }
0x44: {  	_ =	shalt  }
0x45: {  	_ =	shalt  }
0x46: {  	_ =	shalt  }
0x47: {  	_ =	shalt  }
0x48: {  	_ =	shalt  }
0x49: {  	_ =	shalt  }
0x4a: {  	_ =	shalt  }
0x4b: {  	_ =	shalt  }
0x4c: {  	_ =	shalt  }
0x4d: {  	_ =	shalt  }
0x4e: {  	_ =	shalt  }
0x4f: {  	_ =	shalt  }
0x50: {  	_ =	shalt  }
0x51: {  	_ =	shalt  }
0x52: {  	_ =	shalt  }
0x53: {  	_ =	shalt  }
0x54: {  	_ =	shalt  }
0x55: {  	_ =	shalt  }
0x56: {  	_ =	shalt  }
0x57: {  	_ =	shalt  }
0x58: {  	_ =	shalt  }
0x59: {  	_ =	shalt  }
0x5a: {  	_ =	shalt  }
0x5b: {  	_ =	shalt  }
0x5c: {  	_ =	shalt  }
0x5d: {  	_ =	shalt  }
0x5e: {  	_ =	shalt  }
0x5f: {  	_ =	shalt  }
0x60: {  	_ =	shalt  }
0x61: {  	_ =	shalt  }
0x62: {  	_ =	shalt  }
0x63: {  	_ =	shalt  }
0x64: {  	_ =	shalt  }
0x65: {  	_ =	shalt  }
0x66: {  	_ =	shalt  }
0x67: {  	_ =	shalt  }
0x68: {  	_ =	shalt  }
0x69: {  	_ =	shalt  }
0x6a: {  	_ =	shalt  }
0x6b: {  	_ =	shalt  }
0x6c: {  	_ =	shalt  }
0x6d: {  	_ =	shalt  }
0x6e: {  	_ =	shalt  }
0x6f: {  	_ =	shalt  }
0x70: {  	_ =	shalt  }
0x71: {  	_ =	shalt  }
0x72: {  	_ =	shalt  }
0x73: {  	_ =	shalt  }
0x74: {  	_ =	shalt  }
0x75: {  	_ =	shalt  }
0x76: {  	_ =	shalt  }
0x77: {  	_ =	shalt  }
0x78: {  	_ =	shalt  }
0x79: {  	_ =	shalt  }
0x7a: {  	_ =	shalt  }
0x7b: {  	_ =	shalt  }
0x7c: {  	_ =	shalt  }
0x7d: {  	_ =	shalt  }
0x7e: {  	_ =	shalt  }
0x7f: {  	_ =	shalt  }
0x80: {  	_ =	shalt  }
0x81: {  	_ =	shalt  }
0x82: {  	_ =	shalt  }
0x83: {  	_ =	shalt  }
0x84: {  	_ =	shalt  }
0x85: {  	_ =	shalt  }
0x86: {  	_ =	shalt  }
0x87: {  	_ =	shalt  }
.Lfunc_end0:
.L_simem_size_0:
called_computation_lowered:
.L_overlay_start_0:
0x88: {  	s2 =	sld [smem:$0x3FD9]  }
0x89: {  	s3 =	sld [smem:$0x3FFE];
	_ =	sdelay $0x1  }
0x8a: {  	s1 =	srdreg.scid  }
0x8b: {  	s0 =	sand.u32 $0x1, s1  }
0x8c: {  	s14 =	sshll.u32 s0, $0xA;
	s2 =	sadd.s32 s3, s2  }
0x8d: {  	s2 =	sadd.s32 s2, s14  }
0x8e: {  	[smem:$0x3FC4] =	sst s2  }
0x8f: {  	_ = 	snop  }
0x90: {  	s2 =	sld [smem:$0x3FD0];
	_ =	sdelay $0x2  }
0x91: {  	s15 =	simm.s32 $0xA;
	s4 =	simm.s32 $0x10  }
0x92: {  	[smem:s4], [sflag:s15] =	dma.local [hbm:s2], $0x1  }
0x93: {  	_ =	swait.eq [sflag:s15], $0x1  }
0x94: {  	[sflag:s15] =	ssyncset.done $0x0  }
0x95: {  	[sflag:s15] =	ssyncadd.s32 $0xFFFFFFFF  }
0x96: {  	s16 =	sld [smem:$0x11];
	(tm) =	ssettm $0x1  }
0x97: {  	s17 =	sld [smem:$0x3FFB];
	_ =	sdelay $0x3  }
0x98: {  	_ =	strace s17  }
0x99: {  	s3 =	sld [smem:$0x3FFC];
	_ =	sdelay $0x3  }
0x9a: {  	_ =	strace s3  }
0x9b: {  	s3 =	sld [smem:$0x3FFD];
	_ =	sdelay $0x3  }
0x9c: {  	_ =	strace s3  }
0x9d: {  	_ =	strace $0x8FFFFFFF  }
0x9e: {  	s18 =	sld [smem:$0x3FDB];
	_ =	sdelay $0x1  }
0x9f: {  	s19 =	simm.s32 $_scs_section_size  }
0xa0: {  	s5 =	simm.s32 $_size__tile_overlayer_lowered;
	s6 =	simm.s32 $_tile_overlayer_lowered  }
0xa1: {  	s22 =	simm.s32 $0x1BFF;
	s21 =	sshll.u32 s6, $0x1;
	s3 =	sadd.s32 s19, s18  }
0xa2: {  	s7 =	simm.s32 $0x0;
	s20 =	sshll.u32 s5, $0x1;
	s5 =	sadd.s32 s21, s3  }
0xa3: {  	[timem:s7], [sflag:s22] =	dma.local [hbm:s5], s20  }
0xa4: {  	_ =	swait.ge [sflag:s22], s20  }
0xa5: {  	s4 =	ssub.s32 $0x0, s20;
	[sflag:s22] =	ssyncset.done $0x0  }
0xa6: {  	[sflag:s22] =	ssyncadd.s32 s4;
	_ =	sdelay $0x1  }
0xa7: {  	s23 =	simm.s32 $0x1B8B  }
0xa8: {  	_ =	swait.ge [sflag:s23], $0x1  }
0xa9: {  	[sflag:s23] =	ssyncset.done $0x0  }
0xaa: {  	s25 =	simm.s32 $0x1B8E;
	s24 =	sld [smem:$0x3FFE];
	[sflag:s23] =	ssyncadd.s32 $0xFFFFFFFF  }
0xab: {  	s26 =	simm.s32 $execute0_lowered;
	[smem:$0x3FD2] =	sst s25  }
0xac: {  	s5 =	sshll.u32 s26, $0x1;
	_ =	strace $0x80000046;
	[dreg:$0x1] =	wrdreg $0xFFFFFFFF  }
0xad: {  	s28 =	simm.s32 $_size_execute0_lowered;
	s3 =	sadd.s32 s3, s5;
	[dreg:$0x0] =	wrdreg $0x0  }
0xae: {  	s5 =	sshll.u32 s28, $0x1;
	[dreg:$0x2] =	wrdreg s3  }
0xaf: {  	[dreg:$0x3] =	wrdreg s5  }
0xb0: {  	[dreg:$0x4] =	wrdreg $0xC0  }
0xb1: {  	_ =	task [dreg:s7], $0x5FFFF  }
0xb2: {  	[dreg:$0x1] =	wrdreg $0xFFFFFFFF  }
0xb3: {  	[dreg:$0x0] =	wrdreg $0x60  }
0xb4: {  	[dreg:$0x2] =	wrdreg s24  }
0xb5: {  	[dreg:$0x3] =	wrdreg s16  }
0xb6: {  	[dreg:$0x4] =	wrdreg $0x9  }
0xb7: {  	_ =	task.clear_ibuf [dreg:s7], $0x5FFFF;
	_ =	strace $0x90000046  }
0xb8: {  	s29 =	simm.s32 $0x9;
	_ =	strace $0x80000048  }
0xb9: {  	_ =	swait.ge [sflag:s29], $0x1  }
0xba: {  	[sflag:s29] =	ssyncadd.s32 $0xFFFFFFFF  }
0xbb: {  	_ =	strace $0x90000048  }
0xbc: {  	_ =	sfence  }
0xbd: {  	s30 =	sld [smem:$0x0];
	_ =	sdelay $0x2  }
0xbe: {  	s31 =	sshll.u32 s1, $0xD;
	s1 =	sshrl.u32 s1, $0x2  }
0xbf: {  	s3 =	sand.u32 $0x4000, s31;
	s1 =	sadd.s32 s1, s30  }
0xc0: {  	s0 =	sor.u32 s3, s0;
	s1 =	sshll.u32 s1, $0x11  }
0xc1: {  	s0 =	sor.u32 s1, s0  }
0xc2: {  	s0 =	sadd.s32 $0x8F2B, s0  }
0xc3: {  	[sflag:s0] =	ssyncadd.remote.s32 $0x1  }
0xc4: {  	_ =	sfence.sel $0xFFFF  }
0xc5: {  	[dreg:$0x0] =	wrdreg $0xFFFFFFFF;
	(pc) =	sbr.abs _section_cstart, $3  }
0xc6: {  	[dreg:$0x1] =	wrdreg $0xFFFFFFFF  }
0xc7: {  	_ =	task.clear_ibuf [dreg:s7], $0x2FFFF;
	_ =	strace $0x9FFFFFFF  }
0xc8: {  	(tm) =	ssettm $0x7FFFFFFF  }
0xc9: {  	_ =	shalt  }
tec
execute0_lowered:
.L_overlay_start_1:
0x0: {  	(tag) =	ssettag $0x1  }
0x1: {  	s3 =	rddreg [dreg:$0x0]  }
0x2: {  	s5 =	rddreg [dreg:$0x1]  }
0x3: {  	s0 =	rddreg [dreg:$0x2];
	s4 =	srdreg.scid  }
0x4: {  	s1 =	stileid.u32;
	s2 =	simm.s32 $0x0;
	s10 =	simm.s32 $0x9080  }
0x5: {  	s11 =	simm.s32 $0x2;
	s12 =	simm.s32 $0x8000;
	s13 =	simm.s32 $0x3  }
0x6: {  	s4 =	sand.u32 $0x1, s4;
	s6 =	sshll.u32 s1, $0x1;
	[smem:$0x7FF] =	sst s2  }
0x7: {  	s14 =	simm.s32 $0x0;
	s6 =	sor.u32 s4, s6;
	_ =	strace $0x80000047  }
0x8: {  	s4 =	ssub.s32 $0x2, s4;
	s7 =	sshll.u32 s6, $0xC;
	s8 =	sshll.u32 s6, $0x4  }
0x9: {  	v0 =	vlaneseq.u32;
	s9 =	sshrl.u32 s4, $0x1;
	s6 =	sshll.u32 s6, $0x9;
	s7 =	sadd.s32 s7, s3  }
0xa: {  	v5 =	vmul.u32 $0xFFFFFFFF, v0;
	s8 =	sadd.s32 s8, s3;
	s9 =	ssub.s32 s4, s9;
	s5 =	sadd.s32 s5, s6  }
0xb: {  	v1 =	vimm.f32 $0.0e+00;
	v6 =	vimm.f32 $1.000000000e+00;
	v2 =	vor.u32 $0x10, v0;
	s3 =	sadd.s32 $0xC00, s7;
	s4 =	sadd.s32 $0x1400, s7;
	s6 =	sadd.s32 $0x20C00, s8  }
0xc: {  	v3 =	vor.u32 $0x20, v0;
	v4 =	vor.u32 $0x30, v0;
	v5 =	vadd.s32 $0xF, v5;
	s7 =	smax.u32 s9, $0x1;
	s8 =	simm.s32 $0x4000;
	s9 =	simm.s32 $0x1  }
.LBB2_1:
0xd: {  	[tilespmem:s2], [sflag:$0x1] =	stream.linear.gather [hbm4b:s3+s2], $0x4000, $0x38;
	[tilespmem:$0x9100] =	vst v63  }
0xe: {  	_ = 	snop  }
0xf: {  	[tilespmem:s8], [sflag:$0x2] =	stream.linear.gather [hbm4b:s4+s2], $0x4000, $0x38;
	[tilespmem:$0x9100] =	vst v63  }
0x10: {  	[tilespmem:$0x9080] =	vst v1  }
0x11: {  	[tilespmem:$0x9090] =	vst v1  }
0x12: {  	[tilespmem:$0x90A0] =	vst v1  }
0x13: {  	[tilespmem:$0x90B0] =	vst v1  }
0x14: {  	_ =	swait.ge [sflag:s9], $0x4000  }
0x15: {  	[sflag:s9] =	ssyncset.done $0x0  }
0x16: {  	s15 =	simm.s32 $0x100;
	[sflag:s9] =	ssyncadd.s32 $0xFFFFC000  }
0x17: {  	v7 =	vld [tilespmem:s15+$0xFFFFFF10]  }
0x18: {  	v8 =	vld [tilespmem:s15+$0xFFFFFF30]  }
0x19: {  	s16 =	simm.s32 $0x40  }
0x1a: {  	s17 =	sor.u32 $0x70, s16;
	v9 =	vld [tilespmem:s15+$0xFFFFFF20]  }
0x1b: {  	s18 =	sor.u32 $0x50, s16;
	v10 =	vld [tilespmem:s17+$0x0]  }
0x1c: {  	s16 =	sor.u32 $0x60, s16;
	v11 =	vld [tilespmem:s18+$0x0];
	(xrf1) =	vsort.dscd.msk.f32 $0xffff, v7, v2  }
0x1d: {  	v12 =	vld [tilespmem:s16+$0x0];
	(xrf1) =	vsort.dscd.msk.f32 $0xffff, v8, v4  }
0x1e: {  	v7 =	vld [tilespmem:s15+$0xFFFFFF00]  }
0x1f: {  	v8 =	vld [tilespmem:s15+$0xFFFFFFB0];
	(xrf1) =	vsort.dscd.msk.f32 $0xffff, v9, v3  }
0x20: {  	v9 =	vld [tilespmem:s15+$0xFFFFFF40];
	(xrf1) =	vsort.dscd.msk.f32 $0xffff, v10, v4  }
0x21: {  	s22 =	simm.s32 $0xC0;
	v10 =	vld [tilespmem:s15+$0xFFFFFFA0];
	(xrf1) =	vsort.dscd.msk.f32 $0xffff, v11, v2  }
0x22: {  	s23 =	sor.u32 $0x50, s22;
	v11 =	vld [tilespmem:s15+$0xFFFFFF90];
	(xrf1) =	vsort.dscd.msk.f32 $0xffff, v12, v3  }
0x23: {  	s24 =	simm.s32 $0x140;
	v12 =	vld [tilespmem:s23+$0x0];
	(xrf1) =	vsort.dscd.msk.f32 $0xffff, v7, v0  }
0x24: {  	s25 =	sor.u32 $0x70, s24;
	v7 =	vld [tilespmem:s15+$0xFFFFFF80];
	(xrf1) =	vsort.dscd.msk.f32 $0xffff, v8, v4  }
0x25: {  	s19 =	sor.u32 $0x50, s24;
	v8 =	vld [tilespmem:s25+$0x0];
	(xrf1) =	vsort.dscd.msk.f32 $0xffff, v9, v0  }
0x26: {  	v9 =	vld [tilespmem:s19+$0x0];
	(xrf1) =	vsort.dscd.msk.f32 $0xffff, v10, v3  }
0x27: {  	v10 =	vld [tilespmem:s15+$0xFFFFFFC0];
	(xrf1) =	vsort.dscd.msk.f32 $0xffff, v11, v2  }
0x28: {  	s26 =	sor.u32 $0x60, s24;
	v11 =	vld [tilespmem:s15+$0x30];
	(xrf1) =	vsort.dscd.msk.f32 $0xffff, v12, v2  }
0x29: {  	(xrf1) =	vsort.dscd.msk.f32 $0xffff, v7, v0;
	v7 =	vld [tilespmem:s26+$0x0]  }
0x2a: {  	(xrf1) =	vsort.dscd.msk.f32 $0xffff, v8, v4;
	v8 =	vld [tilespmem:s15+$0x10];
	v12, v13, _ =	vpop (xrf1)  }
0x2b: {  	s28 =	sor.u32 $0x70, s22;
	(xrf1) =	vsort.dscd.msk.f32 $0xffff, v9, v2;
	v9 =	vld [tilespmem:s15+$0x0];
	v14, v15, _ =	vpop (xrf1)  }
0x2c: {  	(xrf1) =	vsort.dscd.msk.f32 $0xffff, v10, v0;
	v10 =	vld [tilespmem:s28+$0x0];
	v14 =	vperm.xlane v14, v5  }
0x2d: {  	v16, v17, _ =	vpop (xrf1);
	(xrf1) =	vsort.dscd.msk.f32 $0xffff, v11, v4  }
0x2e: {  	v11 =	vperm.xlane v15, v5;
	v15, v18, _ =	vpop (xrf1);
	(xrf1) =	vsort.dscd.msk.f32 $0xffff, v7, v3;
	vm0 =	vge.f32 v16, v14  }
0x2f: {  	v19 =	vld [tilespmem:s15+$0xB0];
	v7 =	vperm.xlane v15, v5;
	v15, v20, _ =	vpop (xrf1);
	(xrf1) =	vsort.dscd.msk.f32 $0xffff, v8, v2;
	v8 =	vsel vm0, v16, v14  }
0x30: {  	v21 =	vld [tilespmem:s15+$0x20];
	v11 =	vsel vm0, v17, v11;
	(xrf1) =	vsort.dscd.msk.f32 $0xffff, v9, v0;
	v9 =	vperm.xlane v13, v5;
	v14, v16, _ =	vpop (xrf1)  }
0x31: {  	s16 =	sor.u32 $0x60, s22;
	(xrf1) =	vsort.dscd.msk.f32 $0xffff, v10, v4;
	v10 =	vperm.xlane v12, v5;
	vm1 =	vge.f32 v14, v7;
	v13, v40, _ =	vpop (xrf1)  }
0x32: {  	v22 =	vld [tilespmem:s16+$0x0];
	(xrf1) =	vsort.dscd.msk.f32 $0xffff, v8, v11;
	v11 =	vperm.xlane v18, v5;
	v7 =	vsel vm1, v14, v7;
	v12, v14, _ =	vpop (xrf1)  }
0x33: {  	v8 =	vperm.xlane v15, v5;
	v15, v41, _ =	vpop (xrf1)  }
0x34: {  	v23 =	vld [tilespmem:s15+$0x40];
	(xrf1) =	vsort.dscd.msk.f32 $0xffff, v19, v4;
	v11 =	vsel vm1, v16, v11;
	v43, v24, _ =	vpop (xrf1)  }
0x35: {  	s29 =	simm.s32 $0x1C0;
	v25 =	vld [tilespmem:s15+$0xA0];
	v42 =	vperm.xlane v20, v5;
	vm2 =	vge.f32 v13, v10;
	(xrf1) =	vsort.dscd.msk.f32 $0xffff, v21, v3;
	v45, v44, _ =	vpop (xrf1)  }
0x36: {  	s30 =	sor.u32 $0x70, s29;
	v26 =	vld [tilespmem:s15+$0x90];
	v9 =	vsel vm2, v40, v9;
	v14 =	vperm.xlane v14, v5;
	v12 =	vperm.xlane v12, v5;
	v46, v27, _ =	vpop (xrf1)  }
0x37: {  	s31 =	sor.u32 $0x50, s29;
	v28 =	vld [tilespmem:s30+$0x0];
	v10 =	vsel vm2, v13, v10;
	vm0 =	vge.f32 v15, v8;
	(xrf1) =	vsort.dscd.msk.f32 $0xffff, v22, v3;
	v48, v47, _ =	vpop (xrf1)  }
0x38: {  	v29 =	vld [tilespmem:s31+$0x0];
	s16 =	sor.u32 $0x60, s29;
	v18 =	vsel vm0, v41, v42;
	(xrf1) =	vsort.dscd.msk.f32 $0xffff, v7, v11;
	v8 =	vsel vm0, v15, v8;
	v7, v11, _ =	vpop (xrf1)  }
0x39: {  	v30 =	vld [tilespmem:s16+$0x0];
	vm0 =	vge.f32 v43, v12;
	v17 =	vperm.xlane v45, v5;
	(xrf1) =	vsort.dscd.msk.f32 $0xffff, v23, v0;
	v13, v49, _ =	vpop (xrf1)  }
0x3a: {  	v50 =	vld [tilespmem:s15+$0x80];
	v21 =	vperm.xlane v44, v5;
	v12 =	vsel vm0, v43, v12;
	v51, v31, _ =	vpop (xrf1);
	(xrf1) =	vsort.dscd.msk.f32 $0xffff, v25, v3  }
0x3b: {  	v53 =	vld [tilespmem:s15+$0xC0];
	v19 =	vperm.xlane v46, v5;
	vm1 =	vge.f32 v48, v17;
	(xrf1) =	vsort.dscd.msk.f32 $0xffff, v26, v2  }
0x3c: {  	v52 =	vperm.xlane v27, v5;
	v16 =	vsel vm1, v48, v17;
	v15, v54, _ =	vpop (xrf1);
	(xrf1) =	vsort.dscd.msk.f32 $0xffff, v28, v4  }
0x3d: {  	v21 =	vsel vm1, v47, v21;
	v11 =	vperm.xlane v11, v5;
	v58, v57, _ =	vpop (xrf1);
	(xrf1) =	vsort.dscd.msk.f32 $0xffff, v29, v2  }
0x3e: {  	v7 =	vperm.xlane v7, v5;
	v13 =	vperm.xlane v13, v5;
	v60, v59, _ =	vpop (xrf1);
	(xrf1) =	vsort.dscd.msk.f32 $0xffff, v30, v3  }
0x3f: {  	v23 =	vperm.xlane v49, v5;
	vm1 =	vge.f32 v51, v19;
	v63, v62, _ =	vpop (xrf1);
	(xrf1) =	vsort.dscd.msk.f32 $0xffff, v50, v0  }
0x40: {  	v19 =	vsel vm1, v51, v19;
	v61 =	vperm.xlane v60, v5;
	v37, v32, _ =	vpop (xrf1);
	(xrf1) =	vsort.dscd.msk.f32 $0xffff, v53, v0  }
0x41: {  	v55 =	vsel vm1, v31, v52;
	v36 =	vperm.xlane v59, v5;
	(xrf1) =	vsort.dscd.msk.f32 $0xffff, v10, v9  }
0x42: {  	v56 =	vperm.xlane v54, v5;
	vm1 =	vge.f32 v63, v61;
	v38, v33, _ =	vpop (xrf1);
	v9 =	vsel vm0, v24, v14  }
0x43: {  	v15 =	vperm.xlane v15, v5;
	v14 =	vsel vm1, v62, v36;
	v40, v39, _ =	vpop (xrf1);
	vm0 =	vge.f32 v58, v7  }
0x44: {  	v43 =	vperm.xlane v37, v5;
	v10 =	vsel vm1, v63, v61;
	v41, v42, _ =	vpop (xrf1);
	v11 =	vsel vm0, v57, v11  }
0x45: {  	v7 =	vsel vm0, v58, v7;
	(xrf1) =	vsort.dscd.msk.f32 $0xffff, v12, v9;
	vm1 =	vge.f32 v41, v15;
	v9, v12, _ =	vpop (xrf1)  }
0x46: {  	v45 =	vperm.xlane v32, v5;
	(xrf1) =	vsort.dscd.msk.f32 $0xffff, v16, v21;
	v15 =	vsel vm1, v41, v15;
	v47, v46, _ =	vpop (xrf1)  }
0x47: {  	v44 =	vsel vm1, v42, v56;
	(xrf1) =	vsort.dscd.msk.f32 $0xffff, v10, v14;
	vm1 =	vge.f32 v9, v43;
	v10, v14, _ =	vpop (xrf1)  }
0x48: {  	v17 =	vperm.xlane v40, v5;
	(xrf1) =	vsort.dscd.msk.f32 $0xffff, v7, v11;
	v12 =	vsel vm1, v12, v45;
	v7, v11, _ =	vpop (xrf1)  }
0x49: {  	v9 =	vsel vm1, v9, v43;
	vm0 =	vge.f32 v10, v13;
	(xrf1) =	vsort.dscd.msk.f32 $0xffff, v15, v44;
	v15, v24, _ =	vpop (xrf1)  }
0x4a: {  	v20 =	vperm.xlane v39, v5;
	v10 =	vsel vm0, v10, v13;
	(xrf1) =	vsort.dscd.msk.f32 $0xffff, v8, v18;
	v8, v13, _ =	vpop (xrf1)  }
0x4b: {  	v14 =	vsel vm0, v14, v23;
	vm2 =	vge.f32 v7, v17;
	v49, v48, _ =	vpop (xrf1);
	v8 =	vperm.xlane v8, v5  }
0x4c: {  	v54 =	vperm.xlane v33, v5;
	v7 =	vsel vm2, v7, v17;
	(xrf1) =	vsort.dscd.msk.f32 $0xffff, v9, v12;
	v9, v12, _ =	vpop (xrf1)  }
0x4d: {  	v11 =	vsel vm2, v11, v20;
	v13 =	vperm.xlane v13, v5;
	(xrf1) =	vsort.dscd.msk.f32 $0xffff, v19, v55;
	v52, v51, _ =	vpop (xrf1)  }
0x4e: {  	(xrf1) =	vsort.dscd.msk.f32 $0xffff, v10, v14;
	vm0 =	vge.f32 v9, v8;
	v10 =	vperm.xlane v38, v5;
	v14, v53, _ =	vpop (xrf1)  }
0x4f: {  	v15 =	vperm.xlane v15, v5;
	(xrf1) =	vsort.dscd.msk.f32 $0xffff, v7, v11;
	v7 =	vsel vm0, v9, v8;
	v8, v9, _ =	vpop (xrf1)  }
0x50: {  	v50 =	vperm.xlane v24, v5;
	v11 =	vsel vm0, v12, v13;
	vm1 =	vge.f32 v8, v10  }
0x51: {  	(xrf1) =	vsort.dscd.msk.f32 $0xffff, v7, v11;
	v7 =	vsel vm1, v8, v10;
	v8 =	vsel vm1, v9, v54  }
0x52: {  	vm0 =	vge.f32 v52, v15  }
0x53: {  	v10 =	vsel vm0, v51, v50;
	_ =	sdelay $0x1  }
0x54: {  	v9 =	vsel vm0, v52, v15;
	(xrf1) =	vsort.dscd.msk.f32 $0xffff, v7, v8;
	v7, v8, _ =	vpop (xrf1)  }
0x55: {  	(xrf1) =	vsort.dscd.msk.f32 $0xffff, v9, v10;
	v9 =	vperm.xlane v49, v5;
	v10, v11, _ =	vpop (xrf1);
	v7 =	vperm.xlane v7, v5  }
0x56: {  	v57 =	vperm.xlane v47, v5;
	v12 =	vperm.xlane v48, v5;
	v13, v15, _ =	vpop (xrf1)  }
0x57: {  	v8 =	vperm.xlane v8, v5;
	vm0 =	vge.f32 v14, v9;
	v55, v56, _ =	vpop (xrf1);
	vm1 =	vge.f32 v10, v7  }
0x58: {  	v12 =	vsel vm0, v53, v12;
	v9 =	vsel vm0, v14, v9;
	v58, v59, _ =	vpop (xrf1);
	v7 =	vsel vm1, v10, v7  }
0x59: {  	v8 =	vsel vm1, v11, v8;
	(xrf1) =	vsort.dscd.msk.f32 $0xffff, v9, v12;
	v12 =	vperm.xlane v46, v5;
	v10, v11, _ =	vpop (xrf1)  }
0x5a: {  	vm0 =	vge.f32 v10, v57  }
0x5b: {  	v11 =	vsel vm0, v11, v12  }
0x5c: {  	v17 =	vperm.xlane v56, v5;
	(xrf1) =	vsort.dscd.msk.f32 $0xffff, v7, v8;
	v7 =	vsel vm0, v10, v57;
	v8, v10, _ =	vpop (xrf1)  }
0x5d: {  	v9 =	vperm.xlane v58, v5;
	v8 =	vperm.xlane v8, v5  }
0x5e: {  	v14 =	vperm.xlane v59, v5;
	v12 =	vperm.xlane v55, v5;
	v61, v60, _ =	vpop (xrf1)  }
0x5f: {  	v10 =	vperm.xlane v10, v5;
	(xrf1) =	vsort.dscd.msk.f32 $0xffff, v7, v11;
	vm0 =	vge.f32 v61, v8;
	v7, v11, _ =	vpop (xrf1)  }
0x60: {  	vm1 =	vge.f32 v13, v9;
	v8 =	vsel vm0, v61, v8;
	vm2 =	vge.f32 v7, v12  }
0x61: {  	v10 =	vsel vm0, v60, v10;
	v63 =	vsel vm2, v11, v17;
	v11 =	vsel vm1, v13, v9  }
0x62: {  	v14 =	vsel vm1, v15, v14;
	v15, v62, _ =	vpop (xrf1);
	(xrf1) =	vsort.dscd.msk.f32 $0xffff, v8, v10  }
0x63: {  	v9, v13, _ =	vpop (xrf1)  }
0x64: {  	v12 =	vsel vm2, v7, v12;
	v10 =	vperm.xlane v15, v5;
	_, v7, _ =	vpop (xrf1);
	(xrf1) =	vsort.dscd.msk.f32 $0xffff, v11, v14  }
0x65: {  	s16 =	simm.s32 $0x8020;
	v8 =	vperm.xlane v9, v5;
	v9 =	vperm.xlane v13, v5;
	(xrf1) =	vsort.dscd.msk.f32 $0xffff, v12, v63;
	v13, v11, _ =	vpop (xrf1)  }
0x66: {  	s21 =	simm.s32 $0x3C0;
	s17 =	simm.s32 $0x300;
	s15 =	simm.s32 $0x8020;
	v12 =	vperm.xlane v62, v5;
	[tilespmem:s16+$0xFFFFFFE0] =	vst.msk $0xff, v7;
	vm0 =	vge.f32 v13, v10  }
.LBB2_2:
0x67: {  	s23 =	sadd.s32 $0xFFFFFF80, s21  }
0x68: {  	v10 =	vsel vm0, v13, v10;
	v11 =	vsel vm0, v11, v12;
	s16 =	sadd.s32 $0x40, s16;
	v12, v13, _ =	vpop (xrf1);
	s19 =	smov.u32 s21;
	s18 =	sadd.s32 $0x200, s21  }
0x69: {  	p0 =	sne.s32 s21, $0x3FC0;
	s20 =	sor.u32 $0x60, s23;
	vm0 =	vge.f32 v12, v8;
	(xrf1) =	vsort.dscd.msk.f32 $0xffff, v10, v11  }
0x6a: {  	v10 =	vsel vm0, v12, v8;
	v9 =	vsel vm0, v13, v9;
	[tilespmem:v7+s10+$0x0] =	vst.idx.add.f32.msk $0x1, v6;
	_, v7, _ =	vpop (xrf1)  }
0x6b: {  	(xrf1) =	vsort.dscd.msk.f32 $0xffff, v10, v9;
	_ =	sdelay $0x1  }
0x6c: {  	_, v8, _ =	vpop (xrf1)  }
0x6d: {  	[tilespmem:s15+$0xFFFFFFE8] =	vst.msk $0xff, v8;
	_ =	sdelay $0x1  }
0x6e: {  	s22 =	sor.u32 $0x70, s23;
	_, v9, _ =	vpop (xrf1);
	_ =	sdelay $0x1  }
0x6f: {  	[tilespmem:v8+s10+$0x0] =	vst.idx.add.f32.msk $0x1, v6;
	_, v8, _ =	vpop (xrf1)  }
0x70: {  	[tilespmem:s15+$0xFFFFFFF0] =	vst.msk $0xff, v7;
	_, v10, _ =	vpop (xrf1)  }
0x71: {  	[tilespmem:v7+s10+$0x0] =	vst.idx.add.f32.msk $0x1, v6  }
0x72: {  	[tilespmem:s15+$0xFFFFFFF8] =	vst.msk $0xff, v9  }
0x73: {  	[tilespmem:v9+s10+$0x0] =	vst.idx.add.f32.msk $0x1, v6  }
0x74: {  	[tilespmem:s15+$0x0] =	vst.msk $0xff, v8;
	_, v7, _ =	vpop (xrf1)  }
0x75: {  	[tilespmem:v8+s10+$0x0] =	vst.idx.add.f32.msk $0x1, v6  }
0x76: {  	[tilespmem:s15+$0x8] =	vst.msk $0xff, v10;
	_, v8, _ =	vpop (xrf1)  }
0x77: {  	s23 =	sor.u32 $0x50, s23;
	[tilespmem:v10+s10+$0x0] =	vst.idx.add.f32.msk $0x1, v6  }
0x78: {  	[tilespmem:s15+$0x10] =	vst.msk $0xff, v7  }
0x79: {  	s24 =	sadd.s32 $0xFFFFFF00, s19;
	[tilespmem:v7+s10+$0x0] =	vst.idx.add.f32.msk $0x1, v6  }
0x7a: {  	s21 =	sor.u32 $0x60, s24;
	[tilespmem:s15+$0x18] =	vst.msk $0xff, v8;
	s15 =	smov.u32 s16  }
0x7b: {  	s25 =	sor.u32 $0x70, s24;
	[tilespmem:v8+s10+$0x0] =	vst.idx.add.f32.msk $0x1, v6  }
0x7c: {  	v7 =	vld [tilespmem:s17+$0xFFFFFF10]  }
0x7d: {  	v8 =	vld [tilespmem:s17+$0xFFFFFF30]  }
0x7e: {  	s26 =	sadd.s32 $0xFFFFFE80, s19;
	v9 =	vld [tilespmem:s23+$0x0]  }
0x7f: {  	s28 =	sor.u32 $0x60, s26;
	s23 =	sor.u32 $0x50, s26;
	s26 =	sor.u32 $0x70, s26;
	v10 =	vld [tilespmem:s17+$0xFFFFFF20]  }
0x80: {  	v11 =	vld [tilespmem:s26+$0x0]  }
0x81: {  	v12 =	vld [tilespmem:s23+$0x0]  }
0x82: {  	v13 =	vld [tilespmem:s28+$0x0];
	(xrf1) =	vsort.dscd.msk.f32 $0xffff, v7, v2  }
0x83: {  	v7 =	vld [tilespmem:s17+$0xFFFFFF00];
	(xrf1) =	vsort.dscd.msk.f32 $0xffff, v8, v4  }
0x84: {  	v8 =	vld [tilespmem:s17+$0xFFFFFFB0];
	(xrf1) =	vsort.dscd.msk.f32 $0xffff, v10, v3  }
0x85: {  	v10 =	vld [tilespmem:s17+$0xFFFFFF40];
	(xrf1) =	vsort.dscd.msk.f32 $0xffff, v11, v4  }
0x86: {  	v11 =	vld [tilespmem:s17+$0xFFFFFFA0];
	(xrf1) =	vsort.dscd.msk.f32 $0xffff, v12, v2  }
0x87: {  	s23 =	sor.u32 $0x50, s24;
	v12 =	vld [tilespmem:s17+$0xFFFFFF90];
	(xrf1) =	vsort.dscd.msk.f32 $0xffff, v13, v3  }
0x88: {  	v13 =	vld [tilespmem:s23+$0x0];
	(xrf1) =	vsort.dscd.msk.f32 $0xffff, v7, v0  }
0x89: {  	v7 =	vld [tilespmem:s17+$0xFFFFFF80];
	(xrf1) =	vsort.dscd.msk.f32 $0xffff, v8, v4  }
0x8a: {  	v8 =	vld [tilespmem:s22+$0x0];
	(xrf1) =	vsort.dscd.msk.f32 $0xffff, v10, v0  }
0x8b: {  	v10 =	vld [tilespmem:s17+$0xFFFFFFC0];
	(xrf1) =	vsort.dscd.msk.f32 $0xffff, v11, v3  }
0x8c: {  	v11 =	vld [tilespmem:s17+$0x30];
	(xrf1) =	vsort.dscd.msk.f32 $0xffff, v12, v2  }
0x8d: {  	v12 =	vld [tilespmem:s17+$0x10];
	(xrf1) =	vsort.dscd.msk.f32 $0xffff, v13, v2  }
0x8e: {  	v13 =	vld [tilespmem:s20+$0x0];
	(xrf1) =	vsort.dscd.msk.f32 $0xffff, v7, v0  }
0x8f: {  	v7 =	vld [tilespmem:s25+$0x0];
	(xrf1) =	vsort.dscd.msk.f32 $0xffff, v8, v4  }
0x90: {  	v8 =	vld [tilespmem:s17+$0x0];
	v14, v15, _ =	vpop (xrf1);
	(xrf1) =	vsort.dscd.msk.f32 $0xffff, v9, v2  }
0x91: {  	v16, v17, _ =	vpop (xrf1)  }
0x92: {  	v9 =	vld [tilespmem:s17+$0xB0];
	(xrf1) =	vsort.dscd.msk.f32 $0xffff, v10, v0;
	v10 =	vperm.xlane v16, v5  }
0x93: {  	v16, v18, _ =	vpop (xrf1);
	(xrf1) =	vsort.dscd.msk.f32 $0xffff, v11, v4  }
0x94: {  	v26 =	vperm.xlane v17, v5;
	v17, v19, _ =	vpop (xrf1);
	(xrf1) =	vsort.dscd.msk.f32 $0xffff, v13, v3;
	vm0 =	vge.f32 v16, v10  }
0x95: {  	v13 =	vperm.xlane v17, v5;
	v17 =	vld [tilespmem:s17+$0x20];
	v20, v21, _ =	vpop (xrf1);
	(xrf1) =	vsort.dscd.msk.f32 $0xffff, v12, v2;
	v25 =	vsel vm0, v16, v10  }
0x96: {  	v24 =	vsel vm0, v18, v26;
	v12 =	vld [tilespmem:s17+$0x40];
	v16, v18, _ =	vpop (xrf1);
	(xrf1) =	vsort.dscd.msk.f32 $0xffff, v8, v0  }
0x97: {  	v8 =	vperm.xlane v15, v5;
	vm0 =	vge.f32 v16, v13;
	v15 =	vld [tilespmem:s21+$0x0];
	v22, v23, _ =	vpop (xrf1);
	(xrf1) =	vsort.dscd.msk.f32 $0xffff, v7, v4  }
0x98: {  	v7 =	vperm.xlane v14, v5;
	v13 =	vsel vm0, v16, v13;
	v14 =	vld [tilespmem:s17+$0xA0];
	(xrf1) =	vsort.dscd.msk.f32 $0xffff, v25, v24;
	v10, v11, _ =	vpop (xrf1)  }
0x99: {  	s20 =	sor.u32 $0x70, s19;
	v19 =	vperm.xlane v19, v5;
	v16 =	vperm.xlane v20, v5;
	v20 =	vld [tilespmem:s17+$0x90];
	v24, v25, _ =	vpop (xrf1);
	(xrf1) =	vsort.dscd.msk.f32 $0xffff, v9, v4  }
0x9a: {  	vm2 =	vge.f32 v22, v7;
	v9 =	vperm.xlane v21, v5;
	v21 =	vld [tilespmem:s20+$0x0];
	v26, v27, _ =	vpop (xrf1);
	(xrf1) =	vsort.dscd.msk.f32 $0xffff, v17, v3  }
0x9b: {  	v11 =	vperm.xlane v11, v5;
	v8 =	vsel vm2, v23, v8;
	vm1 =	vge.f32 v24, v16;
	v17, v23, _ =	vpop (xrf1)  }
0x9c: {  	v9 =	vsel vm1, v25, v9;
	v17 =	vperm.xlane v17, v5;
	v29, v28, _ =	vpop (xrf1);
	(xrf1) =	vsort.dscd.msk.f32 $0xffff, v15, v3  }
0x9d: {  	v31 =	vsel vm0, v18, v19;
	v10 =	vperm.xlane v10, v5;
	v18 =	vperm.xlane v29, v5;
	v19, v25, _ =	vpop (xrf1)  }
0x9e: {  	v23 =	vperm.xlane v23, v5;
	vm0 =	vge.f32 v19, v17;
	(xrf1) =	vsort.dscd.msk.f32 $0xffff, v13, v31;
	v13, v15, _ =	vpop (xrf1)  }
0x9f: {  	v7 =	vsel vm2, v22, v7;
	s20 =	sor.u32 $0x50, s19;
	v17 =	vsel vm0, v19, v17;
	v19 =	vld [tilespmem:s17+$0x80];
	(xrf1) =	vsort.dscd.msk.f32 $0xffff, v12, v0;
	v12, v22, _ =	vpop (xrf1)  }
0xa0: {  	s19 =	sor.u32 $0x60, s19;
	v23 =	vsel vm0, v25, v23;
	v25 =	vperm.xlane v28, v5;
	v28 =	vld [tilespmem:s20+$0x0];
	v29, v30, _ =	vpop (xrf1);
	(xrf1) =	vsort.dscd.msk.f32 $0xffff, v14, v3  }
0xa1: {  	v14 =	vsel vm1, v24, v16;
	vm0 =	vge.f32 v29, v18;
	v16 =	vld [tilespmem:s19+$0x0];
	v24, v31, _ =	vpop (xrf1);
	(xrf1) =	vsort.dscd.msk.f32 $0xffff, v20, v2  }
0xa2: {  	v18 =	vsel vm0, v29, v18;
	v20 =	vsel vm0, v30, v25;
	v25 =	vperm.xlane v31, v5;
	v29, v30, _ =	vpop (xrf1)  }
0xa3: {  	v32, v33, _ =	vpop (xrf1)  }
0xa4: {  	v15 =	vperm.xlane v15, v5;
	vm0 =	vge.f32 v26, v10;
	v31 =	vld [tilespmem:s17+$0xC0];
	(xrf1) =	vsort.dscd.msk.f32 $0xffff, v21, v4  }
0xa5: {  	v24 =	vperm.xlane v24, v5;
	v10 =	vsel vm0, v26, v10;
	v21 =	vperm.xlane v32, v5;
	v26, v32, _ =	vpop (xrf1)  }
0xa6: {  	v11 =	vsel vm0, v27, v11;
	v36 =	vperm.xlane v33, v5;
	v33, v34, _ =	vpop (xrf1);
	(xrf1) =	vsort.dscd.msk.f32 $0xffff, v28, v2  }
0xa7: {  	v13 =	vperm.xlane v13, v5;
	vm0 =	vge.f32 v26, v21;
	v28, v35, _ =	vpop (xrf1);
	(xrf1) =	vsort.dscd.msk.f32 $0xffff, v16, v3  }
0xa8: {  	v16 =	vsel vm0, v26, v21;
	v21 =	vsel vm0, v32, v36;
	(xrf1) =	vsort.dscd.msk.f32 $0xffff, v19, v0;
	v19, v26, _ =	vpop (xrf1)  }
0xa9: {  	v12 =	vperm.xlane v12, v5;
	vm0 =	vge.f32 v29, v13;
	v27, v32, _ =	vpop (xrf1);
	(xrf1) =	vsort.dscd.msk.f32 $0xffff, v31, v0  }
0xaa: {  	v22 =	vperm.xlane v22, v5;
	v31 =	vperm.xlane v33, v5;
	(xrf1) =	vsort.dscd.msk.f32 $0xffff, v7, v8  }
0xab: {  	vm1 =	vge.f32 v27, v24;
	v7 =	vsel vm0, v29, v13;
	(xrf1) =	vsort.dscd.msk.f32 $0xffff, v10, v11;
	v8, v10, _ =	vpop (xrf1)  }
0xac: {  	v11 =	vsel vm1, v27, v24;
	v13 =	vsel vm1, v32, v25;
	(xrf1) =	vsort.dscd.msk.f32 $0xffff, v17, v23  }
0xad: {  	v27 =	vsel vm0, v30, v15;
	v17 =	vperm.xlane v34, v5;
	vm1 =	vge.f32 v8, v31;
	v23, v24, _ =	vpop (xrf1)  }
0xae: {  	v19 =	vperm.xlane v19, v5;
	v8 =	vsel vm1, v8, v31;
	(xrf1) =	vsort.dscd.msk.f32 $0xffff, v16, v21;
	v16, v21, _ =	vpop (xrf1)  }
0xaf: {  	v25 =	vperm.xlane v26, v5;
	vm0 =	vge.f32 v16, v12;
	(xrf1) =	vsort.dscd.msk.f32 $0xffff, v7, v27;
	v7, v15, _ =	vpop (xrf1)  }
0xb0: {  	v12 =	vsel vm0, v16, v12;
	vm2 =	vge.f32 v7, v19;
	(xrf1) =	vsort.dscd.msk.f32 $0xffff, v11, v13;
	v11, v13, _ =	vpop (xrf1)  }
0xb1: {  	v7 =	vsel vm2, v7, v19;
	v15 =	vsel vm2, v15, v25;
	(xrf1) =	vsort.dscd.msk.f32 $0xffff, v14, v9  }
0xb2: {  	v9 =	vsel vm1, v10, v17;
	v10 =	vsel vm0, v21, v22;
	v11 =	vperm.xlane v11, v5;
	v14, v16, _ =	vpop (xrf1)  }
0xb3: {  	v13 =	vperm.xlane v13, v5;
	(xrf1) =	vsort.dscd.msk.f32 $0xffff, v8, v9  }
0xb4: {  	v8 =	vperm.xlane v35, v5;
	v9 =	vperm.xlane v14, v5;
	(xrf1) =	vsort.dscd.msk.f32 $0xffff, v18, v20;
	v14, v17, _ =	vpop (xrf1)  }
0xb5: {  	v21 =	vperm.xlane v16, v5;
	v17 =	vperm.xlane v17, v5;
	(xrf1) =	vsort.dscd.msk.f32 $0xffff, v12, v10;
	v10, v12, _ =	vpop (xrf1)  }
0xb6: {  	v14 =	vperm.xlane v14, v5;
	vm0 =	vge.f32 v10, v9;
	v18, v19, _ =	vpop (xrf1);
	(xrf1) =	vsort.dscd.msk.f32 $0xffff, v7, v15  }
0xb7: {  	v7 =	vperm.xlane v28, v5;
	v9 =	vsel vm0, v10, v9;
	v10 =	vsel vm0, v12, v21;
	v12, v15, _ =	vpop (xrf1)  }
0xb8: {  	vm0 =	vge.f32 v18, v11;
	vm1 =	vge.f32 v12, v14;
	v16, v20, _ =	vpop (xrf1);
	(xrf1) =	vsort.dscd.msk.f32 $0xffff, v9, v10  }
0xb9: {  	v9 =	vsel vm0, v18, v11;
	v10 =	vsel vm0, v19, v13;
	vm2 =	vge.f32 v16, v7;
	v11, v13, _ =	vpop (xrf1)  }
0xba: {  	v7 =	vsel vm2, v16, v7;
	v19 =	vsel vm2, v20, v8;
	v11 =	vperm.xlane v11, v5;
	v16, v18, _ =	vpop (xrf1)  }
0xbb: {  	v15 =	vsel vm1, v15, v17;
	v20 =	vperm.xlane v13, v5;
	(xrf1) =	vsort.dscd.msk.f32 $0xffff, v7, v19  }
0xbc: {  	v7 =	vsel vm1, v12, v14;
	vm0 =	vge.f32 v16, v11;
	v8, v12, _ =	vpop (xrf1);
	(xrf1) =	vsort.dscd.msk.f32 $0xffff, v9, v10  }
0xbd: {  	v9 =	vperm.xlane v23, v5;
	v10 =	vsel vm0, v16, v11;
	v11 =	vsel vm0, v18, v20;
	v13, v14, _ =	vpop (xrf1)  }
0xbe: {  	v17, v18, _ =	vpop (xrf1)  }
0xbf: {  	v16 =	vperm.xlane v24, v5;
	(xrf1) =	vsort.dscd.msk.f32 $0xffff, v7, v15  }
0xc0: {  	v7 =	vperm.xlane v17, v5;
	v15, v17, _ =	vpop (xrf1)  }
0xc1: {  	vm0 =	vge.f32 v15, v9  }
0xc2: {  	v16 =	vsel vm0, v17, v16  }
0xc3: {  	(xrf1) =	vsort.dscd.msk.f32 $0xffff, v10, v11;
	v9 =	vsel vm0, v15, v9  }
0xc4: {  	v10 =	vperm.xlane v18, v5;
	vm1 =	vge.f32 v8, v7;
	v11, v15, _ =	vpop (xrf1)  }
0xc5: {  	v13 =	vperm.xlane v13, v5;
	v11 =	vperm.xlane v11, v5;
	v17, v18, _ =	vpop (xrf1)  }
0xc6: {  	v14 =	vperm.xlane v14, v5;
	v15 =	vperm.xlane v15, v5;
	(xrf1) =	vsort.dscd.msk.f32 $0xffff, v9, v16;
	v9, v16, _ =	vpop (xrf1)  }
0xc7: {  	v10 =	vsel vm1, v12, v10;
	vm0 =	vge.f32 v17, v11;
	vm2 =	vge.f32 v9, v13;
	v12, v19, _ =	vpop (xrf1)  }
0xc8: {  	v11 =	vsel vm0, v17, v11;
	v15 =	vsel vm0, v18, v15;
	v14 =	vsel vm2, v16, v14  }
0xc9: {  	v16 =	vsel vm1, v8, v7;
	v13 =	vsel vm2, v9, v13;
	(xrf1) =	vsort.dscd.msk.f32 $0xffff, v11, v15;
	v8, v9, _ =	vpop (xrf1)  }
.Ltmp0:
0xca: {  	v8 =	vperm.xlane v8, v5;
	(pc) =	sbr.rel @p0 .LBB2_2-.Ltmp0, $4  }
0xcb: {  	v9 =	vperm.xlane v9, v5;
	(xrf1) =	vsort.dscd.msk.f32 $0xffff, v16, v10  }
0xcc: {  	v10 =	vperm.xlane v12, v5;
	_, v7, _ =	vpop (xrf1);
	(xrf1) =	vsort.dscd.msk.f32 $0xffff, v13, v14  }
0xcd: {  	v12 =	vperm.xlane v19, v5;
	[tilespmem:s16+$0xFFFFFFE0] =	vst.msk $0xff, v7;
	v13, v11, _ =	vpop (xrf1)  }
0xce: {  	s21 =	smov.u32 s18;
	s17 =	sadd.s32 $0x200, s17;
	vm0 =	vge.f32 v13, v10  }
0xcf: {  	v10 =	vsel vm0, v13, v10;
	v11 =	vsel vm0, v11, v12;
	v12, v13, _ =	vpop (xrf1)  }
0xd0: {  	vm0 =	vge.f32 v12, v8  }
0xd1: {  	v8 =	vsel vm0, v12, v8  }
0xd2: {  	(xrf1) =	vsort.dscd.msk.f32 $0xffff, v10, v11;
	v9 =	vsel vm0, v13, v9;
	_ =	sdelay $0x1  }
0xd3: {  	(xrf1) =	vsort.dscd.msk.f32 $0xffff, v8, v9  }
0xd4: {  	_, v8, _ =	vpop (xrf1)  }
0xd5: {  	_, v9, _ =	vpop (xrf1);
	_ =	sdelay $0x1  }
0xd6: {  	[tilespmem:v7+s10+$0x0] =	vst.idx.add.f32.msk $0x1, v6  }
0xd7: {  	[tilespmem:s15+$0xFFFFFFE8] =	vst.msk $0xff, v9  }
0xd8: {  	_, v7, _ =	vpop (xrf1);
	[tilespmem:v9+s10+$0x0] =	vst.idx.add.f32.msk $0x1, v6  }
0xd9: {  	[tilespmem:s15+$0xFFFFFFF0] =	vst.msk $0xff, v8  }
0xda: {  	_, v9, _ =	vpop (xrf1);
	[tilespmem:v8+s10+$0x0] =	vst.idx.add.f32.msk $0x1, v6  }
0xdb: {  	[tilespmem:s15+$0xFFFFFFF8] =	vst.msk $0xff, v7  }
0xdc: {  	_, v8, _ =	vpop (xrf1);
	[tilespmem:v7+s10+$0x0] =	vst.idx.add.f32.msk $0x1, v6  }
0xdd: {  	[tilespmem:s15+$0x0] =	vst.msk $0xff, v9  }
0xde: {  	_, v7, _ =	vpop (xrf1);
	[tilespmem:v9+s10+$0x0] =	vst.idx.add.f32.msk $0x1, v6  }
0xdf: {  	[tilespmem:s15+$0x8] =	vst.msk $0xff, v8  }
0xe0: {  	_, v9, _ =	vpop (xrf1);
	[tilespmem:v8+s10+$0x0] =	vst.idx.add.f32.msk $0x1, v6  }
0xe1: {  	[tilespmem:s15+$0x10] =	vst.msk $0xff, v7  }
0xe2: {  	[tilespmem:v7+s10+$0x0] =	vst.idx.add.f32.msk $0x1, v6  }
0xe3: {  	[tilespmem:s15+$0x18] =	vst.msk $0xff, v9  }
0xe4: {  	[tilespmem:v9+s10+$0x0] =	vst.idx.add.f32.msk $0x1, v6  }
0xe5: {  	_ =	swait.ge [sflag:s11], $0x4000  }
0xe6: {  	[sflag:s11] =	ssyncset.done $0x0  }
0xe7: {  	s16 =	simm.s32 $0x0;
	[sflag:s11] =	ssyncadd.s32 $0xFFFFC000  }
0xe8: {  	v7 =	vld [tilespmem:s16+$0x4010]  }
0xe9: {  	v8 =	vld [tilespmem:s16+$0x4080]  }
0xea: {  	v9 =	vld [tilespmem:s16+$0x4110];
	_ =	sdelay $0x1  }
0xeb: {  	v10 =	vld [tilespmem:s16+$0x4130]  }
0xec: {  	v11 =	vld [tilespmem:s16+$0x4100];
	(xrf1) =	vsort.dscd.msk.f32 $0xffff, v7, v2  }
0xed: {  	v12 =	vld [tilespmem:s16+$0x4120];
	(xrf1) =	vsort.dscd.msk.f32 $0xffff, v8, v0  }
0xee: {  	v7 =	vld [tilespmem:s16+$0x40B0];
	(xrf1) =	vsort.dscd.msk.f32 $0xffff, v9, v2  }
0xef: {  	v8 =	vld [tilespmem:s16+$0x4030]  }
0xf0: {  	v9 =	vld [tilespmem:s16+$0x4090];
	(xrf1) =	vsort.dscd.msk.f32 $0xffff, v10, v4  }
0xf1: {  	v10 =	vld [tilespmem:s16+$0x4000];
	(xrf1) =	vsort.dscd.msk.f32 $0xffff, v11, v0  }
0xf2: {  	s21 =	simm.s32 $0x4040;
	v11 =	vld [tilespmem:s16+$0x4020];
	(xrf1) =	vsort.dscd.msk.f32 $0xffff, v12, v3  }
0xf3: {  	s17 =	simm.s32 $0x40C0;
	s18 =	sor.u32 $0x50, s21;
	v12 =	vld [tilespmem:s16+$0x40A0];
	(xrf1) =	vsort.dscd.msk.f32 $0xffff, v7, v4  }
0xf4: {  	s19 =	sor.u32 $0x70, s17;
	v7 =	vld [tilespmem:s18+$0x0];
	(xrf1) =	vsort.dscd.msk.f32 $0xffff, v8, v4  }
0xf5: {  	s23 =	simm.s32 $0x4140;
	s22 =	sor.u32 $0x50, s17;
	v8 =	vld [tilespmem:s19+$0x0];
	(xrf1) =	vsort.dscd.msk.f32 $0xffff, v9, v2  }
0xf6: {  	s24 =	sor.u32 $0x60, s23;
	v9 =	vld [tilespmem:s22+$0x0];
	(xrf1) =	vsort.dscd.msk.f32 $0xffff, v10, v0  }
0xf7: {  	s17 =	sor.u32 $0x60, s17;
	v13 =	vld [tilespmem:s24+$0x0];
	(xrf1) =	vsort.dscd.msk.f32 $0xffff, v11, v3  }
0xf8: {  	s25 =	sor.u32 $0x70, s23;
	v14 =	vld [tilespmem:s17+$0x0];
	(xrf1) =	vsort.dscd.msk.f32 $0xffff, v12, v3  }
0xf9: {  	v12 =	vld [tilespmem:s25+$0x0];
	(xrf1) =	vsort.dscd.msk.f32 $0xffff, v7, v2  }
0xfa: {  	v7 =	vld [tilespmem:s16+$0x4040];
	(xrf1) =	vsort.dscd.msk.f32 $0xffff, v8, v4;
	v15, v16, _ =	vpop (xrf1)  }
0xfb: {  	(xrf1) =	vsort.dscd.msk.f32 $0xffff, v9, v2;
	v11, v10, _ =	vpop (xrf1)  }
0xfc: {  	(xrf1) =	vsort.dscd.msk.f32 $0xffff, v13, v3;
	v13 =	vld [tilespmem:s16+$0x4190];
	v8, v9, _ =	vpop (xrf1)  }
0xfd: {  	(xrf1) =	vsort.dscd.msk.f32 $0xffff, v14, v3;
	v14 =	vld [tilespmem:s16+$0x40C0];
	v19 =	vperm.xlane v8, v5  }
0xfe: {  	s26 =	sor.u32 $0x70, s21;
	v17, v18, _ =	vpop (xrf1);
	(xrf1) =	vsort.dscd.msk.f32 $0xffff, v12, v4;
	v12 =	vld [tilespmem:s16+$0x41A0]  }
0xff: {  	v20 =	vld [tilespmem:s26+$0x0];
	(xrf1) =	vsort.dscd.msk.f32 $0xffff, v7, v0;
	v7, v8, _ =	vpop (xrf1)  }
0x100: {  	v23 =	vld [tilespmem:s16+$0x41B0];
	v21, v22, _ =	vpop (xrf1)  }
0x101: {  	vm0 =	vge.f32 v7, v19;
	v24, v25, _ =	vpop (xrf1);
	(xrf1) =	vsort.dscd.msk.f32 $0xffff, v13, v2  }
0x102: {  	v7 =	vsel vm0, v7, v19;
	v13 =	vperm.xlane v18, v5;
	(xrf1) =	vsort.dscd.msk.f32 $0xffff, v14, v0;
	v18, v19, _ =	vpop (xrf1)  }
0x103: {  	(xrf1) =	vsort.dscd.msk.f32 $0xffff, v12, v3;
	v43, v28, _ =	vpop (xrf1)  }
0x104: {  	s28 =	sor.u32 $0x50, s23;
	v12 =	vperm.xlane v15, v5;
	v15 =	vperm.xlane v19, v5;
	(xrf1) =	vsort.dscd.msk.f32 $0xffff, v20, v4;
	v19, v29, _ =	vpop (xrf1)  }
0x105: {  	s15 =	sor.u32 $0x60, s21;
	v26 =	vld [tilespmem:s28+$0x0];
	v16 =	vperm.xlane v16, v5;
	(xrf1) =	vsort.dscd.msk.f32 $0xffff, v23, v4;
	v23 =	vperm.xlane v24, v5;
	v44, v30, _ =	vpop (xrf1)  }
0x106: {  	v27 =	vld [tilespmem:s15+$0x0];
	v17 =	vperm.xlane v17, v5;
	v14 =	vperm.xlane v25, v5;
	vm2 =	vge.f32 v19, v12;
	v45, v31, _ =	vpop (xrf1)  }
0x107: {  	v12 =	vsel vm2, v19, v12;
	v16 =	vsel vm2, v29, v16;
	vm2 =	vge.f32 v45, v23  }
0x108: {  	v32 =	vld [tilespmem:s16+$0x4140];
	v23 =	vsel vm2, v45, v23  }
0x109: {  	v47 =	vld [tilespmem:s16+$0x4180];
	vm1 =	vge.f32 v21, v17;
	v19, v46, _ =	vpop (xrf1);
	v14 =	vsel vm2, v31, v14  }
0x10a: {  	v13 =	vsel vm1, v22, v13;
	v18 =	vperm.xlane v18, v5;
	(xrf1) =	vsort.dscd.msk.f32 $0xffff, v26, v2;
	v22, v48, _ =	vpop (xrf1)  }
0x10b: {  	v9 =	vperm.xlane v9, v5;
	(xrf1) =	vsort.dscd.msk.f32 $0xffff, v27, v3;
	v49, v50, _ =	vpop (xrf1)  }
0x10c: {  	v20 =	vperm.xlane v43, v5;
	vm3 =	vge.f32 v44, v18;
	(xrf1) =	vsort.dscd.msk.f32 $0xffff, v23, v14;
	v14, v23, _ =	vpop (xrf1)  }
0x10d: {  	s15 =	simm.s32 $0x41C0;
	v18 =	vsel vm3, v44, v18;
	v15 =	vsel vm3, v30, v15;
	(xrf1) =	vsort.dscd.msk.f32 $0xffff, v32, v0;
	v33, v34, _ =	vpop (xrf1)  }
0x10e: {  	s29 =	sor.u32 $0x50, s15;
	v19 =	vperm.xlane v19, v5;
	v22 =	vperm.xlane v22, v5;
	(xrf1) =	vsort.dscd.msk.f32 $0xffff, v47, v0;
	v51, v52, _ =	vpop (xrf1)  }
0x10f: {  	v35 =	vld [tilespmem:s29+$0x0];
	v26 =	vperm.xlane v46, v5;
	v27 =	vperm.xlane v48, v5;
	v53, v36, _ =	vpop (xrf1);
	(xrf1) =	vsort.dscd.msk.f32 $0xffff, v12, v16  }
0x110: {  	s30 =	sor.u32 $0x70, s15;
	vm3 =	vge.f32 v33, v22;
	vm4 =	vge.f32 v53, v19;
	(xrf1) =	vsort.dscd.msk.f32 $0xffff, v18, v15  }
0x111: {  	v54 =	vld [tilespmem:s30+$0x0];
	v18 =	vperm.xlane v51, v5;
	v12 =	vsel vm4, v53, v19;
	v15 =	vsel vm4, v36, v26  }
0x112: {  	vm2 =	vge.f32 v11, v20;
	v19 =	vsel vm3, v33, v22;
	(xrf1) =	vsort.dscd.msk.f32 $0xffff, v12, v15  }
0x113: {  	v16 =	vld [tilespmem:s16+$0x41C0];
	v22, v55, _ =	vpop (xrf1);
	v12 =	vperm.xlane v52, v5;
	v15 =	vsel vm3, v34, v27;
	vm3 =	vge.f32 v14, v18  }
0x114: {  	s31 =	sor.u32 $0x60, s15;
	v24 =	vperm.xlane v49, v5;
	v56, v57, _ =	vpop (xrf1);
	(xrf1) =	vsort.dscd.msk.f32 $0xffff, v35, v2;
	v14 =	vsel vm3, v14, v18  }
0x115: {  	v58 =	vld [tilespmem:s31+$0x0];
	v31 =	vperm.xlane v50, v5;
	v60, v59, _ =	vpop (xrf1);
	(xrf1) =	vsort.dscd.msk.f32 $0xffff, v19, v15;
	v12 =	vsel vm3, v23, v12  }
0x116: {  	v11 =	vsel vm2, v11, v20;
	vm3 =	vge.f32 v56, v24;
	v15, v18, _ =	vpop (xrf1);
	(xrf1) =	vsort.dscd.msk.f32 $0xffff, v54, v4  }
0x117: {  	v24 =	vsel vm3, v56, v24;
	v61 =	vsel vm3, v57, v31;
	v19, v23, _ =	vpop (xrf1);
	(xrf1) =	vsort.dscd.msk.f32 $0xffff, v14, v12  }
0x118: {  	v15 =	vperm.xlane v15, v5;
	v12, v14, _ =	vpop (xrf1);
	(xrf1) =	vsort.dscd.msk.f32 $0xffff, v16, v0;
	v23 =	vperm.xlane v23, v5  }
0x119: {  	v18 =	vperm.xlane v18, v5;
	v19 =	vperm.xlane v19, v5;
	v62, v63, _ =	vpop (xrf1);
	(xrf1) =	vsort.dscd.msk.f32 $0xffff, v24, v61  }
0x11a: {  	v16 =	vperm.xlane v28, v5;
	vm3 =	vge.f32 v62, v15;
	(xrf1) =	vsort.dscd.msk.f32 $0xffff, v58, v3  }
0x11b: {  	v18 =	vsel vm3, v63, v18;
	v15 =	vsel vm3, v62, v15;
	vm3 =	vge.f32 v60, v19  }
0x11c: {  	v12 =	vperm.xlane v12, v5;
	v24, v26, _ =	vpop (xrf1);
	(xrf1) =	vsort.dscd.msk.f32 $0xffff, v15, v18;
	v18 =	vsel vm3, v59, v23  }
0x11d: {  	v14 =	vperm.xlane v14, v5;
	v10 =	vsel vm2, v10, v16;
	v15 =	vsel vm3, v60, v19;
	v19, v23, _ =	vpop (xrf1)  }
0x11e: {  	v16, v20, _ =	vpop (xrf1);
	(xrf1) =	vsort.dscd.msk.f32 $0xffff, v15, v18;
	v15 =	vperm.xlane v22, v5;
	vm2 =	vge.f32 v19, v12  }
0x11f: {  	v17 =	vsel vm1, v21, v17;
	v25 =	vperm.xlane v55, v5;
	v18, v22, _ =	vpop (xrf1);
	v14 =	vsel vm2, v23, v14  }
0x120: {  	(xrf1) =	vsort.dscd.msk.f32 $0xffff, v11, v10;
	v12 =	vsel vm2, v19, v12;
	v10, v19, _ =	vpop (xrf1);
	vm1 =	vge.f32 v16, v15  }
0x121: {  	v21 =	vperm.xlane v10, v5;
	v15 =	vsel vm1, v16, v15;
	v16 =	vsel vm1, v20, v25  }
0x122: {  	v19 =	vperm.xlane v19, v5;
	v11, v10, _ =	vpop (xrf1)  }
0x123: {  	v9 =	vsel vm0, v8, v9;
	(xrf1) =	vsort.dscd.msk.f32 $0xffff, v12, v14;
	v12, v14, _ =	vpop (xrf1);
	vm1 =	vge.f32 v18, v21  }
0x124: {  	(xrf1) =	vsort.dscd.msk.f32 $0xffff, v17, v13;
	v13, v17, _ =	vpop (xrf1);
	v8 =	vsel vm1, v18, v21;
	v18 =	vsel vm1, v22, v19  }
0x125: {  	(xrf1) =	vsort.dscd.msk.f32 $0xffff, v15, v16;
	v15, v16, _ =	vpop (xrf1)  }
0x126: {  	v14 =	vperm.xlane v14, v5;
	v19, v20, _ =	vpop (xrf1)  }
0x127: {  	v12 =	vperm.xlane v12, v5;
	v13 =	vperm.xlane v13, v5;
	(xrf1) =	vsort.dscd.msk.f32 $0xffff, v8, v18;
	v18, v21, _ =	vpop (xrf1)  }
0x128: {  	v15 =	vperm.xlane v15, v5;
	v16 =	vperm.xlane v16, v5;
	(xrf1) =	vsort.dscd.msk.f32 $0xffff, v7, v9;
	v7, v9, _ =	vpop (xrf1)  }
0x129: {  	v8 =	vperm.xlane v20, v5;
	vm0 =	vge.f32 v18, v12;
	vm1 =	vge.f32 v7, v13;
	v20, v22, _ =	vpop (xrf1)  }
0x12a: {  	v18 =	vsel vm0, v18, v12;
	v14 =	vsel vm0, v21, v14;
	vm0 =	vge.f32 v20, v15  }
0x12b: {  	v7 =	vsel vm1, v7, v13;
	v13 =	vsel vm0, v22, v16  }
0x12c: {  	v17 =	vperm.xlane v17, v5  }
0x12d: {  	v12 =	vsel vm0, v20, v15;
	v15, v20, _ =	vpop (xrf1)  }
0x12e: {  	v9 =	vsel vm1, v9, v17;
	v17 =	vperm.xlane v15, v5;
	(xrf1) =	vsort.dscd.msk.f32 $0xffff, v12, v13  }
0x12f: {  	v16 =	vperm.xlane v26, v5;
	v12 =	vperm.xlane v24, v5;
	(xrf1) =	vsort.dscd.msk.f32 $0xffff, v18, v14;
	v15, v13, _ =	vpop (xrf1)  }
0x130: {  	s17 =	simm.s32 $0x8838;
	s18 =	simm.s32 $0x800;
	s16 =	simm.s32 $0x8838;
	v20 =	vperm.xlane v20, v5;
	v14 =	vperm.xlane v19, v5;
	vm0 =	vge.f32 v11, v17;
	v18, v19, _ =	vpop (xrf1)  }
.LBB2_4:
0x131: {  	p0 =	sne.s32 s18, $0xF800;
	vm1 =	vge.f32 v18, v12;
	v15 =	vperm.xlane v15, v5;
	v24 =	vperm.xlane v13, v5;
	s17 =	sadd.s32 $0x40, s17;
	s15 =	sadd.s32 $0x200, s15;
	v21, v22, _ =	vpop (xrf1)  }
0x132: {  	v25 =	vsel vm0, v11, v17;
	s20 =	smov.u32 s18;
	s18 =	sadd.s32 $0x800, s18;
	v23 =	vsel vm0, v10, v20;
	vm0 =	vge.f32 v21, v14;
	v17, v20, _ =	vpop (xrf1)  }
0x133: {  	v16 =	vsel vm1, v19, v16;
	v14 =	vsel vm0, v21, v14;
	(xrf1) =	vsort.dscd.msk.f32 $0xffff, v25, v23;
	v10, v11, _ =	vpop (xrf1)  }
0x134: {  	v12 =	vsel vm1, v18, v12;
	v18 =	vperm.xlane v20, v5;
	vm1 =	vge.f32 v10, v15  }
0x135: {  	v10 =	vsel vm1, v10, v15;
	v11 =	vsel vm1, v11, v24;
	_, v13, _ =	vpop (xrf1);
	(xrf1) =	vsort.dscd.msk.f32 $0xffff, v12, v16  }
0x136: {  	v8 =	vsel vm0, v22, v8;
	v12 =	vperm.xlane v17, v5;
	[tilespmem:s16+$0xFFFFFFC8] =	vst.msk $0xff, v13  }
0x137: {  	(xrf1) =	vsort.dscd.msk.f32 $0xffff, v7, v9;
	v7, v9, _ =	vpop (xrf1)  }
0x138: {  	vm0 =	vge.f32 v7, v12  }
0x139: {  	v7 =	vsel vm0, v7, v12;
	v9 =	vsel vm0, v9, v18  }
0x13a: {  	[tilespmem:v13+s10+$0x0] =	vst.idx.add.f32.msk $0x1, v6;
	(xrf1) =	vsort.dscd.msk.f32 $0xffff, v7, v9  }
0x13b: {  	(xrf1) =	vsort.dscd.msk.f32 $0xffff, v14, v8  }
0x13c: {  	v7, v8, _ =	vpop (xrf1)  }
0x13d: {  	v7 =	vperm.xlane v7, v5;
	(xrf1) =	vsort.dscd.msk.f32 $0xffff, v10, v11;
	v9, v10, _ =	vpop (xrf1)  }
0x13e: {  	s23 =	sadd.s32 $0xFFFFFE80, s15;
	v8 =	vperm.xlane v8, v5  }
0x13f: {  	s19 =	sor.u32 $0x60, s23;
	vm0 =	vge.f32 v9, v7  }
0x140: {  	s21 =	sor.u32 $0x70, s23;
	v11 =	vsel vm0, v9, v7;
	v8 =	vsel vm0, v10, v8  }
0x141: {  	_, v9, _ =	vpop (xrf1);
	(xrf1) =	vsort.dscd.msk.f32 $0xffff, v11, v8  }
0x142: {  	[tilespmem:s16+$0xFFFFFFD0] =	vst.msk $0xff, v9  }
0x143: {  	_, v7, _ =	vpop (xrf1);
	_ =	sdelay $0x1  }
0x144: {  	_, v8, _ =	vpop (xrf1)  }
0x145: {  	[tilespmem:v9+s10+$0x0] =	vst.idx.add.f32.msk $0x1, v6  }
0x146: {  	[tilespmem:s16+$0xFFFFFFD8] =	vst.msk $0xff, v7  }
0x147: {  	[tilespmem:v7+s10+$0x0] =	vst.idx.add.f32.msk $0x1, v6;
	_, v7, _ =	vpop (xrf1)  }
0x148: {  	[tilespmem:s16+$0xFFFFFFE0] =	vst.msk $0xff, v8;
	_, v9, _ =	vpop (xrf1)  }
0x149: {  	[tilespmem:v8+s10+$0x0] =	vst.idx.add.f32.msk $0x1, v6  }
0x14a: {  	[tilespmem:s16+$0xFFFFFFE8] =	vst.msk $0xff, v7;
	_, v8, _ =	vpop (xrf1)  }
0x14b: {  	s24 =	sadd.s32 $0xFFFFFF00, s15  }
0x14c: {  	s25 =	sor.u32 $0x50, s24;
	s22 =	sor.u32 $0x60, s24;
	s24 =	sor.u32 $0x70, s24;
	[tilespmem:v7+s10+$0x0] =	vst.idx.add.f32.msk $0x1, v6  }
0x14d: {  	s23 =	sor.u32 $0x50, s23;
	[tilespmem:s16+$0xFFFFFFF0] =	vst.msk $0xff, v9  }
0x14e: {  	s20 =	sshra.s32 s20, $0x2;
	[tilespmem:v9+s10+$0x0] =	vst.idx.add.f32.msk $0x1, v6;
	_, v7, _ =	vpop (xrf1)  }
0x14f: {  	[tilespmem:s16+$0xFFFFFFF8] =	vst.msk $0xff, v8  }
0x150: {  	[tilespmem:v8+s10+$0x0] =	vst.idx.add.f32.msk $0x1, v6  }
0x151: {  	[tilespmem:s16+$0x0] =	vst.msk $0xff, v7;
	s16 =	smov.u32 s17;
	_ =	sdelay $0x1  }
0x152: {  	[tilespmem:v7+s10+$0x0] =	vst.idx.add.f32.msk $0x1, v6  }
0x153: {  	v7 =	vld [tilespmem:s20+$0x4130]  }
0x154: {  	v8 =	vld [tilespmem:s20+$0x4010]  }
0x155: {  	v14 =	vld [tilespmem:s20+$0x40C0]  }
0x156: {  	v9 =	vld [tilespmem:s20+$0x4110]  }
0x157: {  	v10 =	vld [tilespmem:s20+$0x4080]  }
0x158: {  	v11 =	vld [tilespmem:s25+$0x0]  }
0x159: {  	v12 =	vld [tilespmem:s20+$0x4040]  }
0x15a: {  	v13 =	vld [tilespmem:s20+$0x4100]  }
0x15b: {  	v15 =	vld [tilespmem:s20+$0x4120];
	(xrf1) =	vsort.dscd.msk.f32 $0xffff, v8, v2  }
0x15c: {  	v8 =	vld [tilespmem:s20+$0x40B0];
	(xrf1) =	vsort.dscd.msk.f32 $0xffff, v10, v0  }
0x15d: {  	v10 =	vld [tilespmem:s20+$0x4030];
	(xrf1) =	vsort.dscd.msk.f32 $0xffff, v9, v2  }
0x15e: {  	v9 =	vld [tilespmem:s20+$0x4090];
	(xrf1) =	vsort.dscd.msk.f32 $0xffff, v7, v4  }
0x15f: {  	v7 =	vld [tilespmem:s20+$0x4000];
	(xrf1) =	vsort.dscd.msk.f32 $0xffff, v13, v0  }
0x160: {  	v13 =	vld [tilespmem:s20+$0x4020];
	(xrf1) =	vsort.dscd.msk.f32 $0xffff, v15, v3  }
0x161: {  	v15 =	vld [tilespmem:s20+$0x40A0];
	(xrf1) =	vsort.dscd.msk.f32 $0xffff, v8, v4  }
0x162: {  	v8 =	vld [tilespmem:s23+$0x0];
	(xrf1) =	vsort.dscd.msk.f32 $0xffff, v10, v4  }
0x163: {  	s23 =	sadd.s32 $0xFFFFFF80, s15;
	v10 =	vld [tilespmem:s24+$0x0];
	(xrf1) =	vsort.dscd.msk.f32 $0xffff, v9, v2  }
0x164: {  	v9 =	vld [tilespmem:s22+$0x0];
	s22 =	sor.u32 $0x60, s23;
	(xrf1) =	vsort.dscd.msk.f32 $0xffff, v7, v0  }
0x165: {  	v7 =	vld [tilespmem:s22+$0x0];
	s22 =	sor.u32 $0x70, s23;
	(xrf1) =	vsort.dscd.msk.f32 $0xffff, v13, v3  }
0x166: {  	v13 =	vld [tilespmem:s22+$0x0];
	(xrf1) =	vsort.dscd.msk.f32 $0xffff, v15, v3  }
0x167: {  	v15 =	vld [tilespmem:s20+$0x41A0];
	(xrf1) =	vsort.dscd.msk.f32 $0xffff, v8, v2  }
0x168: {  	v16 =	vld [tilespmem:s20+$0x41B0];
	(xrf1) =	vsort.dscd.msk.f32 $0xffff, v10, v4  }
0x169: {  	v17 =	vld [tilespmem:s20+$0x4190];
	v18, v19, _ =	vpop (xrf1);
	(xrf1) =	vsort.dscd.msk.f32 $0xffff, v11, v2  }
0x16a: {  	v20 =	vld [tilespmem:s20+$0x4140];
	v11, v10, _ =	vpop (xrf1);
	(xrf1) =	vsort.dscd.msk.f32 $0xffff, v7, v3  }
0x16b: {  	(xrf1) =	vsort.dscd.msk.f32 $0xffff, v9, v3;
	v7, v8, _ =	vpop (xrf1)  }
0x16c: {  	v21 =	vld [tilespmem:s21+$0x0];
	v7 =	vperm.xlane v7, v5;
	s21 =	sor.u32 $0x50, s23;
	v22, v23, _ =	vpop (xrf1);
	(xrf1) =	vsort.dscd.msk.f32 $0xffff, v13, v4  }
0x16d: {  	v8 =	vperm.xlane v8, v5;
	v24 =	vld [tilespmem:s21+$0x0];
	(xrf1) =	vsort.dscd.msk.f32 $0xffff, v12, v0;
	v25, v9, _ =	vpop (xrf1)  }
0x16e: {  	v12 =	vperm.xlane v22, v5;
	vm0 =	vge.f32 v25, v7;
	v22 =	vld [tilespmem:s20+$0x4180];
	v13, v26, _ =	vpop (xrf1);
	(xrf1) =	vsort.dscd.msk.f32 $0xffff, v17, v2  }
0x16f: {  	v23 =	vperm.xlane v23, v5;
	v17 =	vld [tilespmem:s19+$0x0];
	v7 =	vsel vm0, v25, v7;
	v25, v27, _ =	vpop (xrf1);
	(xrf1) =	vsort.dscd.msk.f32 $0xffff, v14, v0  }
0x170: {  	vm1 =	vge.f32 v13, v12;
	v14 =	vperm.xlane v27, v5;
	v27, v28, _ =	vpop (xrf1);
	(xrf1) =	vsort.dscd.msk.f32 $0xffff, v15, v3  }
0x171: {  	v15 =	vperm.xlane v18, v5;
	v18 =	vperm.xlane v28, v5;
	(xrf1) =	vsort.dscd.msk.f32 $0xffff, v21, v4;
	v21, v28, _ =	vpop (xrf1)  }
0x172: {  	v19 =	vperm.xlane v19, v5;
	v21 =	vperm.xlane v21, v5;
	v29, v30, _ =	vpop (xrf1);
	(xrf1) =	vsort.dscd.msk.f32 $0xffff, v16, v4  }
0x173: {  	v35 =	vperm.xlane v25, v5;
	vm2 =	vge.f32 v29, v15;
	v25 =	vld [tilespmem:s20+$0x41C0];
	v31, v32, _ =	vpop (xrf1);
	(xrf1) =	vsort.dscd.msk.f32 $0xffff, v24, v2  }
0x174: {  	v23 =	vsel vm1, v26, v23;
	v15 =	vsel vm2, v29, v15;
	v19 =	vsel vm2, v30, v19;
	v24, v26, _ =	vpop (xrf1)  }
0x175: {  	s19 =	sor.u32 $0x50, s15;
	vm2 =	vge.f32 v11, v21;
	vm3 =	vge.f32 v24, v35;
	v29, v30, _ =	vpop (xrf1);
	(xrf1) =	vsort.dscd.msk.f32 $0xffff, v17, v3  }
0x176: {  	v17 =	vperm.xlane v27, v5;
	v36 =	vsel vm3, v24, v35;
	v33 =	vsel vm3, v26, v14;
	v24 =	vld [tilespmem:s19+$0x0];
	v26, v27, _ =	vpop (xrf1)  }
0x177: {  	v28 =	vperm.xlane v28, v5;
	v30 =	vperm.xlane v30, v5;
	s19 =	sor.u32 $0x70, s15;
	(xrf1) =	vsort.dscd.msk.f32 $0xffff, v36, v33;
	v14, v16, _ =	vpop (xrf1)  }
0x178: {  	vm3 =	vge.f32 v31, v17;
	v26 =	vperm.xlane v26, v5;
	v16 =	vperm.xlane v16, v5;
	v33 =	vld [tilespmem:s19+$0x0];
	v34, v35, _ =	vpop (xrf1)  }
0x179: {  	v17 =	vsel vm3, v31, v17;
	v18 =	vsel vm3, v32, v18;
	v14 =	vperm.xlane v14, v5;
	v31, v32, _ =	vpop (xrf1)  }
0x17a: {  	v29 =	vperm.xlane v29, v5;
	v27 =	vperm.xlane v27, v5;
	(xrf1) =	vsort.dscd.msk.f32 $0xffff, v20, v0;
	v20, v36, _ =	vpop (xrf1)  }
0x17b: {  	s19 =	sor.u32 $0x60, s15;
	vm3 =	vge.f32 v31, v26;
	v20 =	vperm.xlane v20, v5;
	v37, v38, _ =	vpop (xrf1);
	(xrf1) =	vsort.dscd.msk.f32 $0xffff, v22, v0  }
0x17c: {  	v22 =	vsel vm3, v31, v26;
	v26 =	vperm.xlane v36, v5;
	v31 =	vld [tilespmem:s19+$0x0];
	(xrf1) =	vsort.dscd.msk.f32 $0xffff, v15, v19;
	v15, v19, _ =	vpop (xrf1)  }
0x17d: {  	v27 =	vsel vm3, v32, v27;
	vm4 =	vge.f32 v37, v29;
	(xrf1) =	vsort.dscd.msk.f32 $0xffff, v17, v18;
	v17, v18, _ =	vpop (xrf1)  }
0x17e: {  	v29 =	vsel vm4, v37, v29;
	v37 =	vsel vm4, v38, v30;
	vm3 =	vge.f32 v34, v20;
	v32, v36, _ =	vpop (xrf1)  }
0x17f: {  	v20 =	vsel vm3, v34, v20;
	v26 =	vsel vm3, v35, v26;
	v34, v35, _ =	vpop (xrf1);
	(xrf1) =	vsort.dscd.msk.f32 $0xffff, v29, v37  }
0x180: {  	vm3 =	vge.f32 v17, v14;
	v29 =	vperm.xlane v35, v5;
	v30, v35, _ =	vpop (xrf1);
	(xrf1) =	vsort.dscd.msk.f32 $0xffff, v24, v2  }
0x181: {  	v24 =	vperm.xlane v34, v5;
	v34 =	vperm.xlane v35, v5;
	(xrf1) =	vsort.dscd.msk.f32 $0xffff, v22, v27;
	v22, v27, _ =	vpop (xrf1)  }
0x182: {  	v30 =	vperm.xlane v30, v5;
	v27 =	vperm.xlane v27, v5;
	(xrf1) =	vsort.dscd.msk.f32 $0xffff, v33, v4  }
0x183: {  	v14 =	vsel vm3, v17, v14;
	v16 =	vsel vm3, v18, v16;
	v17, v18, _ =	vpop (xrf1);
	(xrf1) =	vsort.dscd.msk.f32 $0xffff, v20, v26  }
0x184: {  	vm4 =	vge.f32 v32, v30;
	vm3 =	vge.f32 v17, v24;
	(xrf1) =	vsort.dscd.msk.f32 $0xffff, v25, v0  }
0x185: {  	v15 =	vperm.xlane v15, v5;
	v20 =	vperm.xlane v22, v5;
	v22, v25, _ =	vpop (xrf1);
	(xrf1) =	vsort.dscd.msk.f32 $0xffff, v14, v16  }
0x186: {  	v29 =	vsel vm3, v18, v29;
	v16 =	vsel vm4, v32, v30;
	(xrf1) =	vsort.dscd.msk.f32 $0xffff, v31, v3  }
0x187: {  	v26 =	vsel vm4, v36, v34;
	v24 =	vsel vm3, v17, v24;
	v18 =	vperm.xlane v19, v5  }
0x188: {  	v11 =	vsel vm2, v11, v21;
	v10 =	vsel vm2, v10, v28;
	(xrf1) =	vsort.dscd.msk.f32 $0xffff, v24, v29;
	v14, v17, _ =	vpop (xrf1)  }
0x189: {  	v12 =	vsel vm1, v13, v12;
	vm1 =	vge.f32 v14, v20;
	v13, v21, _ =	vpop (xrf1);
	(xrf1) =	vsort.dscd.msk.f32 $0xffff, v16, v26  }
0x18a: {  	v14 =	vsel vm1, v14, v20;
	v16 =	vsel vm1, v17, v27;
	vm1 =	vge.f32 v13, v15;
	v17, v19, _ =	vpop (xrf1)  }
0x18b: {  	v24 =	vsel vm1, v13, v15;
	v15 =	vsel vm1, v21, v18;
	v18, v20, _ =	vpop (xrf1);
	(xrf1) =	vsort.dscd.msk.f32 $0xffff, v11, v10  }
0x18c: {  	v9 =	vsel vm0, v9, v8;
	v18 =	vperm.xlane v18, v5;
	(xrf1) =	vsort.dscd.msk.f32 $0xffff, v14, v16  }
0x18d: {  	v21 =	vperm.xlane v20, v5;
	v11, v10, _ =	vpop (xrf1);
	(xrf1) =	vsort.dscd.msk.f32 $0xffff, v12, v23  }
0x18e: {  	vm0 =	vge.f32 v17, v18;
	(xrf1) =	vsort.dscd.msk.f32 $0xffff, v24, v15;
	v12, v13, _ =	vpop (xrf1)  }
0x18f: {  	v17 =	vsel vm0, v17, v18;
	v20 =	vsel vm0, v19, v21;
	v15, v16, _ =	vpop (xrf1);
	v26 =	vperm.xlane v13, v5  }
0x190: {  	v24 =	vperm.xlane v12, v5;
	v15 =	vperm.xlane v15, v5;
	(xrf1) =	vsort.dscd.msk.f32 $0xffff, v17, v20;
	v19, v14, _ =	vpop (xrf1)  }
0x191: {  	v16 =	vperm.xlane v16, v5;
	v17 =	vperm.xlane v19, v5;
	v18, v8, _ =	vpop (xrf1)  }
0x192: {  	v14 =	vperm.xlane v14, v5;
	v8 =	vperm.xlane v8, v5;
	(xrf1) =	vsort.dscd.msk.f32 $0xffff, v7, v9;
	v7, v9, _ =	vpop (xrf1)  }
0x193: {  	vm0 =	vge.f32 v7, v24;
	v19, v20, _ =	vpop (xrf1)  }
0x194: {  	vm1 =	vge.f32 v19, v15;
	v21 =	vsel vm0, v7, v24;
	v23 =	vsel vm0, v9, v26;
	v12, v13, _ =	vpop (xrf1)  }
.Ltmp1:
0x195: {  	v7 =	vsel vm1, v19, v15;
	v9 =	vsel vm1, v20, v16;
	vm0 =	vge.f32 v12, v17;
	(pc) =	sbr.rel @p0 .LBB2_4-.Ltmp1, $4  }
0x196: {  	v12 =	vsel vm0, v12, v17;
	v14 =	vsel vm0, v13, v14;
	v16, v19, _ =	vpop (xrf1)  }
0x197: {  	v17 =	vperm.xlane v16, v5;
	v15, v13, _ =	vpop (xrf1);
	(xrf1) =	vsort.dscd.msk.f32 $0xffff, v12, v14  }
0x198: {  	v12 =	vperm.xlane v22, v5;
	v16 =	vperm.xlane v25, v5;
	(xrf1) =	vsort.dscd.msk.f32 $0xffff, v21, v23  }
0x199: {  	v20 =	vperm.xlane v19, v5;
	v14 =	vperm.xlane v18, v5;
	vm0 =	vge.f32 v11, v17;
	v18, v19, _ =	vpop (xrf1)  }
0x19a: {  	_ =	sdelay $0x3  }
0x19b: {  	v21, v22, _ =	vpop (xrf1);
	v11 =	vsel vm0, v11, v17;
	v10 =	vsel vm0, v10, v20  }
0x19c: {  	vm11 =	vge.f32 v18, v12;
	v45, v46, _ =	vpop (xrf1);
	(xrf1) =	vsort.dscd.msk.f32 $0xffff, v11, v10  }
0x19d: {  	v47 =	vsel vm11, v19, v16;
	v12 =	vsel vm11, v18, v12;
	v48, v49, _ =	vpop (xrf1)  }
0x19e: {  	v51 =	vperm.xlane v45, v5;
	(xrf1) =	vsort.dscd.msk.f32 $0xffff, v12, v47;
	_, v50, _ =	vpop (xrf1)  }
0x19f: {  	v56 =	vperm.xlane v15, v5;
	v52 =	vperm.xlane v46, v5;
	v54, v53, _ =	vpop (xrf1)  }
0x1a0: {  	vm13 =	vge.f32 v21, v14;
	(xrf1) =	vsort.dscd.msk.f32 $0xffff, v7, v9;
	vm12 =	vge.f32 v54, v51  }
0x1a1: {  	v57 =	vsel vm13, v21, v14;
	v7 =	vsel vm12, v54, v51;
	v55 =	vsel vm12, v53, v52  }
0x1a2: {  	v8 =	vsel vm13, v22, v8;
	vm14 =	vge.f32 v48, v56;
	(xrf1) =	vsort.dscd.msk.f32 $0xffff, v7, v55;
	v58, v59, _ =	vpop (xrf1)  }
0x1a3: {  	v7 =	vperm.xlane v13, v5;
	(xrf1) =	vsort.dscd.msk.f32 $0xffff, v57, v8;
	v8 =	vperm.xlane v58, v5  }
0x1a4: {  	v60 =	vsel vm14, v48, v56;
	v10, v11, _ =	vpop (xrf1)  }
0x1a5: {  	v7 =	vsel vm14, v49, v7;
	v61 =	vperm.xlane v59, v5;
	vm15 =	vge.f32 v10, v8  }
0x1a6: {  	(xrf1) =	vsort.dscd.msk.f32 $0xffff, v60, v7;
	v7 =	vsel vm15, v10, v8  }
0x1a7: {  	v8 =	vsel vm15, v11, v61  }
0x1a8: {  	(xrf1) =	vsort.dscd.msk.f32 $0xffff, v7, v8;
	_ =	sdelay $0x1  }
0x1a9: {  	_, v7, _ =	vpop (xrf1)  }
0x1aa: {  	[tilespmem:s16+$0xFFFFFFC8] =	vst.msk $0xff, v50  }
0x1ab: {  	[tilespmem:v50+s10+$0x0] =	vst.idx.add.f32.msk $0x1, v6;
	_, v8, _ =	vpop (xrf1)  }
0x1ac: {  	[tilespmem:s16+$0xFFFFFFD0] =	vst.msk $0xff, v7  }
0x1ad: {  	_, v62, _ =	vpop (xrf1);
	[tilespmem:v7+s10+$0x0] =	vst.idx.add.f32.msk $0x1, v6  }
0x1ae: {  	[tilespmem:s16+$0xFFFFFFD8] =	vst.msk $0xff, v8  }
0x1af: {  	_, v7, _ =	vpop (xrf1);
	[tilespmem:v8+s10+$0x0] =	vst.idx.add.f32.msk $0x1, v6  }
0x1b0: {  	[tilespmem:s16+$0xFFFFFFE0] =	vst.msk $0xff, v62  }
0x1b1: {  	_, v8, _ =	vpop (xrf1);
	[tilespmem:v62+s10+$0x0] =	vst.idx.add.f32.msk $0x1, v6  }
0x1b2: {  	[tilespmem:s16+$0xFFFFFFE8] =	vst.msk $0xff, v7  }
0x1b3: {  	_, v63, _ =	vpop (xrf1);
	[tilespmem:v7+s10+$0x0] =	vst.idx.add.f32.msk $0x1, v6  }
0x1b4: {  	[tilespmem:s16+$0xFFFFFFF0] =	vst.msk $0xff, v8  }
0x1b5: {  	_, v7, _ =	vpop (xrf1);
	[tilespmem:v8+s10+$0x0] =	vst.idx.add.f32.msk $0x1, v6  }
0x1b6: {  	[tilespmem:s16+$0xFFFFFFF8] =	vst.msk $0xff, v63  }
0x1b7: {  	[tilespmem:v63+s10+$0x0] =	vst.idx.add.f32.msk $0x1, v6  }
0x1b8: {  	[tilespmem:s16+$0x0] =	vst.msk $0xff, v7  }
0x1b9: {  	[tilespmem:v7+s10+$0x0] =	vst.idx.add.f32.msk $0x1, v6  }
0x1ba: {  	[hbm4b:s5+s2] =	stream.linear.scatter [tilespmem:s12], [sflag:$0x3], $0x1000, $0x38;
	[tilespmem:$0x9100] =	vst v63  }
0x1bb: {  	s14 =	sadd.s32 $0x1, s14;
	_ =	swait.ge [sflag:s13], $0x1000  }
0x1bc: {  	p0 =	sne.s32 s14, s7;
	[sflag:s13] =	ssyncset.done $0x0  }
.Ltmp2:
0x1bd: {  	[sflag:s13] =	ssyncadd.s32 $0xFFFFF000;
	(pc) =	sbr.rel @p0 .LBB2_1-.Ltmp2, $4  }
0x1be: {  	[hbm4b:s6+s2] =	stream.linear.scatter [tilespmem:s10], [sflag:$0x3], $0x80, $0x38;
	[tilespmem:$0x9100] =	vst v63  }
0x1bf: {  	_ =	swait.ge [sflag:s13], $0x80  }
0x1c0: {  	[sflag:s13] =	ssyncset.done $0x0  }
0x1c1: {  	[sflag:s13] =	ssyncadd.s32 $0xFFFFFF80  }
0x1c2: {  	_ =	sfence.sel $0x180000  }
0x1c3: {  	[bflag:$0x0] =	sbarrier.arrive $0xFFFF  }
0x1c4: {  	p0 =	sne.s32 s1, $0x0;
	_ =	strace $0x90000047  }
0x1c5: {  	s0 =	sadd.s32 @!p0 $0x100000, s0;
	[bflag:$0x2] =	sbarrier.arrive $0xFFFF  }
0x1c6: {  	[sflag:s0] =	ssyncadd.tile.s32 @!p0 $0x1;
	_ =	shalt  }
.Lfunc_end2:
_tile_overlayer_lowered:
.L_overlay_start_2:
0x1c7: {  	(tag) =	ssettag $0x2  }
0x1c8: {  	s0 =	rddreg [dreg:$0x0];
	s2 =	stileid.u32  }
0x1c9: {  	s1 =	rddreg [dreg:$0x1];
	p0 =	sne.s32 s2, $0x0  }
0x1ca: {  	s3 =	rddreg [dreg:$0x2];
	[bflag:$0x3] =	sbarrier.arrive $0xFFFF;
	s2 =	simm.s32 @!p0 $0x1C03  }
0x1cb: {  	[timem:s3], [sflag:s2] =	dma.local @!p0 [hbm:s0], s1  }
0x1cc: {  	s0 =	simm.s32 @!p0 $0x3  }
0x1cd: {  	_ =	swait.ge @!p0 [sflag:s0], s1  }
0x1ce: {  	s1 =	ssub.s32 @!p0 $0x0, s1;
	[sflag:s0] =	ssyncset.done @!p0 $0x0  }
0x1cf: {  	[sflag:s0] =	ssyncadd.s32 @!p0 s1  }
0x1d0: {  	[bflag:$0x3] =	sbarrier.arrive $0xFFFF  }
0x1d1: {  	_ =	shalt  }

</sc_bundles>
